<compile_context>
chip_gen: v7x
topology: tpu7x:2x2x1
jax: 0.10.2.dev20260603
libtpu: 0.0.44.dev20260713+nightly
codegen_flags: <defaults>
</compile_context>

<pallas_src>
import functools

import jax
import jax.numpy as jnp
from jax import lax
from jax.experimental import pallas as pl
from jax.experimental.pallas import tpu as pltpu
from jax.experimental.pallas import tpu_sc as plsc

N = 10000
E = 320000
D_IN = 128
D_HID = 256
D_OUT = 128

NC = 2
NS = 16
L = 16
HW = D_IN // NC

DEPTH = 4
BB = 128
NBC = 160
E_PAD = NS * NBC * BB
N_PAD = 10240
RPT = N_PAD // NS


def _make_seg_sum(with_deg, dtype):
    mesh = plsc.VectorSubcoreMesh(core_axis_name="c", subcore_axis_name="s")
    vl = L * 4 // jnp.dtype(dtype).itemsize
    out_type = [jax.ShapeDtypeStruct((N_PAD, NC, HW), dtype)]
    if with_deg:
        out_type.append(jax.ShapeDtypeStruct((N_PAD,), jnp.float32))
    scratch = (
        [
            pltpu.VMEM((NBC, BB), jnp.int32),
            pltpu.VMEM((NBC, BB), jnp.int32),
        ]
        + [pltpu.VMEM((BB, HW), dtype) for _ in range(DEPTH)]
        + [
            pltpu.VMEM((BB,), jnp.float32),
            pltpu.VMEM((HW,), jnp.float32),
            pltpu.VMEM_SHARED((N_PAD, HW), dtype),
            pltpu.VMEM_SHARED((N_PAD,), jnp.float32),
        ]
        + [pltpu.SemaphoreType.DMA for _ in range(2 * DEPTH + 1)]
    )

    def body(tables, srcs, dsts, *rest):
        if with_deg:
            acc_out, deg_out = rest[0], rest[1]
            rest = rest[2:]
        else:
            acc_out = rest[0]
            rest = rest[1:]
        src_v, dst_v = rest[0], rest[1]
        bufs = list(rest[2:2 + DEPTH])
        ones_v, zvec, acc_sh, deg_sh = rest[2 + DEPTH:6 + DEPTH]
        gsems = list(rest[6 + DEPTH:6 + 2 * DEPTH])
        ssems = list(rest[6 + 2 * DEPTH:6 + 3 * DEPTH])
        dsem = rest[6 + 3 * DEPTH]
        rows0 = bufs[0]
        cid = lax.axis_index("c")
        sid = lax.axis_index("s")
        base = sid * RPT
        on_core0 = cid == 0

        def zrow(r, carry):
            for c in range(HW // vl):
                rows0[r, pl.ds(c * vl, vl)] = jnp.zeros((vl,), dtype)
            return carry

        lax.fori_loop(0, BB, zrow, 0)
        for k in range(RPT // BB):
            pltpu.sync_copy(rows0, acc_sh.at[pl.ds(base + k * BB, BB)])
        if with_deg:
            @pl.when(on_core0)
            def _():
                for c in range(HW // L):
                    zvec[pl.ds(c * L, L)] = jnp.zeros((L,), jnp.float32)
                for k in range(RPT // HW):
                    pltpu.sync_copy(zvec,
                                    deg_sh.at[pl.ds(base + k * HW, HW)])
                for i in range(BB // L):
                    ones_v[pl.ds(i * L, L)] = jnp.ones((L,), jnp.float32)
        pltpu.sync_copy(srcs.at[sid], src_v)
        pltpu.sync_copy(dsts.at[sid], dst_v)
        plsc.subcore_barrier()

        def sidx(ref, j):
            return ref.at[j]

        for b in range(DEPTH):
            pltpu.async_copy(tables.at[cid].at[sidx(src_v, b)],
                             bufs[b], gsems[b])

        def group(g, carry):
            for b in range(DEPTH):
                j = DEPTH * g + b
                pltpu.make_async_copy(tables.at[cid].at[sidx(src_v, j)],
                                      bufs[b], gsems[b]).wait()
                pltpu.async_copy(bufs[b], acc_sh.at[sidx(dst_v, j)], ssems[b],
                                 add=True)
                if with_deg:
                    @pl.when(on_core0)
                    def _():
                        pltpu.async_copy(ones_v, deg_sh.at[sidx(dst_v, j)],
                                         dsem, add=True)
            for b in range(DEPTH):
                jn = DEPTH * (g + 1) + b

                @pl.when(jn < NBC)
                def _():
                    pltpu.make_async_copy(bufs[b], acc_sh.at[sidx(dst_v, 0)],
                                          ssems[b]).wait()
                    pltpu.async_copy(tables.at[cid].at[sidx(src_v, jn)],
                                     bufs[b], gsems[b])
            return carry

        lax.fori_loop(0, NBC // DEPTH, group, 0)
        for b in range(DEPTH):
            pltpu.make_async_copy(bufs[b], acc_sh.at[sidx(dst_v, 0)],
                                  ssems[b]).wait()
        if with_deg:
            @pl.when(on_core0)
            def _():
                def drain(i, carry):
                    pltpu.make_async_copy(ones_v, deg_sh.at[sidx(dst_v, 0)],
                                          dsem).wait()
                    return carry

                lax.fori_loop(0, NBC, drain, 0)
        plsc.subcore_barrier()

        pltpu.sync_copy(acc_sh.at[pl.ds(base, RPT)],
                        acc_out.at[pl.ds(base, RPT), cid])
        if with_deg:
            @pl.when(on_core0)
            def _():
                pltpu.sync_copy(deg_sh.at[pl.ds(base, RPT)],
                                deg_out.at[pl.ds(base, RPT)])

    return functools.partial(
        pl.kernel, mesh=mesh, out_type=out_type, scratch_types=scratch,
        compiler_params=pltpu.CompilerParams(use_tc_tiling_on_sc=False),
    )(body)


_AGG_DT = jnp.bfloat16
_seg_sum_deg = _make_seg_sum(True, _AGG_DT)
_seg_sum = _make_seg_sum(False, _AGG_DT)

BM = 2000


def _layer1_body(x_ref, a_ref, d_ref, ws_ref, wn_ref, b_ref, wn2_ref,
                 h_ref, g_ref):
    deg = jnp.maximum(d_ref[...], 1.0)
    hn = a_ref[...].astype(jnp.float32) / deg
    h = jnp.dot(x_ref[...], ws_ref[...], preferred_element_type=jnp.float32)
    h = h + jnp.dot(hn, wn_ref[...], preferred_element_type=jnp.float32)
    h = jnp.maximum(h + b_ref[...], 0.0)
    h_ref[...] = h
    g = jnp.dot(h, wn2_ref[...], preferred_element_type=jnp.float32)
    g_ref[0] = g[:, :HW].astype(_AGG_DT)
    g_ref[1] = g[:, HW:].astype(_AGG_DT)


def _layer2_body(h_ref, a_ref, d_ref, ws_ref, b_ref, out_ref):
    deg = jnp.maximum(d_ref[...], 1.0)
    hn = a_ref[...].astype(jnp.float32) / deg
    out = jnp.dot(h_ref[...], ws_ref[...], preferred_element_type=jnp.float32)
    out_ref[...] = out + hn + b_ref[...]


def _row_spec(w):
    return pl.BlockSpec((BM, w), lambda i: (i, 0))


def _full_spec(r, c):
    return pl.BlockSpec((r, c), lambda i: (0, 0))


def kernel(features, edge_index, W_self1, W_neigh1, b1, W_self2, W_neigh2, b2):
    src = edge_index[0].astype(jnp.int32)
    dst = edge_index[1].astype(jnp.int32)
    pad = E_PAD - E
    src_p = jnp.concatenate([src, jnp.zeros((pad,), jnp.int32)]).reshape(NS, NBC, BB)
    dst_p = jnp.concatenate([dst, jnp.full((pad,), N, jnp.int32)]).reshape(NS, NBC, BB)

    tab1 = jnp.stack([features[:, :HW], features[:, HW:]]).astype(_AGG_DT)
    acc1, degp = _seg_sum_deg(tab1, src_p, dst_p)
    a1 = acc1.reshape(N_PAD, D_IN)
    d = degp.reshape(N_PAD, 1)

    h, g = pl.pallas_call(
        _layer1_body,
        grid=(N // BM,),
        in_specs=[_row_spec(D_IN), _row_spec(D_IN), _row_spec(1),
                  _full_spec(D_IN, D_HID), _full_spec(D_IN, D_HID),
                  _full_spec(1, D_HID), _full_spec(D_HID, D_OUT)],
        out_specs=[_row_spec(D_HID),
                   pl.BlockSpec((NC, BM, HW), lambda i: (0, i, 0))],
        out_shape=[jax.ShapeDtypeStruct((N, D_HID), jnp.float32),
                   jax.ShapeDtypeStruct((NC, N, HW), _AGG_DT)],
    )(features, a1, d, W_self1, W_neigh1, b1.reshape(1, -1), W_neigh2)

    (acc2,) = _seg_sum(g, src_p, dst_p)
    a2 = acc2.reshape(N_PAD, D_OUT)

    out = pl.pallas_call(
        _layer2_body,
        grid=(N // BM,),
        in_specs=[_row_spec(D_HID), _row_spec(D_OUT), _row_spec(1),
                  _full_spec(D_HID, D_OUT), _full_spec(1, D_OUT)],
        out_specs=_row_spec(D_OUT),
        out_shape=jax.ShapeDtypeStruct((N, D_OUT), jnp.float32),
    )(h, a2, d, W_self2, b2.reshape(1, -1))

    return out

# --- scband reference (transcript-rebuilt; emitter-appended) ---
"""Pipeline reference for scband-graph-sagemodel-29901562315007 (READ-ONLY COPY).

The authoritative reference and input builder live on the scoring server;
editing this copy changes nothing except your own understanding.
"""

import jax, jax.numpy as jnp
import numpy as np

N = 10000
E = 320000
D_IN = 128
D_HID = 256
D_OUT = 128


def setup_inputs(seed: int = 0) -> dict:
    key = jax.random.key(seed)
    ks = jax.random.split(key, 8)
    features = jax.random.normal(ks[0], (N, D_IN), dtype=jnp.float32)
    edge_index = jax.random.randint(ks[1], (2, E), 0, N, dtype=jnp.int64)
    s1 = 1.0 / np.sqrt(D_IN)
    s2 = 1.0 / np.sqrt(D_HID)
    W_self1 = jax.random.normal(ks[2], (D_IN, D_HID), dtype=jnp.float32) * s1
    W_neigh1 = jax.random.normal(ks[3], (D_IN, D_HID), dtype=jnp.float32) * s1
    b1 = jnp.zeros((D_HID,), dtype=jnp.float32)
    W_self2 = jax.random.normal(ks[4], (D_HID, D_OUT), dtype=jnp.float32) * s2
    W_neigh2 = jax.random.normal(ks[5], (D_HID, D_OUT), dtype=jnp.float32) * s2
    b2 = jnp.zeros((D_OUT,), dtype=jnp.float32)
    return {
        "features": features,
        "edge_index": edge_index,
        "W_self1": W_self1,
        "W_neigh1": W_neigh1,
        "b1": b1,
        "W_self2": W_self2,
        "W_neigh2": W_neigh2,
        "b2": b2,
    }


def _sage_conv(x, src, dst, n_nodes, W_self, W_neigh, b):
    # DGL SAGEConv with 'mean' aggregator:
    #   h_neigh[v] = mean_{u in N_in(v)} x[u]
    #   out = fc_self(x) + fc_neigh(h_neigh) + bias
    msg = jnp.take(x, src, axis=0)
    agg = jax.ops.segment_sum(msg, dst, num_segments=n_nodes)
    deg = jax.ops.segment_sum(jnp.ones((src.shape[0],), dtype=x.dtype), dst, num_segments=n_nodes)
    h_neigh = agg / jnp.maximum(deg, 1.0)[:, None]
    return x @ W_self + h_neigh @ W_neigh + b


def reference(features, edge_index, W_self1, W_neigh1, b1, W_self2, W_neigh2, b2):
    src = edge_index[0]
    dst = edge_index[1]
    n_nodes = features.shape[0]
    h = _sage_conv(features, src, dst, n_nodes, W_self1, W_neigh1, b1)
    h = jax.nn.relu(h)
    out = _sage_conv(h, src, dst, n_nodes, W_self2, W_neigh2, b2)
    return out

if __name__ == "__main__":
    import jax
    _d = setup_inputs()
    print(jax.jit(kernel)(*tuple(_d.values())))

</pallas_src>

<mosaic_0001>
#map = affine_map<(d0, d1) -> (0, 0, 0)>
#map1 = affine_map<(d0, d1) -> (0)>
module attributes {stable_mosaic.version = 14 : i64} {
  func.func @body(%arg0: i32, %arg1: i32, %arg2: memref<2x10000x64xbf16, #tpu.memory_space<hbm>>, %arg3: memref<16x160x128xi32, #tpu.memory_space<hbm>>, %arg4: memref<16x160x128xi32, #tpu.memory_space<hbm>>, %arg5: memref<10240x2x64xbf16, #tpu.memory_space<hbm>>, %arg6: memref<10240xf32, #tpu.memory_space<hbm>>, %arg7: memref<160x128xi32, #tpu.memory_space<vmem>>, %arg8: memref<160x128xi32, #tpu.memory_space<vmem>>, %arg9: memref<128x64xbf16, #tpu.memory_space<vmem>>, %arg10: memref<128x64xbf16, #tpu.memory_space<vmem>>, %arg11: memref<128x64xbf16, #tpu.memory_space<vmem>>, %arg12: memref<128x64xbf16, #tpu.memory_space<vmem>>, %arg13: memref<128xf32, #tpu.memory_space<vmem>>, %arg14: memref<64xf32, #tpu.memory_space<vmem>>, %arg15: memref<10240x64xbf16, #tpu.memory_space<vmem_shared>>, %arg16: memref<10240xf32, #tpu.memory_space<vmem_shared>>, %arg17: memref<!tpu.dma_semaphore, #tpu.memory_space<semaphore_mem>>, %arg18: memref<!tpu.dma_semaphore, #tpu.memory_space<semaphore_mem>>, %arg19: memref<!tpu.dma_semaphore, #tpu.memory_space<semaphore_mem>>, %arg20: memref<!tpu.dma_semaphore, #tpu.memory_space<semaphore_mem>>, %arg21: memref<!tpu.dma_semaphore, #tpu.memory_space<semaphore_mem>>, %arg22: memref<!tpu.dma_semaphore, #tpu.memory_space<semaphore_mem>>, %arg23: memref<!tpu.dma_semaphore, #tpu.memory_space<semaphore_mem>>, %arg24: memref<!tpu.dma_semaphore, #tpu.memory_space<semaphore_mem>>, %arg25: memref<!tpu.dma_semaphore, #tpu.memory_space<semaphore_mem>>) attributes {dimension_semantics = [#tpu.dimension_semantics<core_parallel>, #tpu.dimension_semantics<subcore_parallel>], iteration_bounds = array<i64: 2, 16>, scalar_prefetch = 0 : i64, scratch_operands = 19 : i64, tpu.core_type = #tpu.core_type<sc_vector_subcore>, window_params = [{transform_indices = #map}, {transform_indices = #map}, {transform_indices = #map}, {transform_indices = #map}, {transform_indices = #map1}]} {
    %mul3A = arith.constant 640 : i32
    %mul3A_0 = arith.muli %arg1, %mul3A : i32
    %eq3A = arith.constant 0 : i32
    %eq3A_1 = arith.cmpi eq, %arg0, %eq3A : i32
    %scan3A = arith.constant 0 : i32
    %scan3A_2 = arith.constant 0 : i32
    %scan3A_3 = arith.constant 128 : i32
    %scan3A_4 = arith.addi %scan3A_2, %scan3A_3 : i32
    %scan3A_5 = arith.constant 1 : i32
    scf.for %scan3A_100 = %scan3A_2 to %scan3A_4 step %scan3A_5  : i32 {
      %broadcast_in_dim3A = arith.constant 0.000000e+00 : bf16
      %broadcast_in_dim3A_101 = vector.broadcast %broadcast_in_dim3A : bf16 to vector<32xbf16>
      %swap3A = arith.index_cast %scan3A_100 : i32 to index
      %swap3A_102 = arith.constant 0 : index
      %swap3A_103 = tpu.vector_load %arg9[%swap3A, %swap3A_102] {strides = array<i32>} : memref<128x64xbf16, #tpu.memory_space<vmem>>, vector<1x32xbf16>,
      %swap3A_104 = vector.shape_cast %swap3A_103 : vector<1x32xbf16> to vector<32xbf16>
      %swap3A_105 = vector.shape_cast %broadcast_in_dim3A_101 : vector<32xbf16> to vector<1x32xbf16>
      tpu.vector_store %arg9[%swap3A, %swap3A_102], %swap3A_105 {strides = array<i32>} : memref<128x64xbf16, #tpu.memory_space<vmem>>, vector<1x32xbf16>,
      %broadcast_in_dim3A_106 = arith.constant 0.000000e+00 : bf16
      %broadcast_in_dim3A_107 = vector.broadcast %broadcast_in_dim3A_106 : bf16 to vector<32xbf16>
      %swap3A_108 = arith.index_cast %scan3A_100 : i32 to index
      %swap3A_109 = arith.constant 32 : index
      %swap3A_110 = tpu.vector_load %arg9[%swap3A_108, %swap3A_109] {strides = array<i32>} : memref<128x64xbf16, #tpu.memory_space<vmem>>, vector<1x32xbf16>,
      %swap3A_111 = vector.shape_cast %swap3A_110 : vector<1x32xbf16> to vector<32xbf16>
      %swap3A_112 = vector.shape_cast %broadcast_in_dim3A_107 : vector<32xbf16> to vector<1x32xbf16>
      tpu.vector_store %arg9[%swap3A_108, %swap3A_109], %swap3A_112 {strides = array<i32>} : memref<128x64xbf16, #tpu.memory_space<vmem>>, vector<1x32xbf16>,
    }
    %scan3A_6 = arith.constant 128 : i32
    %add3A = arith.constant 0 : i32
    %add3A_7 = arith.addi %mul3A_0, %add3A : i32
    "tpu.region"() ({
      %run_scoped3A = tpu.sem_alloc : memref<!tpu.dma_semaphore, #tpu.memory_space<semaphore_mem>>
      %dma_start3A_100 = arith.constant 0 : i32
      %dma_start3A_101 = tpu.memref_slice %arg15[%add3A_7, %dma_start3A_100] : memref<10240x64xbf16, #tpu.memory_space<vmem_shared>> -> memref<128x64xbf16, #tpu.memory_space<vmem_shared>>
      %dma_start3A_102 = arith.constant 0 : i32
      %dma_start3A_103 = tpu.memref_slice %arg15[%add3A_7, %dma_start3A_102] : memref<10240x64xbf16, #tpu.memory_space<vmem_shared>> -> memref<128x64xbf16, #tpu.memory_space<vmem_shared>>
      tpu.enqueue_dma source(%arg9 : memref<128x64xbf16, #tpu.memory_space<vmem>>) target(%dma_start3A_103 : memref<128x64xbf16, #tpu.memory_space<vmem_shared>>) target_semaphore(%run_scoped3A : memref<!tpu.dma_semaphore, #tpu.memory_space<semaphore_mem>>)
      %dma_wait3A_104 = arith.constant 0 : i32
      %dma_wait3A_105 = tpu.memref_slice %arg15[%add3A_7, %dma_wait3A_104] : memref<10240x64xbf16, #tpu.memory_space<vmem_shared>> -> memref<128x64xbf16, #tpu.memory_space<vmem_shared>>
      %dma_wait3A_106 = arith.constant 0 : i32
      %dma_wait3A_107 = tpu.memref_slice %arg15[%add3A_7, %dma_wait3A_106] : memref<10240x64xbf16, #tpu.memory_space<vmem_shared>> -> memref<128x64xbf16, #tpu.memory_space<vmem_shared>>
      tpu.wait_dma2 semaphore(%run_scoped3A : memref<!tpu.dma_semaphore, #tpu.memory_space<semaphore_mem>>) src(%arg9 : memref<128x64xbf16, #tpu.memory_space<vmem>>) dst(%dma_wait3A_107 : memref<128x64xbf16, #tpu.memory_space<vmem_shared>>)
      tpu.yield
    }) : () -> ()
    %add3A_8 = arith.constant 128 : i32
    %add3A_9 = arith.addi %mul3A_0, %add3A_8 : i32
    "tpu.region"() ({
      %run_scoped3A = tpu.sem_alloc : memref<!tpu.dma_semaphore, #tpu.memory_space<semaphore_mem>>
      %dma_start3A_100 = arith.constant 0 : i32
      %dma_start3A_101 = tpu.memref_slice %arg15[%add3A_9, %dma_start3A_100] : memref<10240x64xbf16, #tpu.memory_space<vmem_shared>> -> memref<128x64xbf16, #tpu.memory_space<vmem_shared>>
      %dma_start3A_102 = arith.constant 0 : i32
      %dma_start3A_103 = tpu.memref_slice %arg15[%add3A_9, %dma_start3A_102] : memref<10240x64xbf16, #tpu.memory_space<vmem_shared>> -> memref<128x64xbf16, #tpu.memory_space<vmem_shared>>
      tpu.enqueue_dma source(%arg9 : memref<128x64xbf16, #tpu.memory_space<vmem>>) target(%dma_start3A_103 : memref<128x64xbf16, #tpu.memory_space<vmem_shared>>) target_semaphore(%run_scoped3A : memref<!tpu.dma_semaphore, #tpu.memory_space<semaphore_mem>>)
      %dma_wait3A_104 = arith.constant 0 : i32
      %dma_wait3A_105 = tpu.memref_slice %arg15[%add3A_9, %dma_wait3A_104] : memref<10240x64xbf16, #tpu.memory_space<vmem_shared>> -> memref<128x64xbf16, #tpu.memory_space<vmem_shared>>
      %dma_wait3A_106 = arith.constant 0 : i32
      %dma_wait3A_107 = tpu.memref_slice %arg15[%add3A_9, %dma_wait3A_106] : memref<10240x64xbf16, #tpu.memory_space<vmem_shared>> -> memref<128x64xbf16, #tpu.memory_space<vmem_shared>>
      tpu.wait_dma2 semaphore(%run_scoped3A : memref<!tpu.dma_semaphore, #tpu.memory_space<semaphore_mem>>) src(%arg9 : memref<128x64xbf16, #tpu.memory_space<vmem>>) dst(%dma_wait3A_107 : memref<128x64xbf16, #tpu.memory_space<vmem_shared>>)
      tpu.yield
    }) : () -> ()
    %add3A_10 = arith.constant 256 : i32
    %add3A_11 = arith.addi %mul3A_0, %add3A_10 : i32
    "tpu.region"() ({
      %run_scoped3A = tpu.sem_alloc : memref<!tpu.dma_semaphore, #tpu.memory_space<semaphore_mem>>
      %dma_start3A_100 = arith.constant 0 : i32
      %dma_start3A_101 = tpu.memref_slice %arg15[%add3A_11, %dma_start3A_100] : memref<10240x64xbf16, #tpu.memory_space<vmem_shared>> -> memref<128x64xbf16, #tpu.memory_space<vmem_shared>>
      %dma_start3A_102 = arith.constant 0 : i32
      %dma_start3A_103 = tpu.memref_slice %arg15[%add3A_11, %dma_start3A_102] : memref<10240x64xbf16, #tpu.memory_space<vmem_shared>> -> memref<128x64xbf16, #tpu.memory_space<vmem_shared>>
      tpu.enqueue_dma source(%arg9 : memref<128x64xbf16, #tpu.memory_space<vmem>>) target(%dma_start3A_103 : memref<128x64xbf16, #tpu.memory_space<vmem_shared>>) target_semaphore(%run_scoped3A : memref<!tpu.dma_semaphore, #tpu.memory_space<semaphore_mem>>)
      %dma_wait3A_104 = arith.constant 0 : i32
      %dma_wait3A_105 = tpu.memref_slice %arg15[%add3A_11, %dma_wait3A_104] : memref<10240x64xbf16, #tpu.memory_space<vmem_shared>> -> memref<128x64xbf16, #tpu.memory_space<vmem_shared>>
      %dma_wait3A_106 = arith.constant 0 : i32
      %dma_wait3A_107 = tpu.memref_slice %arg15[%add3A_11, %dma_wait3A_106] : memref<10240x64xbf16, #tpu.memory_space<vmem_shared>> -> memref<128x64xbf16, #tpu.memory_space<vmem_shared>>
      tpu.wait_dma2 semaphore(%run_scoped3A : memref<!tpu.dma_semaphore, #tpu.memory_space<semaphore_mem>>) src(%arg9 : memref<128x64xbf16, #tpu.memory_space<vmem>>) dst(%dma_wait3A_107 : memref<128x64xbf16, #tpu.memory_space<vmem_shared>>)
      tpu.yield
    }) : () -> ()
    %add3A_12 = arith.constant 384 : i32
    %add3A_13 = arith.addi %mul3A_0, %add3A_12 : i32
    "tpu.region"() ({
      %run_scoped3A = tpu.sem_alloc : memref<!tpu.dma_semaphore, #tpu.memory_space<semaphore_mem>>
      %dma_start3A_100 = arith.constant 0 : i32
      %dma_start3A_101 = tpu.memref_slice %arg15[%add3A_13, %dma_start3A_100] : memref<10240x64xbf16, #tpu.memory_space<vmem_shared>> -> memref<128x64xbf16, #tpu.memory_space<vmem_shared>>
      %dma_start3A_102 = arith.constant 0 : i32
      %dma_start3A_103 = tpu.memref_slice %arg15[%add3A_13, %dma_start3A_102] : memref<10240x64xbf16, #tpu.memory_space<vmem_shared>> -> memref<128x64xbf16, #tpu.memory_space<vmem_shared>>
      tpu.enqueue_dma source(%arg9 : memref<128x64xbf16, #tpu.memory_space<vmem>>) target(%dma_start3A_103 : memref<128x64xbf16, #tpu.memory_space<vmem_shared>>) target_semaphore(%run_scoped3A : memref<!tpu.dma_semaphore, #tpu.memory_space<semaphore_mem>>)
      %dma_wait3A_104 = arith.constant 0 : i32
      %dma_wait3A_105 = tpu.memref_slice %arg15[%add3A_13, %dma_wait3A_104] : memref<10240x64xbf16, #tpu.memory_space<vmem_shared>> -> memref<128x64xbf16, #tpu.memory_space<vmem_shared>>
      %dma_wait3A_106 = arith.constant 0 : i32
      %dma_wait3A_107 = tpu.memref_slice %arg15[%add3A_13, %dma_wait3A_106] : memref<10240x64xbf16, #tpu.memory_space<vmem_shared>> -> memref<128x64xbf16, #tpu.memory_space<vmem_shared>>
      tpu.wait_dma2 semaphore(%run_scoped3A : memref<!tpu.dma_semaphore, #tpu.memory_space<semaphore_mem>>) src(%arg9 : memref<128x64xbf16, #tpu.memory_space<vmem>>) dst(%dma_wait3A_107 : memref<128x64xbf16, #tpu.memory_space<vmem_shared>>)
      tpu.yield
    }) : () -> ()
    %add3A_14 = arith.constant 512 : i32
    %add3A_15 = arith.addi %mul3A_0, %add3A_14 : i32
    "tpu.region"() ({
      %run_scoped3A = tpu.sem_alloc : memref<!tpu.dma_semaphore, #tpu.memory_space<semaphore_mem>>
      %dma_start3A_100 = arith.constant 0 : i32
      %dma_start3A_101 = tpu.memref_slice %arg15[%add3A_15, %dma_start3A_100] : memref<10240x64xbf16, #tpu.memory_space<vmem_shared>> -> memref<128x64xbf16, #tpu.memory_space<vmem_shared>>
      %dma_start3A_102 = arith.constant 0 : i32
      %dma_start3A_103 = tpu.memref_slice %arg15[%add3A_15, %dma_start3A_102] : memref<10240x64xbf16, #tpu.memory_space<vmem_shared>> -> memref<128x64xbf16, #tpu.memory_space<vmem_shared>>
      tpu.enqueue_dma source(%arg9 : memref<128x64xbf16, #tpu.memory_space<vmem>>) target(%dma_start3A_103 : memref<128x64xbf16, #tpu.memory_space<vmem_shared>>) target_semaphore(%run_scoped3A : memref<!tpu.dma_semaphore, #tpu.memory_space<semaphore_mem>>)
      %dma_wait3A_104 = arith.constant 0 : i32
      %dma_wait3A_105 = tpu.memref_slice %arg15[%add3A_15, %dma_wait3A_104] : memref<10240x64xbf16, #tpu.memory_space<vmem_shared>> -> memref<128x64xbf16, #tpu.memory_space<vmem_shared>>
      %dma_wait3A_106 = arith.constant 0 : i32
      %dma_wait3A_107 = tpu.memref_slice %arg15[%add3A_15, %dma_wait3A_106] : memref<10240x64xbf16, #tpu.memory_space<vmem_shared>> -> memref<128x64xbf16, #tpu.memory_space<vmem_shared>>
      tpu.wait_dma2 semaphore(%run_scoped3A : memref<!tpu.dma_semaphore, #tpu.memory_space<semaphore_mem>>) src(%arg9 : memref<128x64xbf16, #tpu.memory_space<vmem>>) dst(%dma_wait3A_107 : memref<128x64xbf16, #tpu.memory_space<vmem_shared>>)
      tpu.yield
    }) : () -> ()
    %convert_element_type3A = arith.extui %eq3A_1 : i1 to i32
    %cond3A = arith.constant 0 : i32
    %cond3A_16 = arith.cmpi ne, %convert_element_type3A, %cond3A : i32
    scf.if %cond3A_16 {
      %broadcast_in_dim3A = arith.constant 0.000000e+00 : f32
      %broadcast_in_dim3A_100 = vector.broadcast %broadcast_in_dim3A : f32 to vector<16xf32>
      %swap3A = arith.constant 0 : index
      %swap3A_101 = tpu.vector_load %arg14[%swap3A] {strides = array<i32>} : memref<64xf32, #tpu.memory_space<vmem>>, vector<16xf32>,
      %swap3A_102 = vector.shape_cast %swap3A_101 : vector<16xf32> to vector<16xf32>
      %swap3A_103 = vector.shape_cast %broadcast_in_dim3A_100 : vector<16xf32> to vector<16xf32>
      tpu.vector_store %arg14[%swap3A], %swap3A_103 {strides = array<i32>} : memref<64xf32, #tpu.memory_space<vmem>>, vector<16xf32>,
      %broadcast_in_dim3A_104 = arith.constant 0.000000e+00 : f32
      %broadcast_in_dim3A_105 = vector.broadcast %broadcast_in_dim3A_104 : f32 to vector<16xf32>
      %swap3A_106 = arith.constant 16 : index
      %swap3A_107 = tpu.vector_load %arg14[%swap3A_106] {strides = array<i32>} : memref<64xf32, #tpu.memory_space<vmem>>, vector<16xf32>,
      %swap3A_108 = vector.shape_cast %swap3A_107 : vector<16xf32> to vector<16xf32>
      %swap3A_109 = vector.shape_cast %broadcast_in_dim3A_105 : vector<16xf32> to vector<16xf32>
      tpu.vector_store %arg14[%swap3A_106], %swap3A_109 {strides = array<i32>} : memref<64xf32, #tpu.memory_space<vmem>>, vector<16xf32>,
      %broadcast_in_dim3A_110 = arith.constant 0.000000e+00 : f32
      %broadcast_in_dim3A_111 = vector.broadcast %broadcast_in_dim3A_110 : f32 to vector<16xf32>
      %swap3A_112 = arith.constant 32 : index
      %swap3A_113 = tpu.vector_load %arg14[%swap3A_112] {strides = array<i32>} : memref<64xf32, #tpu.memory_space<vmem>>, vector<16xf32>,
      %swap3A_114 = vector.shape_cast %swap3A_113 : vector<16xf32> to vector<16xf32>
      %swap3A_115 = vector.shape_cast %broadcast_in_dim3A_111 : vector<16xf32> to vector<16xf32>
      tpu.vector_store %arg14[%swap3A_112], %swap3A_115 {strides = array<i32>} : memref<64xf32, #tpu.memory_space<vmem>>, vector<16xf32>,
      %broadcast_in_dim3A_116 = arith.constant 0.000000e+00 : f32
      %broadcast_in_dim3A_117 = vector.broadcast %broadcast_in_dim3A_116 : f32 to vector<16xf32>
      %swap3A_118 = arith.constant 48 : index
      %swap3A_119 = tpu.vector_load %arg14[%swap3A_118] {strides = array<i32>} : memref<64xf32, #tpu.memory_space<vmem>>, vector<16xf32>,
      %swap3A_120 = vector.shape_cast %swap3A_119 : vector<16xf32> to vector<16xf32>
      %swap3A_121 = vector.shape_cast %broadcast_in_dim3A_117 : vector<16xf32> to vector<16xf32>
      tpu.vector_store %arg14[%swap3A_118], %swap3A_121 {strides = array<i32>} : memref<64xf32, #tpu.memory_space<vmem>>, vector<16xf32>,
      %add3A_122 = arith.constant 0 : i32
      %add3A_123 = arith.addi %mul3A_0, %add3A_122 : i32
      "tpu.region"() ({
        %run_scoped3A = tpu.sem_alloc : memref<!tpu.dma_semaphore, #tpu.memory_space<semaphore_mem>>
        %dma_start3A_190 = tpu.memref_slice %arg16[%add3A_123] : memref<10240xf32, #tpu.memory_space<vmem_shared>> -> memref<64xf32, #tpu.memory_space<vmem_shared>>
        %dma_start3A_191 = tpu.memref_slice %arg16[%add3A_123] : memref<10240xf32, #tpu.memory_space<vmem_shared>> -> memref<64xf32, #tpu.memory_space<vmem_shared>>
        tpu.enqueue_dma source(%arg14 : memref<64xf32, #tpu.memory_space<vmem>>) target(%dma_start3A_191 : memref<64xf32, #tpu.memory_space<vmem_shared>>) target_semaphore(%run_scoped3A : memref<!tpu.dma_semaphore, #tpu.memory_space<semaphore_mem>>)
        %dma_wait3A_192 = tpu.memref_slice %arg16[%add3A_123] : memref<10240xf32, #tpu.memory_space<vmem_shared>> -> memref<64xf32, #tpu.memory_space<vmem_shared>>
        %dma_wait3A_193 = tpu.memref_slice %arg16[%add3A_123] : memref<10240xf32, #tpu.memory_space<vmem_shared>> -> memref<64xf32, #tpu.memory_space<vmem_shared>>
        tpu.wait_dma2 semaphore(%run_scoped3A : memref<!tpu.dma_semaphore, #tpu.memory_space<semaphore_mem>>) src(%arg14 : memref<64xf32, #tpu.memory_space<vmem>>) dst(%dma_wait3A_193 : memref<64xf32, #tpu.memory_space<vmem_shared>>)
        tpu.yield
      }) : () -> ()
      %add3A_124 = arith.constant 64 : i32
      %add3A_125 = arith.addi %mul3A_0, %add3A_124 : i32
      "tpu.region"() ({
        %run_scoped3A = tpu.sem_alloc : memref<!tpu.dma_semaphore, #tpu.memory_space<semaphore_mem>>
        %dma_start3A_190 = tpu.memref_slice %arg16[%add3A_125] : memref<10240xf32, #tpu.memory_space<vmem_shared>> -> memref<64xf32, #tpu.memory_space<vmem_shared>>
        %dma_start3A_191 = tpu.memref_slice %arg16[%add3A_125] : memref<10240xf32, #tpu.memory_space<vmem_shared>> -> memref<64xf32, #tpu.memory_space<vmem_shared>>
        tpu.enqueue_dma source(%arg14 : memref<64xf32, #tpu.memory_space<vmem>>) target(%dma_start3A_191 : memref<64xf32, #tpu.memory_space<vmem_shared>>) target_semaphore(%run_scoped3A : memref<!tpu.dma_semaphore, #tpu.memory_space<semaphore_mem>>)
        %dma_wait3A_192 = tpu.memref_slice %arg16[%add3A_125] : memref<10240xf32, #tpu.memory_space<vmem_shared>> -> memref<64xf32, #tpu.memory_space<vmem_shared>>
        %dma_wait3A_193 = tpu.memref_slice %arg16[%add3A_125] : memref<10240xf32, #tpu.memory_space<vmem_shared>> -> memref<64xf32, #tpu.memory_space<vmem_shared>>
        tpu.wait_dma2 semaphore(%run_scoped3A : memref<!tpu.dma_semaphore, #tpu.memory_space<semaphore_mem>>) src(%arg14 : memref<64xf32, #tpu.memory_space<vmem>>) dst(%dma_wait3A_193 : memref<64xf32, #tpu.memory_space<vmem_shared>>)
        tpu.yield
      }) : () -> ()
      %add3A_126 = arith.constant 128 : i32
      %add3A_127 = arith.addi %mul3A_0, %add3A_126 : i32
      "tpu.region"() ({
        %run_scoped3A = tpu.sem_alloc : memref<!tpu.dma_semaphore, #tpu.memory_space<semaphore_mem>>
        %dma_start3A_190 = tpu.memref_slice %arg16[%add3A_127] : memref<10240xf32, #tpu.memory_space<vmem_shared>> -> memref<64xf32, #tpu.memory_space<vmem_shared>>
        %dma_start3A_191 = tpu.memref_slice %arg16[%add3A_127] : memref<10240xf32, #tpu.memory_space<vmem_shared>> -> memref<64xf32, #tpu.memory_space<vmem_shared>>
        tpu.enqueue_dma source(%arg14 : memref<64xf32, #tpu.memory_space<vmem>>) target(%dma_start3A_191 : memref<64xf32, #tpu.memory_space<vmem_shared>>) target_semaphore(%run_scoped3A : memref<!tpu.dma_semaphore, #tpu.memory_space<semaphore_mem>>)
        %dma_wait3A_192 = tpu.memref_slice %arg16[%add3A_127] : memref<10240xf32, #tpu.memory_space<vmem_shared>> -> memref<64xf32, #tpu.memory_space<vmem_shared>>
        %dma_wait3A_193 = tpu.memref_slice %arg16[%add3A_127] : memref<10240xf32, #tpu.memory_space<vmem_shared>> -> memref<64xf32, #tpu.memory_space<vmem_shared>>
        tpu.wait_dma2 semaphore(%run_scoped3A : memref<!tpu.dma_semaphore, #tpu.memory_space<semaphore_mem>>) src(%arg14 : memref<64xf32, #tpu.memory_space<vmem>>) dst(%dma_wait3A_193 : memref<64xf32, #tpu.memory_space<vmem_shared>>)
        tpu.yield
      }) : () -> ()
      %add3A_128 = arith.constant 192 : i32
      %add3A_129 = arith.addi %mul3A_0, %add3A_128 : i32
      "tpu.region"() ({
        %run_scoped3A = tpu.sem_alloc : memref<!tpu.dma_semaphore, #tpu.memory_space<semaphore_mem>>
        %dma_start3A_190 = tpu.memref_slice %arg16[%add3A_129] : memref<10240xf32, #tpu.memory_space<vmem_shared>> -> memref<64xf32, #tpu.memory_space<vmem_shared>>
        %dma_start3A_191 = tpu.memref_slice %arg16[%add3A_129] : memref<10240xf32, #tpu.memory_space<vmem_shared>> -> memref<64xf32, #tpu.memory_space<vmem_shared>>
        tpu.enqueue_dma source(%arg14 : memref<64xf32, #tpu.memory_space<vmem>>) target(%dma_start3A_191 : memref<64xf32, #tpu.memory_space<vmem_shared>>) target_semaphore(%run_scoped3A : memref<!tpu.dma_semaphore, #tpu.memory_space<semaphore_mem>>)
        %dma_wait3A_192 = tpu.memref_slice %arg16[%add3A_129] : memref<10240xf32, #tpu.memory_space<vmem_shared>> -> memref<64xf32, #tpu.memory_space<vmem_shared>>
        %dma_wait3A_193 = tpu.memref_slice %arg16[%add3A_129] : memref<10240xf32, #tpu.memory_space<vmem_shared>> -> memref<64xf32, #tpu.memory_space<vmem_shared>>
        tpu.wait_dma2 semaphore(%run_scoped3A : memref<!tpu.dma_semaphore, #tpu.memory_space<semaphore_mem>>) src(%arg14 : memref<64xf32, #tpu.memory_space<vmem>>) dst(%dma_wait3A_193 : memref<64xf32, #tpu.memory_space<vmem_shared>>)
        tpu.yield
      }) : () -> ()
      %add3A_130 = arith.constant 256 : i32
      %add3A_131 = arith.addi %mul3A_0, %add3A_130 : i32
      "tpu.region"() ({
        %run_scoped3A = tpu.sem_alloc : memref<!tpu.dma_semaphore, #tpu.memory_space<semaphore_mem>>
        %dma_start3A_190 = tpu.memref_slice %arg16[%add3A_131] : memref<10240xf32, #tpu.memory_space<vmem_shared>> -> memref<64xf32, #tpu.memory_space<vmem_shared>>
        %dma_start3A_191 = tpu.memref_slice %arg16[%add3A_131] : memref<10240xf32, #tpu.memory_space<vmem_shared>> -> memref<64xf32, #tpu.memory_space<vmem_shared>>
        tpu.enqueue_dma source(%arg14 : memref<64xf32, #tpu.memory_space<vmem>>) target(%dma_start3A_191 : memref<64xf32, #tpu.memory_space<vmem_shared>>) target_semaphore(%run_scoped3A : memref<!tpu.dma_semaphore, #tpu.memory_space<semaphore_mem>>)
        %dma_wait3A_192 = tpu.memref_slice %arg16[%add3A_131] : memref<10240xf32, #tpu.memory_space<vmem_shared>> -> memref<64xf32, #tpu.memory_space<vmem_shared>>
        %dma_wait3A_193 = tpu.memref_slice %arg16[%add3A_131] : memref<10240xf32, #tpu.memory_space<vmem_shared>> -> memref<64xf32, #tpu.memory_space<vmem_shared>>
        tpu.wait_dma2 semaphore(%run_scoped3A : memref<!tpu.dma_semaphore, #tpu.memory_space<semaphore_mem>>) src(%arg14 : memref<64xf32, #tpu.memory_space<vmem>>) dst(%dma_wait3A_193 : memref<64xf32, #tpu.memory_space<vmem_shared>>)
        tpu.yield
      }) : () -> ()
      %add3A_132 = arith.constant 320 : i32
      %add3A_133 = arith.addi %mul3A_0, %add3A_132 : i32
      "tpu.region"() ({
        %run_scoped3A = tpu.sem_alloc : memref<!tpu.dma_semaphore, #tpu.memory_space<semaphore_mem>>
        %dma_start3A_190 = tpu.memref_slice %arg16[%add3A_133] : memref<10240xf32, #tpu.memory_space<vmem_shared>> -> memref<64xf32, #tpu.memory_space<vmem_shared>>
        %dma_start3A_191 = tpu.memref_slice %arg16[%add3A_133] : memref<10240xf32, #tpu.memory_space<vmem_shared>> -> memref<64xf32, #tpu.memory_space<vmem_shared>>
        tpu.enqueue_dma source(%arg14 : memref<64xf32, #tpu.memory_space<vmem>>) target(%dma_start3A_191 : memref<64xf32, #tpu.memory_space<vmem_shared>>) target_semaphore(%run_scoped3A : memref<!tpu.dma_semaphore, #tpu.memory_space<semaphore_mem>>)
        %dma_wait3A_192 = tpu.memref_slice %arg16[%add3A_133] : memref<10240xf32, #tpu.memory_space<vmem_shared>> -> memref<64xf32, #tpu.memory_space<vmem_shared>>
        %dma_wait3A_193 = tpu.memref_slice %arg16[%add3A_133] : memref<10240xf32, #tpu.memory_space<vmem_shared>> -> memref<64xf32, #tpu.memory_space<vmem_shared>>
        tpu.wait_dma2 semaphore(%run_scoped3A : memref<!tpu.dma_semaphore, #tpu.memory_space<semaphore_mem>>) src(%arg14 : memref<64xf32, #tpu.memory_space<vmem>>) dst(%dma_wait3A_193 : memref<64xf32, #tpu.memory_space<vmem_shared>>)
        tpu.yield
      }) : () -> ()
      %add3A_134 = arith.constant 384 : i32
      %add3A_135 = arith.addi %mul3A_0, %add3A_134 : i32
      "tpu.region"() ({
        %run_scoped3A = tpu.sem_alloc : memref<!tpu.dma_semaphore, #tpu.memory_space<semaphore_mem>>
        %dma_start3A_190 = tpu.memref_slice %arg16[%add3A_135] : memref<10240xf32, #tpu.memory_space<vmem_shared>> -> memref<64xf32, #tpu.memory_space<vmem_shared>>
        %dma_start3A_191 = tpu.memref_slice %arg16[%add3A_135] : memref<10240xf32, #tpu.memory_space<vmem_shared>> -> memref<64xf32, #tpu.memory_space<vmem_shared>>
        tpu.enqueue_dma source(%arg14 : memref<64xf32, #tpu.memory_space<vmem>>) target(%dma_start3A_191 : memref<64xf32, #tpu.memory_space<vmem_shared>>) target_semaphore(%run_scoped3A : memref<!tpu.dma_semaphore, #tpu.memory_space<semaphore_mem>>)
        %dma_wait3A_192 = tpu.memref_slice %arg16[%add3A_135] : memref<10240xf32, #tpu.memory_space<vmem_shared>> -> memref<64xf32, #tpu.memory_space<vmem_shared>>
        %dma_wait3A_193 = tpu.memref_slice %arg16[%add3A_135] : memref<10240xf32, #tpu.memory_space<vmem_shared>> -> memref<64xf32, #tpu.memory_space<vmem_shared>>
        tpu.wait_dma2 semaphore(%run_scoped3A : memref<!tpu.dma_semaphore, #tpu.memory_space<semaphore_mem>>) src(%arg14 : memref<64xf32, #tpu.memory_space<vmem>>) dst(%dma_wait3A_193 : memref<64xf32, #tpu.memory_space<vmem_shared>>)
        tpu.yield
      }) : () -> ()
      %add3A_136 = arith.constant 448 : i32
      %add3A_137 = arith.addi %mul3A_0, %add3A_136 : i32
      "tpu.region"() ({
        %run_scoped3A = tpu.sem_alloc : memref<!tpu.dma_semaphore, #tpu.memory_space<semaphore_mem>>
        %dma_start3A_190 = tpu.memref_slice %arg16[%add3A_137] : memref<10240xf32, #tpu.memory_space<vmem_shared>> -> memref<64xf32, #tpu.memory_space<vmem_shared>>
        %dma_start3A_191 = tpu.memref_slice %arg16[%add3A_137] : memref<10240xf32, #tpu.memory_space<vmem_shared>> -> memref<64xf32, #tpu.memory_space<vmem_shared>>
        tpu.enqueue_dma source(%arg14 : memref<64xf32, #tpu.memory_space<vmem>>) target(%dma_start3A_191 : memref<64xf32, #tpu.memory_space<vmem_shared>>) target_semaphore(%run_scoped3A : memref<!tpu.dma_semaphore, #tpu.memory_space<semaphore_mem>>)
        %dma_wait3A_192 = tpu.memref_slice %arg16[%add3A_137] : memref<10240xf32, #tpu.memory_space<vmem_shared>> -> memref<64xf32, #tpu.memory_space<vmem_shared>>
        %dma_wait3A_193 = tpu.memref_slice %arg16[%add3A_137] : memref<10240xf32, #tpu.memory_space<vmem_shared>> -> memref<64xf32, #tpu.memory_space<vmem_shared>>
        tpu.wait_dma2 semaphore(%run_scoped3A : memref<!tpu.dma_semaphore, #tpu.memory_space<semaphore_mem>>) src(%arg14 : memref<64xf32, #tpu.memory_space<vmem>>) dst(%dma_wait3A_193 : memref<64xf32, #tpu.memory_space<vmem_shared>>)
        tpu.yield
      }) : () -> ()
      %add3A_138 = arith.constant 512 : i32
      %add3A_139 = arith.addi %mul3A_0, %add3A_138 : i32
      "tpu.region"() ({
        %run_scoped3A = tpu.sem_alloc : memref<!tpu.dma_semaphore, #tpu.memory_space<semaphore_mem>>
        %dma_start3A_190 = tpu.memref_slice %arg16[%add3A_139] : memref<10240xf32, #tpu.memory_space<vmem_shared>> -> memref<64xf32, #tpu.memory_space<vmem_shared>>
        %dma_start3A_191 = tpu.memref_slice %arg16[%add3A_139] : memref<10240xf32, #tpu.memory_space<vmem_shared>> -> memref<64xf32, #tpu.memory_space<vmem_shared>>
        tpu.enqueue_dma source(%arg14 : memref<64xf32, #tpu.memory_space<vmem>>) target(%dma_start3A_191 : memref<64xf32, #tpu.memory_space<vmem_shared>>) target_semaphore(%run_scoped3A : memref<!tpu.dma_semaphore, #tpu.memory_space<semaphore_mem>>)
        %dma_wait3A_192 = tpu.memref_slice %arg16[%add3A_139] : memref<10240xf32, #tpu.memory_space<vmem_shared>> -> memref<64xf32, #tpu.memory_space<vmem_shared>>
        %dma_wait3A_193 = tpu.memref_slice %arg16[%add3A_139] : memref<10240xf32, #tpu.memory_space<vmem_shared>> -> memref<64xf32, #tpu.memory_space<vmem_shared>>
        tpu.wait_dma2 semaphore(%run_scoped3A : memref<!tpu.dma_semaphore, #tpu.memory_space<semaphore_mem>>) src(%arg14 : memref<64xf32, #tpu.memory_space<vmem>>) dst(%dma_wait3A_193 : memref<64xf32, #tpu.memory_space<vmem_shared>>)
        tpu.yield
      }) : () -> ()
      %add3A_140 = arith.constant 576 : i32
      %add3A_141 = arith.addi %mul3A_0, %add3A_140 : i32
      "tpu.region"() ({
        %run_scoped3A = tpu.sem_alloc : memref<!tpu.dma_semaphore, #tpu.memory_space<semaphore_mem>>
        %dma_start3A_190 = tpu.memref_slice %arg16[%add3A_141] : memref<10240xf32, #tpu.memory_space<vmem_shared>> -> memref<64xf32, #tpu.memory_space<vmem_shared>>
        %dma_start3A_191 = tpu.memref_slice %arg16[%add3A_141] : memref<10240xf32, #tpu.memory_space<vmem_shared>> -> memref<64xf32, #tpu.memory_space<vmem_shared>>
        tpu.enqueue_dma source(%arg14 : memref<64xf32, #tpu.memory_space<vmem>>) target(%dma_start3A_191 : memref<64xf32, #tpu.memory_space<vmem_shared>>) target_semaphore(%run_scoped3A : memref<!tpu.dma_semaphore, #tpu.memory_space<semaphore_mem>>)
        %dma_wait3A_192 = tpu.memref_slice %arg16[%add3A_141] : memref<10240xf32, #tpu.memory_space<vmem_shared>> -> memref<64xf32, #tpu.memory_space<vmem_shared>>
        %dma_wait3A_193 = tpu.memref_slice %arg16[%add3A_141] : memref<10240xf32, #tpu.memory_space<vmem_shared>> -> memref<64xf32, #tpu.memory_space<vmem_shared>>
        tpu.wait_dma2 semaphore(%run_scoped3A : memref<!tpu.dma_semaphore, #tpu.memory_space<semaphore_mem>>) src(%arg14 : memref<64xf32, #tpu.memory_space<vmem>>) dst(%dma_wait3A_193 : memref<64xf32, #tpu.memory_space<vmem_shared>>)
        tpu.yield
      }) : () -> ()
      %broadcast_in_dim3A_142 = arith.constant 1.000000e+00 : f32
      %broadcast_in_dim3A_143 = vector.broadcast %broadcast_in_dim3A_142 : f32 to vector<16xf32>
      %swap3A_144 = arith.constant 0 : index
      %swap3A_145 = tpu.vector_load %arg13[%swap3A_144] {strides = array<i32>} : memref<128xf32, #tpu.memory_space<vmem>>, vector<16xf32>,
      %swap3A_146 = vector.shape_cast %swap3A_145 : vector<16xf32> to vector<16xf32>
      %swap3A_147 = vector.shape_cast %broadcast_in_dim3A_143 : vector<16xf32> to vector<16xf32>
      tpu.vector_store %arg13[%swap3A_144], %swap3A_147 {strides = array<i32>} : memref<128xf32, #tpu.memory_space<vmem>>, vector<16xf32>,
      %broadcast_in_dim3A_148 = arith.constant 1.000000e+00 : f32
      %broadcast_in_dim3A_149 = vector.broadcast %broadcast_in_dim3A_148 : f32 to vector<16xf32>
      %swap3A_150 = arith.constant 16 : index
      %swap3A_151 = tpu.vector_load %arg13[%swap3A_150] {strides = array<i32>} : memref<128xf32, #tpu.memory_space<vmem>>, vector<16xf32>,
      %swap3A_152 = vector.shape_cast %swap3A_151 : vector<16xf32> to vector<16xf32>
      %swap3A_153 = vector.shape_cast %broadcast_in_dim3A_149 : vector<16xf32> to vector<16xf32>
      tpu.vector_store %arg13[%swap3A_150], %swap3A_153 {strides = array<i32>} : memref<128xf32, #tpu.memory_space<vmem>>, vector<16xf32>,
      %broadcast_in_dim3A_154 = arith.constant 1.000000e+00 : f32
      %broadcast_in_dim3A_155 = vector.broadcast %broadcast_in_dim3A_154 : f32 to vector<16xf32>
      %swap3A_156 = arith.constant 32 : index
      %swap3A_157 = tpu.vector_load %arg13[%swap3A_156] {strides = array<i32>} : memref<128xf32, #tpu.memory_space<vmem>>, vector<16xf32>,
      %swap3A_158 = vector.shape_cast %swap3A_157 : vector<16xf32> to vector<16xf32>
      %swap3A_159 = vector.shape_cast %broadcast_in_dim3A_155 : vector<16xf32> to vector<16xf32>
      tpu.vector_store %arg13[%swap3A_156], %swap3A_159 {strides = array<i32>} : memref<128xf32, #tpu.memory_space<vmem>>, vector<16xf32>,
      %broadcast_in_dim3A_160 = arith.constant 1.000000e+00 : f32
      %broadcast_in_dim3A_161 = vector.broadcast %broadcast_in_dim3A_160 : f32 to vector<16xf32>
      %swap3A_162 = arith.constant 48 : index
      %swap3A_163 = tpu.vector_load %arg13[%swap3A_162] {strides = array<i32>} : memref<128xf32, #tpu.memory_space<vmem>>, vector<16xf32>,
      %swap3A_164 = vector.shape_cast %swap3A_163 : vector<16xf32> to vector<16xf32>
      %swap3A_165 = vector.shape_cast %broadcast_in_dim3A_161 : vector<16xf32> to vector<16xf32>
      tpu.vector_store %arg13[%swap3A_162], %swap3A_165 {strides = array<i32>} : memref<128xf32, #tpu.memory_space<vmem>>, vector<16xf32>,
      %broadcast_in_dim3A_166 = arith.constant 1.000000e+00 : f32
      %broadcast_in_dim3A_167 = vector.broadcast %broadcast_in_dim3A_166 : f32 to vector<16xf32>
      %swap3A_168 = arith.constant 64 : index
      %swap3A_169 = tpu.vector_load %arg13[%swap3A_168] {strides = array<i32>} : memref<128xf32, #tpu.memory_space<vmem>>, vector<16xf32>,
      %swap3A_170 = vector.shape_cast %swap3A_169 : vector<16xf32> to vector<16xf32>
      %swap3A_171 = vector.shape_cast %broadcast_in_dim3A_167 : vector<16xf32> to vector<16xf32>
      tpu.vector_store %arg13[%swap3A_168], %swap3A_171 {strides = array<i32>} : memref<128xf32, #tpu.memory_space<vmem>>, vector<16xf32>,
      %broadcast_in_dim3A_172 = arith.constant 1.000000e+00 : f32
      %broadcast_in_dim3A_173 = vector.broadcast %broadcast_in_dim3A_172 : f32 to vector<16xf32>
      %swap3A_174 = arith.constant 80 : index
      %swap3A_175 = tpu.vector_load %arg13[%swap3A_174] {strides = array<i32>} : memref<128xf32, #tpu.memory_space<vmem>>, vector<16xf32>,
      %swap3A_176 = vector.shape_cast %swap3A_175 : vector<16xf32> to vector<16xf32>
      %swap3A_177 = vector.shape_cast %broadcast_in_dim3A_173 : vector<16xf32> to vector<16xf32>
      tpu.vector_store %arg13[%swap3A_174], %swap3A_177 {strides = array<i32>} : memref<128xf32, #tpu.memory_space<vmem>>, vector<16xf32>,
      %broadcast_in_dim3A_178 = arith.constant 1.000000e+00 : f32
      %broadcast_in_dim3A_179 = vector.broadcast %broadcast_in_dim3A_178 : f32 to vector<16xf32>
      %swap3A_180 = arith.constant 96 : index
      %swap3A_181 = tpu.vector_load %arg13[%swap3A_180] {strides = array<i32>} : memref<128xf32, #tpu.memory_space<vmem>>, vector<16xf32>,
      %swap3A_182 = vector.shape_cast %swap3A_181 : vector<16xf32> to vector<16xf32>
      %swap3A_183 = vector.shape_cast %broadcast_in_dim3A_179 : vector<16xf32> to vector<16xf32>
      tpu.vector_store %arg13[%swap3A_180], %swap3A_183 {strides = array<i32>} : memref<128xf32, #tpu.memory_space<vmem>>, vector<16xf32>,
      %broadcast_in_dim3A_184 = arith.constant 1.000000e+00 : f32
      %broadcast_in_dim3A_185 = vector.broadcast %broadcast_in_dim3A_184 : f32 to vector<16xf32>
      %swap3A_186 = arith.constant 112 : index
      %swap3A_187 = tpu.vector_load %arg13[%swap3A_186] {strides = array<i32>} : memref<128xf32, #tpu.memory_space<vmem>>, vector<16xf32>,
      %swap3A_188 = vector.shape_cast %swap3A_187 : vector<16xf32> to vector<16xf32>
      %swap3A_189 = vector.shape_cast %broadcast_in_dim3A_185 : vector<16xf32> to vector<16xf32>
      tpu.vector_store %arg13[%swap3A_186], %swap3A_189 {strides = array<i32>} : memref<128xf32, #tpu.memory_space<vmem>>, vector<16xf32>,
    } else {
    }
    "tpu.region"() ({
      %run_scoped3A = tpu.sem_alloc : memref<!tpu.dma_semaphore, #tpu.memory_space<semaphore_mem>>
      %dma_start3A_100 = arith.constant 0 : i32
      %dma_start3A_101 = arith.constant 0 : i32
      %dma_start3A_102 = tpu.memref_slice %arg3[%arg1, %dma_start3A_100, %dma_start3A_101] : memref<16x160x128xi32, #tpu.memory_space<hbm>> -> memref<1x160x128xi32, #tpu.memory_space<hbm>>
      %dma_start3A_103 = tpu.memref_squeeze %dma_start3A_102 : memref<1x160x128xi32, #tpu.memory_space<hbm>> -> memref<160x128xi32, #tpu.memory_space<hbm>>
      %dma_start3A_104 = arith.constant 0 : i32
      %dma_start3A_105 = arith.constant 0 : i32
      %dma_start3A_106 = tpu.memref_slice %arg3[%arg1, %dma_start3A_104, %dma_start3A_105] : memref<16x160x128xi32, #tpu.memory_space<hbm>> -> memref<1x160x128xi32, #tpu.memory_space<hbm>>
      %dma_start3A_107 = tpu.memref_squeeze %dma_start3A_106 : memref<1x160x128xi32, #tpu.memory_space<hbm>> -> memref<160x128xi32, #tpu.memory_space<hbm>>
      tpu.enqueue_dma source(%dma_start3A_107 : memref<160x128xi32, #tpu.memory_space<hbm>>) target(%arg7 : memref<160x128xi32, #tpu.memory_space<vmem>>) target_semaphore(%run_scoped3A : memref<!tpu.dma_semaphore, #tpu.memory_space<semaphore_mem>>)
      %dma_wait3A_108 = arith.constant 0 : i32
      %dma_wait3A_109 = arith.constant 0 : i32
      %dma_wait3A_110 = tpu.memref_slice %arg3[%arg1, %dma_wait3A_108, %dma_wait3A_109] : memref<16x160x128xi32, #tpu.memory_space<hbm>> -> memref<1x160x128xi32, #tpu.memory_space<hbm>>
      %dma_wait3A_111 = tpu.memref_squeeze %dma_wait3A_110 : memref<1x160x128xi32, #tpu.memory_space<hbm>> -> memref<160x128xi32, #tpu.memory_space<hbm>>
      %dma_wait3A_112 = arith.constant 0 : i32
      %dma_wait3A_113 = arith.constant 0 : i32
      %dma_wait3A_114 = tpu.memref_slice %arg3[%arg1, %dma_wait3A_112, %dma_wait3A_113] : memref<16x160x128xi32, #tpu.memory_space<hbm>> -> memref<1x160x128xi32, #tpu.memory_space<hbm>>
      %dma_wait3A_115 = tpu.memref_squeeze %dma_wait3A_114 : memref<1x160x128xi32, #tpu.memory_space<hbm>> -> memref<160x128xi32, #tpu.memory_space<hbm>>
      tpu.wait_dma2 semaphore(%run_scoped3A : memref<!tpu.dma_semaphore, #tpu.memory_space<semaphore_mem>>) src(%dma_wait3A_115 : memref<160x128xi32, #tpu.memory_space<hbm>>) dst(%arg7 : memref<160x128xi32, #tpu.memory_space<vmem>>)
      tpu.yield
    }) : () -> ()
    "tpu.region"() ({
      %run_scoped3A = tpu.sem_alloc : memref<!tpu.dma_semaphore, #tpu.memory_space<semaphore_mem>>
      %dma_start3A_100 = arith.constant 0 : i32
      %dma_start3A_101 = arith.constant 0 : i32
      %dma_start3A_102 = tpu.memref_slice %arg4[%arg1, %dma_start3A_100, %dma_start3A_101] : memref<16x160x128xi32, #tpu.memory_space<hbm>> -> memref<1x160x128xi32, #tpu.memory_space<hbm>>
      %dma_start3A_103 = tpu.memref_squeeze %dma_start3A_102 : memref<1x160x128xi32, #tpu.memory_space<hbm>> -> memref<160x128xi32, #tpu.memory_space<hbm>>
      %dma_start3A_104 = arith.constant 0 : i32
      %dma_start3A_105 = arith.constant 0 : i32
      %dma_start3A_106 = tpu.memref_slice %arg4[%arg1, %dma_start3A_104, %dma_start3A_105] : memref<16x160x128xi32, #tpu.memory_space<hbm>> -> memref<1x160x128xi32, #tpu.memory_space<hbm>>
      %dma_start3A_107 = tpu.memref_squeeze %dma_start3A_106 : memref<1x160x128xi32, #tpu.memory_space<hbm>> -> memref<160x128xi32, #tpu.memory_space<hbm>>
      tpu.enqueue_dma source(%dma_start3A_107 : memref<160x128xi32, #tpu.memory_space<hbm>>) target(%arg8 : memref<160x128xi32, #tpu.memory_space<vmem>>) target_semaphore(%run_scoped3A : memref<!tpu.dma_semaphore, #tpu.memory_space<semaphore_mem>>)
      %dma_wait3A_108 = arith.constant 0 : i32
      %dma_wait3A_109 = arith.constant 0 : i32
      %dma_wait3A_110 = tpu.memref_slice %arg4[%arg1, %dma_wait3A_108, %dma_wait3A_109] : memref<16x160x128xi32, #tpu.memory_space<hbm>> -> memref<1x160x128xi32, #tpu.memory_space<hbm>>
      %dma_wait3A_111 = tpu.memref_squeeze %dma_wait3A_110 : memref<1x160x128xi32, #tpu.memory_space<hbm>> -> memref<160x128xi32, #tpu.memory_space<hbm>>
      %dma_wait3A_112 = arith.constant 0 : i32
      %dma_wait3A_113 = arith.constant 0 : i32
      %dma_wait3A_114 = tpu.memref_slice %arg4[%arg1, %dma_wait3A_112, %dma_wait3A_113] : memref<16x160x128xi32, #tpu.memory_space<hbm>> -> memref<1x160x128xi32, #tpu.memory_space<hbm>>
      %dma_wait3A_115 = tpu.memref_squeeze %dma_wait3A_114 : memref<1x160x128xi32, #tpu.memory_space<hbm>> -> memref<160x128xi32, #tpu.memory_space<hbm>>
      tpu.wait_dma2 semaphore(%run_scoped3A : memref<!tpu.dma_semaphore, #tpu.memory_space<semaphore_mem>>) src(%dma_wait3A_115 : memref<160x128xi32, #tpu.memory_space<hbm>>) dst(%arg8 : memref<160x128xi32, #tpu.memory_space<vmem>>)
      tpu.yield
    }) : () -> ()
    %barrier3A = arith.constant 0 : index
    tpu.barrier barrier_id(%barrier3A)
    %dma_start3A = arith.constant 0 : i32
    %dma_start3A_17 = arith.constant 0 : i32
    %dma_start3A_18 = tpu.memref_slice %arg7[%dma_start3A, %dma_start3A_17] : memref<160x128xi32, #tpu.memory_space<vmem>> -> memref<1x128xi32, #tpu.memory_space<vmem>>
    %dma_start3A_19 = tpu.memref_squeeze %dma_start3A_18 : memref<1x128xi32, #tpu.memory_space<vmem>> -> memref<128xi32, #tpu.memory_space<vmem>>
    %dma_start3A_20 = arith.constant 0 : i32
    %dma_start3A_21 = arith.constant 0 : i32
    %dma_start3A_22 = tpu.memref_slice %arg2[%arg0, %dma_start3A_20, %dma_start3A_21] : memref<2x10000x64xbf16, #tpu.memory_space<hbm>> -> memref<1x10000x64xbf16, #tpu.memory_space<hbm>>
    %dma_start3A_23 = tpu.memref_squeeze %dma_start3A_22 : memref<1x10000x64xbf16, #tpu.memory_space<hbm>> -> memref<10000x64xbf16, #tpu.memory_space<hbm>>
    %dma_start3A_24 = arith.constant 0 : i32
    %dma_start3A_25 = arith.constant 0 : i32
    %dma_start3A_26 = tpu.memref_slice %dma_start3A_23[%dma_start3A_24, %dma_start3A_25] : memref<10000x64xbf16, #tpu.memory_space<hbm>> -> memref<10000x64xbf16, #tpu.memory_space<hbm>>
    tpu.enqueue_indirect_dma source(%dma_start3A_26 : memref<10000x64xbf16, #tpu.memory_space<hbm>>) target(%arg9 : memref<128x64xbf16, #tpu.memory_space<vmem>>) offsets(%dma_start3A_19 : memref<128xi32, #tpu.memory_space<vmem>>) semaphore(%arg17 : memref<!tpu.dma_semaphore, #tpu.memory_space<semaphore_mem>>)
    %dma_start3A_27 = arith.constant 1 : i32
    %dma_start3A_28 = arith.constant 0 : i32
    %dma_start3A_29 = tpu.memref_slice %arg7[%dma_start3A_27, %dma_start3A_28] : memref<160x128xi32, #tpu.memory_space<vmem>> -> memref<1x128xi32, #tpu.memory_space<vmem>>
    %dma_start3A_30 = tpu.memref_squeeze %dma_start3A_29 : memref<1x128xi32, #tpu.memory_space<vmem>> -> memref<128xi32, #tpu.memory_space<vmem>>
    %dma_start3A_31 = arith.constant 0 : i32
    %dma_start3A_32 = arith.constant 0 : i32
    %dma_start3A_33 = tpu.memref_slice %arg2[%arg0, %dma_start3A_31, %dma_start3A_32] : memref<2x10000x64xbf16, #tpu.memory_space<hbm>> -> memref<1x10000x64xbf16, #tpu.memory_space<hbm>>
    %dma_start3A_34 = tpu.memref_squeeze %dma_start3A_33 : memref<1x10000x64xbf16, #tpu.memory_space<hbm>> -> memref<10000x64xbf16, #tpu.memory_space<hbm>>
    %dma_start3A_35 = arith.constant 0 : i32
    %dma_start3A_36 = arith.constant 0 : i32
    %dma_start3A_37 = tpu.memref_slice %dma_start3A_34[%dma_start3A_35, %dma_start3A_36] : memref<10000x64xbf16, #tpu.memory_space<hbm>> -> memref<10000x64xbf16, #tpu.memory_space<hbm>>
    tpu.enqueue_indirect_dma source(%dma_start3A_37 : memref<10000x64xbf16, #tpu.memory_space<hbm>>) target(%arg10 : memref<128x64xbf16, #tpu.memory_space<vmem>>) offsets(%dma_start3A_30 : memref<128xi32, #tpu.memory_space<vmem>>) semaphore(%arg18 : memref<!tpu.dma_semaphore, #tpu.memory_space<semaphore_mem>>)
    %dma_start3A_38 = arith.constant 2 : i32
    %dma_start3A_39 = arith.constant 0 : i32
    %dma_start3A_40 = tpu.memref_slice %arg7[%dma_start3A_38, %dma_start3A_39] : memref<160x128xi32, #tpu.memory_space<vmem>> -> memref<1x128xi32, #tpu.memory_space<vmem>>
    %dma_start3A_41 = tpu.memref_squeeze %dma_start3A_40 : memref<1x128xi32, #tpu.memory_space<vmem>> -> memref<128xi32, #tpu.memory_space<vmem>>
    %dma_start3A_42 = arith.constant 0 : i32
    %dma_start3A_43 = arith.constant 0 : i32
    %dma_start3A_44 = tpu.memref_slice %arg2[%arg0, %dma_start3A_42, %dma_start3A_43] : memref<2x10000x64xbf16, #tpu.memory_space<hbm>> -> memref<1x10000x64xbf16, #tpu.memory_space<hbm>>
    %dma_start3A_45 = tpu.memref_squeeze %dma_start3A_44 : memref<1x10000x64xbf16, #tpu.memory_space<hbm>> -> memref<10000x64xbf16, #tpu.memory_space<hbm>>
    %dma_start3A_46 = arith.constant 0 : i32
    %dma_start3A_47 = arith.constant 0 : i32
    %dma_start3A_48 = tpu.memref_slice %dma_start3A_45[%dma_start3A_46, %dma_start3A_47] : memref<10000x64xbf16, #tpu.memory_space<hbm>> -> memref<10000x64xbf16, #tpu.memory_space<hbm>>
    tpu.enqueue_indirect_dma source(%dma_start3A_48 : memref<10000x64xbf16, #tpu.memory_space<hbm>>) target(%arg11 : memref<128x64xbf16, #tpu.memory_space<vmem>>) offsets(%dma_start3A_41 : memref<128xi32, #tpu.memory_space<vmem>>) semaphore(%arg19 : memref<!tpu.dma_semaphore, #tpu.memory_space<semaphore_mem>>)
    %dma_start3A_49 = arith.constant 3 : i32
    %dma_start3A_50 = arith.constant 0 : i32
    %dma_start3A_51 = tpu.memref_slice %arg7[%dma_start3A_49, %dma_start3A_50] : memref<160x128xi32, #tpu.memory_space<vmem>> -> memref<1x128xi32, #tpu.memory_space<vmem>>
    %dma_start3A_52 = tpu.memref_squeeze %dma_start3A_51 : memref<1x128xi32, #tpu.memory_space<vmem>> -> memref<128xi32, #tpu.memory_space<vmem>>
    %dma_start3A_53 = arith.constant 0 : i32
    %dma_start3A_54 = arith.constant 0 : i32
    %dma_start3A_55 = tpu.memref_slice %arg2[%arg0, %dma_start3A_53, %dma_start3A_54] : memref<2x10000x64xbf16, #tpu.memory_space<hbm>> -> memref<1x10000x64xbf16, #tpu.memory_space<hbm>>
    %dma_start3A_56 = tpu.memref_squeeze %dma_start3A_55 : memref<1x10000x64xbf16, #tpu.memory_space<hbm>> -> memref<10000x64xbf16, #tpu.memory_space<hbm>>
    %dma_start3A_57 = arith.constant 0 : i32
    %dma_start3A_58 = arith.constant 0 : i32
    %dma_start3A_59 = tpu.memref_slice %dma_start3A_56[%dma_start3A_57, %dma_start3A_58] : memref<10000x64xbf16, #tpu.memory_space<hbm>> -> memref<10000x64xbf16, #tpu.memory_space<hbm>>
    tpu.enqueue_indirect_dma source(%dma_start3A_59 : memref<10000x64xbf16, #tpu.memory_space<hbm>>) target(%arg12 : memref<128x64xbf16, #tpu.memory_space<vmem>>) offsets(%dma_start3A_52 : memref<128xi32, #tpu.memory_space<vmem>>) semaphore(%arg20 : memref<!tpu.dma_semaphore, #tpu.memory_space<semaphore_mem>>)
    %scan3A_60 = arith.constant 0 : i32
    %scan3A_61 = arith.constant 0 : i32
    %scan3A_62 = arith.constant 40 : i32
    %scan3A_63 = arith.addi %scan3A_61, %scan3A_62 : i32
    %scan3A_64 = arith.constant 1 : i32
    scf.for %scan3A_100 = %scan3A_61 to %scan3A_63 step %scan3A_64  : i32 {
      %mul3A_101 = arith.constant 4 : i32
      %mul3A_102 = arith.muli %mul3A_101, %scan3A_100 : i32
      %add3A_103 = arith.constant 0 : i32
      %add3A_104 = arith.addi %mul3A_102, %add3A_103 : i32
      %dma_wait3A_105 = arith.constant 0 : i32
      %dma_wait3A_106 = tpu.memref_slice %arg7[%add3A_104, %dma_wait3A_105] : memref<160x128xi32, #tpu.memory_space<vmem>> -> memref<1x128xi32, #tpu.memory_space<vmem>>
      %dma_wait3A_107 = tpu.memref_squeeze %dma_wait3A_106 : memref<1x128xi32, #tpu.memory_space<vmem>> -> memref<128xi32, #tpu.memory_space<vmem>>
      %dma_wait3A_108 = arith.constant 0 : i32
      %dma_wait3A_109 = arith.constant 0 : i32
      %dma_wait3A_110 = tpu.memref_slice %arg2[%arg0, %dma_wait3A_108, %dma_wait3A_109] : memref<2x10000x64xbf16, #tpu.memory_space<hbm>> -> memref<1x10000x64xbf16, #tpu.memory_space<hbm>>
      %dma_wait3A_111 = tpu.memref_squeeze %dma_wait3A_110 : memref<1x10000x64xbf16, #tpu.memory_space<hbm>> -> memref<10000x64xbf16, #tpu.memory_space<hbm>>
      %dma_wait3A_112 = arith.constant 0 : i32
      %dma_wait3A_113 = arith.constant 0 : i32
      %dma_wait3A_114 = tpu.memref_slice %dma_wait3A_111[%dma_wait3A_112, %dma_wait3A_113] : memref<10000x64xbf16, #tpu.memory_space<hbm>> -> memref<10000x64xbf16, #tpu.memory_space<hbm>>
      tpu.wait_indirect_dma semaphore(%arg17 : memref<!tpu.dma_semaphore, #tpu.memory_space<semaphore_mem>>) src(%dma_wait3A_114 : memref<10000x64xbf16, #tpu.memory_space<hbm>>) dst(%arg9 : memref<128x64xbf16, #tpu.memory_space<vmem>>)
      %dma_start3A_115 = arith.constant 0 : i32
      %dma_start3A_116 = tpu.memref_slice %arg8[%add3A_104, %dma_start3A_115] : memref<160x128xi32, #tpu.memory_space<vmem>> -> memref<1x128xi32, #tpu.memory_space<vmem>>
      %dma_start3A_117 = tpu.memref_squeeze %dma_start3A_116 : memref<1x128xi32, #tpu.memory_space<vmem>> -> memref<128xi32, #tpu.memory_space<vmem>>
      %dma_start3A_118 = arith.constant 0 : i32
      %dma_start3A_119 = arith.constant 0 : i32
      %dma_start3A_120 = tpu.memref_slice %arg15[%dma_start3A_118, %dma_start3A_119] : memref<10240x64xbf16, #tpu.memory_space<vmem_shared>> -> memref<10240x64xbf16, #tpu.memory_space<vmem_shared>>
      tpu.enqueue_indirect_dma source(%arg9 : memref<128x64xbf16, #tpu.memory_space<vmem>>) target(%dma_start3A_120 : memref<10240x64xbf16, #tpu.memory_space<vmem_shared>>) offsets(%dma_start3A_117 : memref<128xi32, #tpu.memory_space<vmem>>) semaphore(%arg21 : memref<!tpu.dma_semaphore, #tpu.memory_space<semaphore_mem>>) {add = true}
      %convert_element_type3A_121 = arith.extui %eq3A_1 : i1 to i32
      %cond3A_122 = arith.constant 0 : i32
      %cond3A_123 = arith.cmpi ne, %convert_element_type3A_121, %cond3A_122 : i32
      scf.if %cond3A_123 {
        %dma_start3A_236 = arith.constant 0 : i32
        %dma_start3A_237 = tpu.memref_slice %arg8[%add3A_104, %dma_start3A_236] : memref<160x128xi32, #tpu.memory_space<vmem>> -> memref<1x128xi32, #tpu.memory_space<vmem>>
        %dma_start3A_238 = tpu.memref_squeeze %dma_start3A_237 : memref<1x128xi32, #tpu.memory_space<vmem>> -> memref<128xi32, #tpu.memory_space<vmem>>
        %dma_start3A_239 = arith.constant 0 : i32
        %dma_start3A_240 = tpu.memref_slice %arg16[%dma_start3A_239] : memref<10240xf32, #tpu.memory_space<vmem_shared>> -> memref<10240xf32, #tpu.memory_space<vmem_shared>>
        tpu.enqueue_indirect_dma source(%arg13 : memref<128xf32, #tpu.memory_space<vmem>>) target(%dma_start3A_240 : memref<10240xf32, #tpu.memory_space<vmem_shared>>) offsets(%dma_start3A_238 : memref<128xi32, #tpu.memory_space<vmem>>) semaphore(%arg25 : memref<!tpu.dma_semaphore, #tpu.memory_space<semaphore_mem>>) {add = true}
      } else {
      }
      %mul3A_124 = arith.constant 4 : i32
      %mul3A_125 = arith.muli %mul3A_124, %scan3A_100 : i32
      %add3A_126 = arith.constant 1 : i32
      %add3A_127 = arith.addi %mul3A_125, %add3A_126 : i32
      %dma_wait3A_128 = arith.constant 0 : i32
      %dma_wait3A_129 = tpu.memref_slice %arg7[%add3A_127, %dma_wait3A_128] : memref<160x128xi32, #tpu.memory_space<vmem>> -> memref<1x128xi32, #tpu.memory_space<vmem>>
      %dma_wait3A_130 = tpu.memref_squeeze %dma_wait3A_129 : memref<1x128xi32, #tpu.memory_space<vmem>> -> memref<128xi32, #tpu.memory_space<vmem>>
      %dma_wait3A_131 = arith.constant 0 : i32
      %dma_wait3A_132 = arith.constant 0 : i32
      %dma_wait3A_133 = tpu.memref_slice %arg2[%arg0, %dma_wait3A_131, %dma_wait3A_132] : memref<2x10000x64xbf16, #tpu.memory_space<hbm>> -> memref<1x10000x64xbf16, #tpu.memory_space<hbm>>
      %dma_wait3A_134 = tpu.memref_squeeze %dma_wait3A_133 : memref<1x10000x64xbf16, #tpu.memory_space<hbm>> -> memref<10000x64xbf16, #tpu.memory_space<hbm>>
      %dma_wait3A_135 = arith.constant 0 : i32
      %dma_wait3A_136 = arith.constant 0 : i32
      %dma_wait3A_137 = tpu.memref_slice %dma_wait3A_134[%dma_wait3A_135, %dma_wait3A_136] : memref<10000x64xbf16, #tpu.memory_space<hbm>> -> memref<10000x64xbf16, #tpu.memory_space<hbm>>
      tpu.wait_indirect_dma semaphore(%arg18 : memref<!tpu.dma_semaphore, #tpu.memory_space<semaphore_mem>>) src(%dma_wait3A_137 : memref<10000x64xbf16, #tpu.memory_space<hbm>>) dst(%arg10 : memref<128x64xbf16, #tpu.memory_space<vmem>>)
      %dma_start3A_138 = arith.constant 0 : i32
      %dma_start3A_139 = tpu.memref_slice %arg8[%add3A_127, %dma_start3A_138] : memref<160x128xi32, #tpu.memory_space<vmem>> -> memref<1x128xi32, #tpu.memory_space<vmem>>
      %dma_start3A_140 = tpu.memref_squeeze %dma_start3A_139 : memref<1x128xi32, #tpu.memory_space<vmem>> -> memref<128xi32, #tpu.memory_space<vmem>>
      %dma_start3A_141 = arith.constant 0 : i32
      %dma_start3A_142 = arith.constant 0 : i32
      %dma_start3A_143 = tpu.memref_slice %arg15[%dma_start3A_141, %dma_start3A_142] : memref<10240x64xbf16, #tpu.memory_space<vmem_shared>> -> memref<10240x64xbf16, #tpu.memory_space<vmem_shared>>
      tpu.enqueue_indirect_dma source(%arg10 : memref<128x64xbf16, #tpu.memory_space<vmem>>) target(%dma_start3A_143 : memref<10240x64xbf16, #tpu.memory_space<vmem_shared>>) offsets(%dma_start3A_140 : memref<128xi32, #tpu.memory_space<vmem>>) semaphore(%arg22 : memref<!tpu.dma_semaphore, #tpu.memory_space<semaphore_mem>>) {add = true}
      %convert_element_type3A_144 = arith.extui %eq3A_1 : i1 to i32
      %cond3A_145 = arith.constant 0 : i32
      %cond3A_146 = arith.cmpi ne, %convert_element_type3A_144, %cond3A_145 : i32
      scf.if %cond3A_146 {
        %dma_start3A_236 = arith.constant 0 : i32
        %dma_start3A_237 = tpu.memref_slice %arg8[%add3A_127, %dma_start3A_236] : memref<160x128xi32, #tpu.memory_space<vmem>> -> memref<1x128xi32, #tpu.memory_space<vmem>>
        %dma_start3A_238 = tpu.memref_squeeze %dma_start3A_237 : memref<1x128xi32, #tpu.memory_space<vmem>> -> memref<128xi32, #tpu.memory_space<vmem>>
        %dma_start3A_239 = arith.constant 0 : i32
        %dma_start3A_240 = tpu.memref_slice %arg16[%dma_start3A_239] : memref<10240xf32, #tpu.memory_space<vmem_shared>> -> memref<10240xf32, #tpu.memory_space<vmem_shared>>
        tpu.enqueue_indirect_dma source(%arg13 : memref<128xf32, #tpu.memory_space<vmem>>) target(%dma_start3A_240 : memref<10240xf32, #tpu.memory_space<vmem_shared>>) offsets(%dma_start3A_238 : memref<128xi32, #tpu.memory_space<vmem>>) semaphore(%arg25 : memref<!tpu.dma_semaphore, #tpu.memory_space<semaphore_mem>>) {add = true}
      } else {
      }
      %mul3A_147 = arith.constant 4 : i32
      %mul3A_148 = arith.muli %mul3A_147, %scan3A_100 : i32
      %add3A_149 = arith.constant 2 : i32
      %add3A_150 = arith.addi %mul3A_148, %add3A_149 : i32
      %dma_wait3A_151 = arith.constant 0 : i32
      %dma_wait3A_152 = tpu.memref_slice %arg7[%add3A_150, %dma_wait3A_151] : memref<160x128xi32, #tpu.memory_space<vmem>> -> memref<1x128xi32, #tpu.memory_space<vmem>>
      %dma_wait3A_153 = tpu.memref_squeeze %dma_wait3A_152 : memref<1x128xi32, #tpu.memory_space<vmem>> -> memref<128xi32, #tpu.memory_space<vmem>>
      %dma_wait3A_154 = arith.constant 0 : i32
      %dma_wait3A_155 = arith.constant 0 : i32
      %dma_wait3A_156 = tpu.memref_slice %arg2[%arg0, %dma_wait3A_154, %dma_wait3A_155] : memref<2x10000x64xbf16, #tpu.memory_space<hbm>> -> memref<1x10000x64xbf16, #tpu.memory_space<hbm>>
      %dma_wait3A_157 = tpu.memref_squeeze %dma_wait3A_156 : memref<1x10000x64xbf16, #tpu.memory_space<hbm>> -> memref<10000x64xbf16, #tpu.memory_space<hbm>>
      %dma_wait3A_158 = arith.constant 0 : i32
      %dma_wait3A_159 = arith.constant 0 : i32
      %dma_wait3A_160 = tpu.memref_slice %dma_wait3A_157[%dma_wait3A_158, %dma_wait3A_159] : memref<10000x64xbf16, #tpu.memory_space<hbm>> -> memref<10000x64xbf16, #tpu.memory_space<hbm>>
      tpu.wait_indirect_dma semaphore(%arg19 : memref<!tpu.dma_semaphore, #tpu.memory_space<semaphore_mem>>) src(%dma_wait3A_160 : memref<10000x64xbf16, #tpu.memory_space<hbm>>) dst(%arg11 : memref<128x64xbf16, #tpu.memory_space<vmem>>)
      %dma_start3A_161 = arith.constant 0 : i32
      %dma_start3A_162 = tpu.memref_slice %arg8[%add3A_150, %dma_start3A_161] : memref<160x128xi32, #tpu.memory_space<vmem>> -> memref<1x128xi32, #tpu.memory_space<vmem>>
      %dma_start3A_163 = tpu.memref_squeeze %dma_start3A_162 : memref<1x128xi32, #tpu.memory_space<vmem>> -> memref<128xi32, #tpu.memory_space<vmem>>
      %dma_start3A_164 = arith.constant 0 : i32
      %dma_start3A_165 = arith.constant 0 : i32
      %dma_start3A_166 = tpu.memref_slice %arg15[%dma_start3A_164, %dma_start3A_165] : memref<10240x64xbf16, #tpu.memory_space<vmem_shared>> -> memref<10240x64xbf16, #tpu.memory_space<vmem_shared>>
      tpu.enqueue_indirect_dma source(%arg11 : memref<128x64xbf16, #tpu.memory_space<vmem>>) target(%dma_start3A_166 : memref<10240x64xbf16, #tpu.memory_space<vmem_shared>>) offsets(%dma_start3A_163 : memref<128xi32, #tpu.memory_space<vmem>>) semaphore(%arg23 : memref<!tpu.dma_semaphore, #tpu.memory_space<semaphore_mem>>) {add = true}
      %convert_element_type3A_167 = arith.extui %eq3A_1 : i1 to i32
      %cond3A_168 = arith.constant 0 : i32
      %cond3A_169 = arith.cmpi ne, %convert_element_type3A_167, %cond3A_168 : i32
      scf.if %cond3A_169 {
        %dma_start3A_236 = arith.constant 0 : i32
        %dma_start3A_237 = tpu.memref_slice %arg8[%add3A_150, %dma_start3A_236] : memref<160x128xi32, #tpu.memory_space<vmem>> -> memref<1x128xi32, #tpu.memory_space<vmem>>
        %dma_start3A_238 = tpu.memref_squeeze %dma_start3A_237 : memref<1x128xi32, #tpu.memory_space<vmem>> -> memref<128xi32, #tpu.memory_space<vmem>>
        %dma_start3A_239 = arith.constant 0 : i32
        %dma_start3A_240 = tpu.memref_slice %arg16[%dma_start3A_239] : memref<10240xf32, #tpu.memory_space<vmem_shared>> -> memref<10240xf32, #tpu.memory_space<vmem_shared>>
        tpu.enqueue_indirect_dma source(%arg13 : memref<128xf32, #tpu.memory_space<vmem>>) target(%dma_start3A_240 : memref<10240xf32, #tpu.memory_space<vmem_shared>>) offsets(%dma_start3A_238 : memref<128xi32, #tpu.memory_space<vmem>>) semaphore(%arg25 : memref<!tpu.dma_semaphore, #tpu.memory_space<semaphore_mem>>) {add = true}
      } else {
      }
      %mul3A_170 = arith.constant 4 : i32
      %mul3A_171 = arith.muli %mul3A_170, %scan3A_100 : i32
      %add3A_172 = arith.constant 3 : i32
      %add3A_173 = arith.addi %mul3A_171, %add3A_172 : i32
      %dma_wait3A_174 = arith.constant 0 : i32
      %dma_wait3A_175 = tpu.memref_slice %arg7[%add3A_173, %dma_wait3A_174] : memref<160x128xi32, #tpu.memory_space<vmem>> -> memref<1x128xi32, #tpu.memory_space<vmem>>
      %dma_wait3A_176 = tpu.memref_squeeze %dma_wait3A_175 : memref<1x128xi32, #tpu.memory_space<vmem>> -> memref<128xi32, #tpu.memory_space<vmem>>
      %dma_wait3A_177 = arith.constant 0 : i32
      %dma_wait3A_178 = arith.constant 0 : i32
      %dma_wait3A_179 = tpu.memref_slice %arg2[%arg0, %dma_wait3A_177, %dma_wait3A_178] : memref<2x10000x64xbf16, #tpu.memory_space<hbm>> -> memref<1x10000x64xbf16, #tpu.memory_space<hbm>>
      %dma_wait3A_180 = tpu.memref_squeeze %dma_wait3A_179 : memref<1x10000x64xbf16, #tpu.memory_space<hbm>> -> memref<10000x64xbf16, #tpu.memory_space<hbm>>
      %dma_wait3A_181 = arith.constant 0 : i32
      %dma_wait3A_182 = arith.constant 0 : i32
      %dma_wait3A_183 = tpu.memref_slice %dma_wait3A_180[%dma_wait3A_181, %dma_wait3A_182] : memref<10000x64xbf16, #tpu.memory_space<hbm>> -> memref<10000x64xbf16, #tpu.memory_space<hbm>>
      tpu.wait_indirect_dma semaphore(%arg20 : memref<!tpu.dma_semaphore, #tpu.memory_space<semaphore_mem>>) src(%dma_wait3A_183 : memref<10000x64xbf16, #tpu.memory_space<hbm>>) dst(%arg12 : memref<128x64xbf16, #tpu.memory_space<vmem>>)
      %dma_start3A_184 = arith.constant 0 : i32
      %dma_start3A_185 = tpu.memref_slice %arg8[%add3A_173, %dma_start3A_184] : memref<160x128xi32, #tpu.memory_space<vmem>> -> memref<1x128xi32, #tpu.memory_space<vmem>>
      %dma_start3A_186 = tpu.memref_squeeze %dma_start3A_185 : memref<1x128xi32, #tpu.memory_space<vmem>> -> memref<128xi32, #tpu.memory_space<vmem>>
      %dma_start3A_187 = arith.constant 0 : i32
      %dma_start3A_188 = arith.constant 0 : i32
      %dma_start3A_189 = tpu.memref_slice %arg15[%dma_start3A_187, %dma_start3A_188] : memref<10240x64xbf16, #tpu.memory_space<vmem_shared>> -> memref<10240x64xbf16, #tpu.memory_space<vmem_shared>>
      tpu.enqueue_indirect_dma source(%arg12 : memref<128x64xbf16, #tpu.memory_space<vmem>>) target(%dma_start3A_189 : memref<10240x64xbf16, #tpu.memory_space<vmem_shared>>) offsets(%dma_start3A_186 : memref<128xi32, #tpu.memory_space<vmem>>) semaphore(%arg24 : memref<!tpu.dma_semaphore, #tpu.memory_space<semaphore_mem>>) {add = true}
      %convert_element_type3A_190 = arith.extui %eq3A_1 : i1 to i32
      %cond3A_191 = arith.constant 0 : i32
      %cond3A_192 = arith.cmpi ne, %convert_element_type3A_190, %cond3A_191 : i32
      scf.if %cond3A_192 {
        %dma_start3A_236 = arith.constant 0 : i32
        %dma_start3A_237 = tpu.memref_slice %arg8[%add3A_173, %dma_start3A_236] : memref<160x128xi32, #tpu.memory_space<vmem>> -> memref<1x128xi32, #tpu.memory_space<vmem>>
        %dma_start3A_238 = tpu.memref_squeeze %dma_start3A_237 : memref<1x128xi32, #tpu.memory_space<vmem>> -> memref<128xi32, #tpu.memory_space<vmem>>
        %dma_start3A_239 = arith.constant 0 : i32
        %dma_start3A_240 = tpu.memref_slice %arg16[%dma_start3A_239] : memref<10240xf32, #tpu.memory_space<vmem_shared>> -> memref<10240xf32, #tpu.memory_space<vmem_shared>>
        tpu.enqueue_indirect_dma source(%arg13 : memref<128xf32, #tpu.memory_space<vmem>>) target(%dma_start3A_240 : memref<10240xf32, #tpu.memory_space<vmem_shared>>) offsets(%dma_start3A_238 : memref<128xi32, #tpu.memory_space<vmem>>) semaphore(%arg25 : memref<!tpu.dma_semaphore, #tpu.memory_space<semaphore_mem>>) {add = true}
      } else {
      }
      %add3A_193 = arith.constant 1 : i32
      %add3A_194 = arith.addi %scan3A_100, %add3A_193 : i32
      %mul3A_195 = arith.constant 4 : i32
      %mul3A_196 = arith.muli %mul3A_195, %add3A_194 : i32
      %add3A_197 = arith.constant 0 : i32
      %add3A_198 = arith.addi %mul3A_196, %add3A_197 : i32
      %lt3A = arith.constant 160 : i32
      %lt3A_199 = arith.cmpi slt, %add3A_198, %lt3A : i32
      %convert_element_type3A_200 = arith.extui %lt3A_199 : i1 to i32
      %cond3A_201 = arith.constant 0 : i32
      %cond3A_202 = arith.cmpi ne, %convert_element_type3A_200, %cond3A_201 : i32
      scf.if %cond3A_202 {
        %dma_wait3A_236 = arith.constant 0 : i32
        %dma_wait3A_237 = arith.constant 0 : i32
        %dma_wait3A_238 = tpu.memref_slice %arg8[%dma_wait3A_236, %dma_wait3A_237] : memref<160x128xi32, #tpu.memory_space<vmem>> -> memref<1x128xi32, #tpu.memory_space<vmem>>
        %dma_wait3A_239 = tpu.memref_squeeze %dma_wait3A_238 : memref<1x128xi32, #tpu.memory_space<vmem>> -> memref<128xi32, #tpu.memory_space<vmem>>
        %dma_wait3A_240 = arith.constant 0 : i32
        %dma_wait3A_241 = arith.constant 0 : i32
        %dma_wait3A_242 = tpu.memref_slice %arg15[%dma_wait3A_240, %dma_wait3A_241] : memref<10240x64xbf16, #tpu.memory_space<vmem_shared>> -> memref<10240x64xbf16, #tpu.memory_space<vmem_shared>>
        tpu.wait_indirect_dma semaphore(%arg21 : memref<!tpu.dma_semaphore, #tpu.memory_space<semaphore_mem>>) src(%arg9 : memref<128x64xbf16, #tpu.memory_space<vmem>>) dst(%dma_wait3A_242 : memref<10240x64xbf16, #tpu.memory_space<vmem_shared>>)
        %dma_start3A_243 = arith.constant 0 : i32
        %dma_start3A_244 = tpu.memref_slice %arg7[%add3A_198, %dma_start3A_243] : memref<160x128xi32, #tpu.memory_space<vmem>> -> memref<1x128xi32, #tpu.memory_space<vmem>>
        %dma_start3A_245 = tpu.memref_squeeze %dma_start3A_244 : memref<1x128xi32, #tpu.memory_space<vmem>> -> memref<128xi32, #tpu.memory_space<vmem>>
        %dma_start3A_246 = arith.constant 0 : i32
        %dma_start3A_247 = arith.constant 0 : i32
        %dma_start3A_248 = tpu.memref_slice %arg2[%arg0, %dma_start3A_246, %dma_start3A_247] : memref<2x10000x64xbf16, #tpu.memory_space<hbm>> -> memref<1x10000x64xbf16, #tpu.memory_space<hbm>>
        %dma_start3A_249 = tpu.memref_squeeze %dma_start3A_248 : memref<1x10000x64xbf16, #tpu.memory_space<hbm>> -> memref<10000x64xbf16, #tpu.memory_space<hbm>>
        %dma_start3A_250 = arith.constant 0 : i32
        %dma_start3A_251 = arith.constant 0 : i32
        %dma_start3A_252 = tpu.memref_slice %dma_start3A_249[%dma_start3A_250, %dma_start3A_251] : memref<10000x64xbf16, #tpu.memory_space<hbm>> -> memref<10000x64xbf16, #tpu.memory_space<hbm>>
        tpu.enqueue_indirect_dma source(%dma_start3A_252 : memref<10000x64xbf16, #tpu.memory_space<hbm>>) target(%arg9 : memref<128x64xbf16, #tpu.memory_space<vmem>>) offsets(%dma_start3A_245 : memref<128xi32, #tpu.memory_space<vmem>>) semaphore(%arg17 : memref<!tpu.dma_semaphore, #tpu.memory_space<semaphore_mem>>)
      } else {
      }
      %add3A_203 = arith.constant 1 : i32
      %add3A_204 = arith.addi %scan3A_100, %add3A_203 : i32
      %mul3A_205 = arith.constant 4 : i32
      %mul3A_206 = arith.muli %mul3A_205, %add3A_204 : i32
      %add3A_207 = arith.constant 1 : i32
      %add3A_208 = arith.addi %mul3A_206, %add3A_207 : i32
      %lt3A_209 = arith.constant 160 : i32
      %lt3A_210 = arith.cmpi slt, %add3A_208, %lt3A_209 : i32
      %convert_element_type3A_211 = arith.extui %lt3A_210 : i1 to i32
      %cond3A_212 = arith.constant 0 : i32
      %cond3A_213 = arith.cmpi ne, %convert_element_type3A_211, %cond3A_212 : i32
      scf.if %cond3A_213 {
        %dma_wait3A_236 = arith.constant 0 : i32
        %dma_wait3A_237 = arith.constant 0 : i32
        %dma_wait3A_238 = tpu.memref_slice %arg8[%dma_wait3A_236, %dma_wait3A_237] : memref<160x128xi32, #tpu.memory_space<vmem>> -> memref<1x128xi32, #tpu.memory_space<vmem>>
        %dma_wait3A_239 = tpu.memref_squeeze %dma_wait3A_238 : memref<1x128xi32, #tpu.memory_space<vmem>> -> memref<128xi32, #tpu.memory_space<vmem>>
        %dma_wait3A_240 = arith.constant 0 : i32
        %dma_wait3A_241 = arith.constant 0 : i32
        %dma_wait3A_242 = tpu.memref_slice %arg15[%dma_wait3A_240, %dma_wait3A_241] : memref<10240x64xbf16, #tpu.memory_space<vmem_shared>> -> memref<10240x64xbf16, #tpu.memory_space<vmem_shared>>
        tpu.wait_indirect_dma semaphore(%arg22 : memref<!tpu.dma_semaphore, #tpu.memory_space<semaphore_mem>>) src(%arg10 : memref<128x64xbf16, #tpu.memory_space<vmem>>) dst(%dma_wait3A_242 : memref<10240x64xbf16, #tpu.memory_space<vmem_shared>>)
        %dma_start3A_243 = arith.constant 0 : i32
        %dma_start3A_244 = tpu.memref_slice %arg7[%add3A_208, %dma_start3A_243] : memref<160x128xi32, #tpu.memory_space<vmem>> -> memref<1x128xi32, #tpu.memory_space<vmem>>
        %dma_start3A_245 = tpu.memref_squeeze %dma_start3A_244 : memref<1x128xi32, #tpu.memory_space<vmem>> -> memref<128xi32, #tpu.memory_space<vmem>>
        %dma_start3A_246 = arith.constant 0 : i32
        %dma_start3A_247 = arith.constant 0 : i32
        %dma_start3A_248 = tpu.memref_slice %arg2[%arg0, %dma_start3A_246, %dma_start3A_247] : memref<2x10000x64xbf16, #tpu.memory_space<hbm>> -> memref<1x10000x64xbf16, #tpu.memory_space<hbm>>
        %dma_start3A_249 = tpu.memref_squeeze %dma_start3A_248 : memref<1x10000x64xbf16, #tpu.memory_space<hbm>> -> memref<10000x64xbf16, #tpu.memory_space<hbm>>
        %dma_start3A_250 = arith.constant 0 : i32
        %dma_start3A_251 = arith.constant 0 : i32
        %dma_start3A_252 = tpu.memref_slice %dma_start3A_249[%dma_start3A_250, %dma_start3A_251] : memref<10000x64xbf16, #tpu.memory_space<hbm>> -> memref<10000x64xbf16, #tpu.memory_space<hbm>>
        tpu.enqueue_indirect_dma source(%dma_start3A_252 : memref<10000x64xbf16, #tpu.memory_space<hbm>>) target(%arg10 : memref<128x64xbf16, #tpu.memory_space<vmem>>) offsets(%dma_start3A_245 : memref<128xi32, #tpu.memory_space<vmem>>) semaphore(%arg18 : memref<!tpu.dma_semaphore, #tpu.memory_space<semaphore_mem>>)
      } else {
      }
      %add3A_214 = arith.constant 1 : i32
      %add3A_215 = arith.addi %scan3A_100, %add3A_214 : i32
      %mul3A_216 = arith.constant 4 : i32
      %mul3A_217 = arith.muli %mul3A_216, %add3A_215 : i32
      %add3A_218 = arith.constant 2 : i32
      %add3A_219 = arith.addi %mul3A_217, %add3A_218 : i32
      %lt3A_220 = arith.constant 160 : i32
      %lt3A_221 = arith.cmpi slt, %add3A_219, %lt3A_220 : i32
      %convert_element_type3A_222 = arith.extui %lt3A_221 : i1 to i32
      %cond3A_223 = arith.constant 0 : i32
      %cond3A_224 = arith.cmpi ne, %convert_element_type3A_222, %cond3A_223 : i32
      scf.if %cond3A_224 {
        %dma_wait3A_236 = arith.constant 0 : i32
        %dma_wait3A_237 = arith.constant 0 : i32
        %dma_wait3A_238 = tpu.memref_slice %arg8[%dma_wait3A_236, %dma_wait3A_237] : memref<160x128xi32, #tpu.memory_space<vmem>> -> memref<1x128xi32, #tpu.memory_space<vmem>>
        %dma_wait3A_239 = tpu.memref_squeeze %dma_wait3A_238 : memref<1x128xi32, #tpu.memory_space<vmem>> -> memref<128xi32, #tpu.memory_space<vmem>>
        %dma_wait3A_240 = arith.constant 0 : i32
        %dma_wait3A_241 = arith.constant 0 : i32
        %dma_wait3A_242 = tpu.memref_slice %arg15[%dma_wait3A_240, %dma_wait3A_241] : memref<10240x64xbf16, #tpu.memory_space<vmem_shared>> -> memref<10240x64xbf16, #tpu.memory_space<vmem_shared>>
        tpu.wait_indirect_dma semaphore(%arg23 : memref<!tpu.dma_semaphore, #tpu.memory_space<semaphore_mem>>) src(%arg11 : memref<128x64xbf16, #tpu.memory_space<vmem>>) dst(%dma_wait3A_242 : memref<10240x64xbf16, #tpu.memory_space<vmem_shared>>)
        %dma_start3A_243 = arith.constant 0 : i32
        %dma_start3A_244 = tpu.memref_slice %arg7[%add3A_219, %dma_start3A_243] : memref<160x128xi32, #tpu.memory_space<vmem>> -> memref<1x128xi32, #tpu.memory_space<vmem>>
        %dma_start3A_245 = tpu.memref_squeeze %dma_start3A_244 : memref<1x128xi32, #tpu.memory_space<vmem>> -> memref<128xi32, #tpu.memory_space<vmem>>
        %dma_start3A_246 = arith.constant 0 : i32
        %dma_start3A_247 = arith.constant 0 : i32
        %dma_start3A_248 = tpu.memref_slice %arg2[%arg0, %dma_start3A_246, %dma_start3A_247] : memref<2x10000x64xbf16, #tpu.memory_space<hbm>> -> memref<1x10000x64xbf16, #tpu.memory_space<hbm>>
        %dma_start3A_249 = tpu.memref_squeeze %dma_start3A_248 : memref<1x10000x64xbf16, #tpu.memory_space<hbm>> -> memref<10000x64xbf16, #tpu.memory_space<hbm>>
        %dma_start3A_250 = arith.constant 0 : i32
        %dma_start3A_251 = arith.constant 0 : i32
        %dma_start3A_252 = tpu.memref_slice %dma_start3A_249[%dma_start3A_250, %dma_start3A_251] : memref<10000x64xbf16, #tpu.memory_space<hbm>> -> memref<10000x64xbf16, #tpu.memory_space<hbm>>
        tpu.enqueue_indirect_dma source(%dma_start3A_252 : memref<10000x64xbf16, #tpu.memory_space<hbm>>) target(%arg11 : memref<128x64xbf16, #tpu.memory_space<vmem>>) offsets(%dma_start3A_245 : memref<128xi32, #tpu.memory_space<vmem>>) semaphore(%arg19 : memref<!tpu.dma_semaphore, #tpu.memory_space<semaphore_mem>>)
      } else {
      }
      %add3A_225 = arith.constant 1 : i32
      %add3A_226 = arith.addi %scan3A_100, %add3A_225 : i32
      %mul3A_227 = arith.constant 4 : i32
      %mul3A_228 = arith.muli %mul3A_227, %add3A_226 : i32
      %add3A_229 = arith.constant 3 : i32
      %add3A_230 = arith.addi %mul3A_228, %add3A_229 : i32
      %lt3A_231 = arith.constant 160 : i32
      %lt3A_232 = arith.cmpi slt, %add3A_230, %lt3A_231 : i32
      %convert_element_type3A_233 = arith.extui %lt3A_232 : i1 to i32
      %cond3A_234 = arith.constant 0 : i32
      %cond3A_235 = arith.cmpi ne, %convert_element_type3A_233, %cond3A_234 : i32
      scf.if %cond3A_235 {
        %dma_wait3A_236 = arith.constant 0 : i32
        %dma_wait3A_237 = arith.constant 0 : i32
        %dma_wait3A_238 = tpu.memref_slice %arg8[%dma_wait3A_236, %dma_wait3A_237] : memref<160x128xi32, #tpu.memory_space<vmem>> -> memref<1x128xi32, #tpu.memory_space<vmem>>
        %dma_wait3A_239 = tpu.memref_squeeze %dma_wait3A_238 : memref<1x128xi32, #tpu.memory_space<vmem>> -> memref<128xi32, #tpu.memory_space<vmem>>
        %dma_wait3A_240 = arith.constant 0 : i32
        %dma_wait3A_241 = arith.constant 0 : i32
        %dma_wait3A_242 = tpu.memref_slice %arg15[%dma_wait3A_240, %dma_wait3A_241] : memref<10240x64xbf16, #tpu.memory_space<vmem_shared>> -> memref<10240x64xbf16, #tpu.memory_space<vmem_shared>>
        tpu.wait_indirect_dma semaphore(%arg24 : memref<!tpu.dma_semaphore, #tpu.memory_space<semaphore_mem>>) src(%arg12 : memref<128x64xbf16, #tpu.memory_space<vmem>>) dst(%dma_wait3A_242 : memref<10240x64xbf16, #tpu.memory_space<vmem_shared>>)
        %dma_start3A_243 = arith.constant 0 : i32
        %dma_start3A_244 = tpu.memref_slice %arg7[%add3A_230, %dma_start3A_243] : memref<160x128xi32, #tpu.memory_space<vmem>> -> memref<1x128xi32, #tpu.memory_space<vmem>>
        %dma_start3A_245 = tpu.memref_squeeze %dma_start3A_244 : memref<1x128xi32, #tpu.memory_space<vmem>> -> memref<128xi32, #tpu.memory_space<vmem>>
        %dma_start3A_246 = arith.constant 0 : i32
        %dma_start3A_247 = arith.constant 0 : i32
        %dma_start3A_248 = tpu.memref_slice %arg2[%arg0, %dma_start3A_246, %dma_start3A_247] : memref<2x10000x64xbf16, #tpu.memory_space<hbm>> -> memref<1x10000x64xbf16, #tpu.memory_space<hbm>>
        %dma_start3A_249 = tpu.memref_squeeze %dma_start3A_248 : memref<1x10000x64xbf16, #tpu.memory_space<hbm>> -> memref<10000x64xbf16, #tpu.memory_space<hbm>>
        %dma_start3A_250 = arith.constant 0 : i32
        %dma_start3A_251 = arith.constant 0 : i32
        %dma_start3A_252 = tpu.memref_slice %dma_start3A_249[%dma_start3A_250, %dma_start3A_251] : memref<10000x64xbf16, #tpu.memory_space<hbm>> -> memref<10000x64xbf16, #tpu.memory_space<hbm>>
        tpu.enqueue_indirect_dma source(%dma_start3A_252 : memref<10000x64xbf16, #tpu.memory_space<hbm>>) target(%arg12 : memref<128x64xbf16, #tpu.memory_space<vmem>>) offsets(%dma_start3A_245 : memref<128xi32, #tpu.memory_space<vmem>>) semaphore(%arg20 : memref<!tpu.dma_semaphore, #tpu.memory_space<semaphore_mem>>)
      } else {
      }
    }
    %scan3A_65 = arith.constant 40 : i32
    %dma_wait3A = arith.constant 0 : i32
    %dma_wait3A_66 = arith.constant 0 : i32
    %dma_wait3A_67 = tpu.memref_slice %arg8[%dma_wait3A, %dma_wait3A_66] : memref<160x128xi32, #tpu.memory_space<vmem>> -> memref<1x128xi32, #tpu.memory_space<vmem>>
    %dma_wait3A_68 = tpu.memref_squeeze %dma_wait3A_67 : memref<1x128xi32, #tpu.memory_space<vmem>> -> memref<128xi32, #tpu.memory_space<vmem>>
    %dma_wait3A_69 = arith.constant 0 : i32
    %dma_wait3A_70 = arith.constant 0 : i32
    %dma_wait3A_71 = tpu.memref_slice %arg15[%dma_wait3A_69, %dma_wait3A_70] : memref<10240x64xbf16, #tpu.memory_space<vmem_shared>> -> memref<10240x64xbf16, #tpu.memory_space<vmem_shared>>
    tpu.wait_indirect_dma semaphore(%arg21 : memref<!tpu.dma_semaphore, #tpu.memory_space<semaphore_mem>>) src(%arg9 : memref<128x64xbf16, #tpu.memory_space<vmem>>) dst(%dma_wait3A_71 : memref<10240x64xbf16, #tpu.memory_space<vmem_shared>>)
    %dma_wait3A_72 = arith.constant 0 : i32
    %dma_wait3A_73 = arith.constant 0 : i32
    %dma_wait3A_74 = tpu.memref_slice %arg8[%dma_wait3A_72, %dma_wait3A_73] : memref<160x128xi32, #tpu.memory_space<vmem>> -> memref<1x128xi32, #tpu.memory_space<vmem>>
    %dma_wait3A_75 = tpu.memref_squeeze %dma_wait3A_74 : memref<1x128xi32, #tpu.memory_space<vmem>> -> memref<128xi32, #tpu.memory_space<vmem>>
    %dma_wait3A_76 = arith.constant 0 : i32
    %dma_wait3A_77 = arith.constant 0 : i32
    %dma_wait3A_78 = tpu.memref_slice %arg15[%dma_wait3A_76, %dma_wait3A_77] : memref<10240x64xbf16, #tpu.memory_space<vmem_shared>> -> memref<10240x64xbf16, #tpu.memory_space<vmem_shared>>
    tpu.wait_indirect_dma semaphore(%arg22 : memref<!tpu.dma_semaphore, #tpu.memory_space<semaphore_mem>>) src(%arg10 : memref<128x64xbf16, #tpu.memory_space<vmem>>) dst(%dma_wait3A_78 : memref<10240x64xbf16, #tpu.memory_space<vmem_shared>>)
    %dma_wait3A_79 = arith.constant 0 : i32
    %dma_wait3A_80 = arith.constant 0 : i32
    %dma_wait3A_81 = tpu.memref_slice %arg8[%dma_wait3A_79, %dma_wait3A_80] : memref<160x128xi32, #tpu.memory_space<vmem>> -> memref<1x128xi32, #tpu.memory_space<vmem>>
    %dma_wait3A_82 = tpu.memref_squeeze %dma_wait3A_81 : memref<1x128xi32, #tpu.memory_space<vmem>> -> memref<128xi32, #tpu.memory_space<vmem>>
    %dma_wait3A_83 = arith.constant 0 : i32
    %dma_wait3A_84 = arith.constant 0 : i32
    %dma_wait3A_85 = tpu.memref_slice %arg15[%dma_wait3A_83, %dma_wait3A_84] : memref<10240x64xbf16, #tpu.memory_space<vmem_shared>> -> memref<10240x64xbf16, #tpu.memory_space<vmem_shared>>
    tpu.wait_indirect_dma semaphore(%arg23 : memref<!tpu.dma_semaphore, #tpu.memory_space<semaphore_mem>>) src(%arg11 : memref<128x64xbf16, #tpu.memory_space<vmem>>) dst(%dma_wait3A_85 : memref<10240x64xbf16, #tpu.memory_space<vmem_shared>>)
    %dma_wait3A_86 = arith.constant 0 : i32
    %dma_wait3A_87 = arith.constant 0 : i32
    %dma_wait3A_88 = tpu.memref_slice %arg8[%dma_wait3A_86, %dma_wait3A_87] : memref<160x128xi32, #tpu.memory_space<vmem>> -> memref<1x128xi32, #tpu.memory_space<vmem>>
    %dma_wait3A_89 = tpu.memref_squeeze %dma_wait3A_88 : memref<1x128xi32, #tpu.memory_space<vmem>> -> memref<128xi32, #tpu.memory_space<vmem>>
    %dma_wait3A_90 = arith.constant 0 : i32
    %dma_wait3A_91 = arith.constant 0 : i32
    %dma_wait3A_92 = tpu.memref_slice %arg15[%dma_wait3A_90, %dma_wait3A_91] : memref<10240x64xbf16, #tpu.memory_space<vmem_shared>> -> memref<10240x64xbf16, #tpu.memory_space<vmem_shared>>
    tpu.wait_indirect_dma semaphore(%arg24 : memref<!tpu.dma_semaphore, #tpu.memory_space<semaphore_mem>>) src(%arg12 : memref<128x64xbf16, #tpu.memory_space<vmem>>) dst(%dma_wait3A_92 : memref<10240x64xbf16, #tpu.memory_space<vmem_shared>>)
    %convert_element_type3A_93 = arith.extui %eq3A_1 : i1 to i32
    %cond3A_94 = arith.constant 0 : i32
    %cond3A_95 = arith.cmpi ne, %convert_element_type3A_93, %cond3A_94 : i32
    scf.if %cond3A_95 {
      %scan3A_100 = arith.constant 0 : i32
      %scan3A_101 = arith.constant 0 : i32
      %scan3A_102 = arith.constant 160 : i32
      %scan3A_103 = arith.addi %scan3A_101, %scan3A_102 : i32
      %scan3A_104 = arith.constant 1 : i32
      scf.for %scan3A_106 = %scan3A_101 to %scan3A_103 step %scan3A_104  : i32 {
        %dma_wait3A_107 = arith.constant 0 : i32
        %dma_wait3A_108 = arith.constant 0 : i32
        %dma_wait3A_109 = tpu.memref_slice %arg8[%dma_wait3A_107, %dma_wait3A_108] : memref<160x128xi32, #tpu.memory_space<vmem>> -> memref<1x128xi32, #tpu.memory_space<vmem>>
        %dma_wait3A_110 = tpu.memref_squeeze %dma_wait3A_109 : memref<1x128xi32, #tpu.memory_space<vmem>> -> memref<128xi32, #tpu.memory_space<vmem>>
        %dma_wait3A_111 = arith.constant 0 : i32
        %dma_wait3A_112 = tpu.memref_slice %arg16[%dma_wait3A_111] : memref<10240xf32, #tpu.memory_space<vmem_shared>> -> memref<10240xf32, #tpu.memory_space<vmem_shared>>
        tpu.wait_indirect_dma semaphore(%arg25 : memref<!tpu.dma_semaphore, #tpu.memory_space<semaphore_mem>>) src(%arg13 : memref<128xf32, #tpu.memory_space<vmem>>) dst(%dma_wait3A_112 : memref<10240xf32, #tpu.memory_space<vmem_shared>>)
      }
      %scan3A_105 = arith.constant 160 : i32
    } else {
    }
    %barrier3A_96 = arith.constant 0 : index
    tpu.barrier barrier_id(%barrier3A_96)
    "tpu.region"() ({
      %run_scoped3A = tpu.sem_alloc : memref<!tpu.dma_semaphore, #tpu.memory_space<semaphore_mem>>
      %dma_start3A_100 = arith.constant 0 : i32
      %dma_start3A_101 = tpu.memref_slice %arg5[%mul3A_0, %arg0, %dma_start3A_100] : memref<10240x2x64xbf16, #tpu.memory_space<hbm>> -> memref<640x1x64xbf16, #tpu.memory_space<hbm>>
      %dma_start3A_102 = tpu.memref_squeeze %dma_start3A_101 : memref<640x1x64xbf16, #tpu.memory_space<hbm>> -> memref<640x64xbf16, #tpu.memory_space<hbm>>
      %dma_start3A_103 = arith.constant 0 : i32
      %dma_start3A_104 = tpu.memref_slice %arg15[%mul3A_0, %dma_start3A_103] : memref<10240x64xbf16, #tpu.memory_space<vmem_shared>> -> memref<640x64xbf16, #tpu.memory_space<vmem_shared>>
      tpu.enqueue_dma source(%dma_start3A_104 : memref<640x64xbf16, #tpu.memory_space<vmem_shared>>) target(%dma_start3A_102 : memref<640x64xbf16, #tpu.memory_space<hbm>>) target_semaphore(%run_scoped3A : memref<!tpu.dma_semaphore, #tpu.memory_space<semaphore_mem>>)
      %dma_wait3A_105 = arith.constant 0 : i32
      %dma_wait3A_106 = tpu.memref_slice %arg5[%mul3A_0, %arg0, %dma_wait3A_105] : memref<10240x2x64xbf16, #tpu.memory_space<hbm>> -> memref<640x1x64xbf16, #tpu.memory_space<hbm>>
      %dma_wait3A_107 = tpu.memref_squeeze %dma_wait3A_106 : memref<640x1x64xbf16, #tpu.memory_space<hbm>> -> memref<640x64xbf16, #tpu.memory_space<hbm>>
      %dma_wait3A_108 = arith.constant 0 : i32
      %dma_wait3A_109 = tpu.memref_slice %arg15[%mul3A_0, %dma_wait3A_108] : memref<10240x64xbf16, #tpu.memory_space<vmem_shared>> -> memref<640x64xbf16, #tpu.memory_space<vmem_shared>>
      tpu.wait_dma2 semaphore(%run_scoped3A : memref<!tpu.dma_semaphore, #tpu.memory_space<semaphore_mem>>) src(%dma_wait3A_109 : memref<640x64xbf16, #tpu.memory_space<vmem_shared>>) dst(%dma_wait3A_107 : memref<640x64xbf16, #tpu.memory_space<hbm>>)
      tpu.yield
    }) : () -> ()
    %convert_element_type3A_97 = arith.extui %eq3A_1 : i1 to i32
    %cond3A_98 = arith.constant 0 : i32
    %cond3A_99 = arith.cmpi ne, %convert_element_type3A_97, %cond3A_98 : i32
    scf.if %cond3A_99 {
      "tpu.region"() ({
        %run_scoped3A = tpu.sem_alloc : memref<!tpu.dma_semaphore, #tpu.memory_space<semaphore_mem>>
        %dma_start3A_100 = tpu.memref_slice %arg6[%mul3A_0] : memref<10240xf32, #tpu.memory_space<hbm>> -> memref<640xf32, #tpu.memory_space<hbm>>
        %dma_start3A_101 = tpu.memref_slice %arg16[%mul3A_0] : memref<10240xf32, #tpu.memory_space<vmem_shared>> -> memref<640xf32, #tpu.memory_space<vmem_shared>>
        tpu.enqueue_dma source(%dma_start3A_101 : memref<640xf32, #tpu.memory_space<vmem_shared>>) target(%dma_start3A_100 : memref<640xf32, #tpu.memory_space<hbm>>) target_semaphore(%run_scoped3A : memref<!tpu.dma_semaphore, #tpu.memory_space<semaphore_mem>>)
        %dma_wait3A_102 = tpu.memref_slice %arg6[%mul3A_0] : memref<10240xf32, #tpu.memory_space<hbm>> -> memref<640xf32, #tpu.memory_space<hbm>>
        %dma_wait3A_103 = tpu.memref_slice %arg16[%mul3A_0] : memref<10240xf32, #tpu.memory_space<vmem_shared>> -> memref<640xf32, #tpu.memory_space<vmem_shared>>
        tpu.wait_dma2 semaphore(%run_scoped3A : memref<!tpu.dma_semaphore, #tpu.memory_space<semaphore_mem>>) src(%dma_wait3A_103 : memref<640xf32, #tpu.memory_space<vmem_shared>>) dst(%dma_wait3A_102 : memref<640xf32, #tpu.memory_space<hbm>>)
        tpu.yield
      }) : () -> ()
    } else {
    }
    return
  }
}

#map = affine_map<(d0, d1) -> (0, 0, 0)>
module attributes {stable_mosaic.version = 14 : i64} {
  func.func @body(%arg0: i32, %arg1: i32, %arg2: memref<2x10000x64xbf16, #tpu.memory_space<hbm>>, %arg3: memref<16x160x128xi32, #tpu.memory_space<hbm>>, %arg4: memref<16x160x128xi32, #tpu.memory_space<hbm>>, %arg5: memref<10240x2x64xbf16, #tpu.memory_space<hbm>>, %arg6: memref<160x128xi32, #tpu.memory_space<vmem>>, %arg7: memref<160x128xi32, #tpu.memory_space<vmem>>, %arg8: memref<128x64xbf16, #tpu.memory_space<vmem>>, %arg9: memref<128x64xbf16, #tpu.memory_space<vmem>>, %arg10: memref<128x64xbf16, #tpu.memory_space<vmem>>, %arg11: memref<128x64xbf16, #tpu.memory_space<vmem>>, %arg12: memref<128xf32, #tpu.memory_space<vmem>>, %arg13: memref<64xf32, #tpu.memory_space<vmem>>, %arg14: memref<10240x64xbf16, #tpu.memory_space<vmem_shared>>, %arg15: memref<10240xf32, #tpu.memory_space<vmem_shared>>, %arg16: memref<!tpu.dma_semaphore, #tpu.memory_space<semaphore_mem>>, %arg17: memref<!tpu.dma_semaphore, #tpu.memory_space<semaphore_mem>>, %arg18: memref<!tpu.dma_semaphore, #tpu.memory_space<semaphore_mem>>, %arg19: memref<!tpu.dma_semaphore, #tpu.memory_space<semaphore_mem>>, %arg20: memref<!tpu.dma_semaphore, #tpu.memory_space<semaphore_mem>>, %arg21: memref<!tpu.dma_semaphore, #tpu.memory_space<semaphore_mem>>, %arg22: memref<!tpu.dma_semaphore, #tpu.memory_space<semaphore_mem>>, %arg23: memref<!tpu.dma_semaphore, #tpu.memory_space<semaphore_mem>>, %arg24: memref<!tpu.dma_semaphore, #tpu.memory_space<semaphore_mem>>) attributes {dimension_semantics = [#tpu.dimension_semantics<core_parallel>, #tpu.dimension_semantics<subcore_parallel>], iteration_bounds = array<i64: 2, 16>, scalar_prefetch = 0 : i64, scratch_operands = 19 : i64, tpu.core_type = #tpu.core_type<sc_vector_subcore>, window_params = [{transform_indices = #map}, {transform_indices = #map}, {transform_indices = #map}, {transform_indices = #map}]} {
    %mul3A = arith.constant 640 : i32
    %mul3A_0 = arith.muli %arg1, %mul3A : i32
    %eq3A = arith.constant 0 : i32
    %eq3A_1 = arith.cmpi eq, %arg0, %eq3A : i32
    %scan3A = arith.constant 0 : i32
    %scan3A_2 = arith.constant 0 : i32
    %scan3A_3 = arith.constant 128 : i32
    %scan3A_4 = arith.addi %scan3A_2, %scan3A_3 : i32
    %scan3A_5 = arith.constant 1 : i32
    scf.for %scan3A_93 = %scan3A_2 to %scan3A_4 step %scan3A_5  : i32 {
      %broadcast_in_dim3A = arith.constant 0.000000e+00 : bf16
      %broadcast_in_dim3A_94 = vector.broadcast %broadcast_in_dim3A : bf16 to vector<32xbf16>
      %swap3A = arith.index_cast %scan3A_93 : i32 to index
      %swap3A_95 = arith.constant 0 : index
      %swap3A_96 = tpu.vector_load %arg8[%swap3A, %swap3A_95] {strides = array<i32>} : memref<128x64xbf16, #tpu.memory_space<vmem>>, vector<1x32xbf16>,
      %swap3A_97 = vector.shape_cast %swap3A_96 : vector<1x32xbf16> to vector<32xbf16>
      %swap3A_98 = vector.shape_cast %broadcast_in_dim3A_94 : vector<32xbf16> to vector<1x32xbf16>
      tpu.vector_store %arg8[%swap3A, %swap3A_95], %swap3A_98 {strides = array<i32>} : memref<128x64xbf16, #tpu.memory_space<vmem>>, vector<1x32xbf16>,
      %broadcast_in_dim3A_99 = arith.constant 0.000000e+00 : bf16
      %broadcast_in_dim3A_100 = vector.broadcast %broadcast_in_dim3A_99 : bf16 to vector<32xbf16>
      %swap3A_101 = arith.index_cast %scan3A_93 : i32 to index
      %swap3A_102 = arith.constant 32 : index
      %swap3A_103 = tpu.vector_load %arg8[%swap3A_101, %swap3A_102] {strides = array<i32>} : memref<128x64xbf16, #tpu.memory_space<vmem>>, vector<1x32xbf16>,
      %swap3A_104 = vector.shape_cast %swap3A_103 : vector<1x32xbf16> to vector<32xbf16>
      %swap3A_105 = vector.shape_cast %broadcast_in_dim3A_100 : vector<32xbf16> to vector<1x32xbf16>
      tpu.vector_store %arg8[%swap3A_101, %swap3A_102], %swap3A_105 {strides = array<i32>} : memref<128x64xbf16, #tpu.memory_space<vmem>>, vector<1x32xbf16>,
    }
    %scan3A_6 = arith.constant 128 : i32
    %add3A = arith.constant 0 : i32
    %add3A_7 = arith.addi %mul3A_0, %add3A : i32
    "tpu.region"() ({
      %run_scoped3A = tpu.sem_alloc : memref<!tpu.dma_semaphore, #tpu.memory_space<semaphore_mem>>
      %dma_start3A_93 = arith.constant 0 : i32
      %dma_start3A_94 = tpu.memref_slice %arg14[%add3A_7, %dma_start3A_93] : memref<10240x64xbf16, #tpu.memory_space<vmem_shared>> -> memref<128x64xbf16, #tpu.memory_space<vmem_shared>>
      %dma_start3A_95 = arith.constant 0 : i32
      %dma_start3A_96 = tpu.memref_slice %arg14[%add3A_7, %dma_start3A_95] : memref<10240x64xbf16, #tpu.memory_space<vmem_shared>> -> memref<128x64xbf16, #tpu.memory_space<vmem_shared>>
      tpu.enqueue_dma source(%arg8 : memref<128x64xbf16, #tpu.memory_space<vmem>>) target(%dma_start3A_96 : memref<128x64xbf16, #tpu.memory_space<vmem_shared>>) target_semaphore(%run_scoped3A : memref<!tpu.dma_semaphore, #tpu.memory_space<semaphore_mem>>)
      %dma_wait3A_97 = arith.constant 0 : i32
      %dma_wait3A_98 = tpu.memref_slice %arg14[%add3A_7, %dma_wait3A_97] : memref<10240x64xbf16, #tpu.memory_space<vmem_shared>> -> memref<128x64xbf16, #tpu.memory_space<vmem_shared>>
      %dma_wait3A_99 = arith.constant 0 : i32
      %dma_wait3A_100 = tpu.memref_slice %arg14[%add3A_7, %dma_wait3A_99] : memref<10240x64xbf16, #tpu.memory_space<vmem_shared>> -> memref<128x64xbf16, #tpu.memory_space<vmem_shared>>
      tpu.wait_dma2 semaphore(%run_scoped3A : memref<!tpu.dma_semaphore, #tpu.memory_space<semaphore_mem>>) src(%arg8 : memref<128x64xbf16, #tpu.memory_space<vmem>>) dst(%dma_wait3A_100 : memref<128x64xbf16, #tpu.memory_space<vmem_shared>>)
      tpu.yield
    }) : () -> ()
    %add3A_8 = arith.constant 128 : i32
    %add3A_9 = arith.addi %mul3A_0, %add3A_8 : i32
    "tpu.region"() ({
      %run_scoped3A = tpu.sem_alloc : memref<!tpu.dma_semaphore, #tpu.memory_space<semaphore_mem>>
      %dma_start3A_93 = arith.constant 0 : i32
      %dma_start3A_94 = tpu.memref_slice %arg14[%add3A_9, %dma_start3A_93] : memref<10240x64xbf16, #tpu.memory_space<vmem_shared>> -> memref<128x64xbf16, #tpu.memory_space<vmem_shared>>
      %dma_start3A_95 = arith.constant 0 : i32
      %dma_start3A_96 = tpu.memref_slice %arg14[%add3A_9, %dma_start3A_95] : memref<10240x64xbf16, #tpu.memory_space<vmem_shared>> -> memref<128x64xbf16, #tpu.memory_space<vmem_shared>>
      tpu.enqueue_dma source(%arg8 : memref<128x64xbf16, #tpu.memory_space<vmem>>) target(%dma_start3A_96 : memref<128x64xbf16, #tpu.memory_space<vmem_shared>>) target_semaphore(%run_scoped3A : memref<!tpu.dma_semaphore, #tpu.memory_space<semaphore_mem>>)
      %dma_wait3A_97 = arith.constant 0 : i32
      %dma_wait3A_98 = tpu.memref_slice %arg14[%add3A_9, %dma_wait3A_97] : memref<10240x64xbf16, #tpu.memory_space<vmem_shared>> -> memref<128x64xbf16, #tpu.memory_space<vmem_shared>>
      %dma_wait3A_99 = arith.constant 0 : i32
      %dma_wait3A_100 = tpu.memref_slice %arg14[%add3A_9, %dma_wait3A_99] : memref<10240x64xbf16, #tpu.memory_space<vmem_shared>> -> memref<128x64xbf16, #tpu.memory_space<vmem_shared>>
      tpu.wait_dma2 semaphore(%run_scoped3A : memref<!tpu.dma_semaphore, #tpu.memory_space<semaphore_mem>>) src(%arg8 : memref<128x64xbf16, #tpu.memory_space<vmem>>) dst(%dma_wait3A_100 : memref<128x64xbf16, #tpu.memory_space<vmem_shared>>)
      tpu.yield
    }) : () -> ()
    %add3A_10 = arith.constant 256 : i32
    %add3A_11 = arith.addi %mul3A_0, %add3A_10 : i32
    "tpu.region"() ({
      %run_scoped3A = tpu.sem_alloc : memref<!tpu.dma_semaphore, #tpu.memory_space<semaphore_mem>>
      %dma_start3A_93 = arith.constant 0 : i32
      %dma_start3A_94 = tpu.memref_slice %arg14[%add3A_11, %dma_start3A_93] : memref<10240x64xbf16, #tpu.memory_space<vmem_shared>> -> memref<128x64xbf16, #tpu.memory_space<vmem_shared>>
      %dma_start3A_95 = arith.constant 0 : i32
      %dma_start3A_96 = tpu.memref_slice %arg14[%add3A_11, %dma_start3A_95] : memref<10240x64xbf16, #tpu.memory_space<vmem_shared>> -> memref<128x64xbf16, #tpu.memory_space<vmem_shared>>
      tpu.enqueue_dma source(%arg8 : memref<128x64xbf16, #tpu.memory_space<vmem>>) target(%dma_start3A_96 : memref<128x64xbf16, #tpu.memory_space<vmem_shared>>) target_semaphore(%run_scoped3A : memref<!tpu.dma_semaphore, #tpu.memory_space<semaphore_mem>>)
      %dma_wait3A_97 = arith.constant 0 : i32
      %dma_wait3A_98 = tpu.memref_slice %arg14[%add3A_11, %dma_wait3A_97] : memref<10240x64xbf16, #tpu.memory_space<vmem_shared>> -> memref<128x64xbf16, #tpu.memory_space<vmem_shared>>
      %dma_wait3A_99 = arith.constant 0 : i32
      %dma_wait3A_100 = tpu.memref_slice %arg14[%add3A_11, %dma_wait3A_99] : memref<10240x64xbf16, #tpu.memory_space<vmem_shared>> -> memref<128x64xbf16, #tpu.memory_space<vmem_shared>>
      tpu.wait_dma2 semaphore(%run_scoped3A : memref<!tpu.dma_semaphore, #tpu.memory_space<semaphore_mem>>) src(%arg8 : memref<128x64xbf16, #tpu.memory_space<vmem>>) dst(%dma_wait3A_100 : memref<128x64xbf16, #tpu.memory_space<vmem_shared>>)
      tpu.yield
    }) : () -> ()
    %add3A_12 = arith.constant 384 : i32
    %add3A_13 = arith.addi %mul3A_0, %add3A_12 : i32
    "tpu.region"() ({
      %run_scoped3A = tpu.sem_alloc : memref<!tpu.dma_semaphore, #tpu.memory_space<semaphore_mem>>
      %dma_start3A_93 = arith.constant 0 : i32
      %dma_start3A_94 = tpu.memref_slice %arg14[%add3A_13, %dma_start3A_93] : memref<10240x64xbf16, #tpu.memory_space<vmem_shared>> -> memref<128x64xbf16, #tpu.memory_space<vmem_shared>>
      %dma_start3A_95 = arith.constant 0 : i32
      %dma_start3A_96 = tpu.memref_slice %arg14[%add3A_13, %dma_start3A_95] : memref<10240x64xbf16, #tpu.memory_space<vmem_shared>> -> memref<128x64xbf16, #tpu.memory_space<vmem_shared>>
      tpu.enqueue_dma source(%arg8 : memref<128x64xbf16, #tpu.memory_space<vmem>>) target(%dma_start3A_96 : memref<128x64xbf16, #tpu.memory_space<vmem_shared>>) target_semaphore(%run_scoped3A : memref<!tpu.dma_semaphore, #tpu.memory_space<semaphore_mem>>)
      %dma_wait3A_97 = arith.constant 0 : i32
      %dma_wait3A_98 = tpu.memref_slice %arg14[%add3A_13, %dma_wait3A_97] : memref<10240x64xbf16, #tpu.memory_space<vmem_shared>> -> memref<128x64xbf16, #tpu.memory_space<vmem_shared>>
      %dma_wait3A_99 = arith.constant 0 : i32
      %dma_wait3A_100 = tpu.memref_slice %arg14[%add3A_13, %dma_wait3A_99] : memref<10240x64xbf16, #tpu.memory_space<vmem_shared>> -> memref<128x64xbf16, #tpu.memory_space<vmem_shared>>
      tpu.wait_dma2 semaphore(%run_scoped3A : memref<!tpu.dma_semaphore, #tpu.memory_space<semaphore_mem>>) src(%arg8 : memref<128x64xbf16, #tpu.memory_space<vmem>>) dst(%dma_wait3A_100 : memref<128x64xbf16, #tpu.memory_space<vmem_shared>>)
      tpu.yield
    }) : () -> ()
    %add3A_14 = arith.constant 512 : i32
    %add3A_15 = arith.addi %mul3A_0, %add3A_14 : i32
    "tpu.region"() ({
      %run_scoped3A = tpu.sem_alloc : memref<!tpu.dma_semaphore, #tpu.memory_space<semaphore_mem>>
      %dma_start3A_93 = arith.constant 0 : i32
      %dma_start3A_94 = tpu.memref_slice %arg14[%add3A_15, %dma_start3A_93] : memref<10240x64xbf16, #tpu.memory_space<vmem_shared>> -> memref<128x64xbf16, #tpu.memory_space<vmem_shared>>
      %dma_start3A_95 = arith.constant 0 : i32
      %dma_start3A_96 = tpu.memref_slice %arg14[%add3A_15, %dma_start3A_95] : memref<10240x64xbf16, #tpu.memory_space<vmem_shared>> -> memref<128x64xbf16, #tpu.memory_space<vmem_shared>>
      tpu.enqueue_dma source(%arg8 : memref<128x64xbf16, #tpu.memory_space<vmem>>) target(%dma_start3A_96 : memref<128x64xbf16, #tpu.memory_space<vmem_shared>>) target_semaphore(%run_scoped3A : memref<!tpu.dma_semaphore, #tpu.memory_space<semaphore_mem>>)
      %dma_wait3A_97 = arith.constant 0 : i32
      %dma_wait3A_98 = tpu.memref_slice %arg14[%add3A_15, %dma_wait3A_97] : memref<10240x64xbf16, #tpu.memory_space<vmem_shared>> -> memref<128x64xbf16, #tpu.memory_space<vmem_shared>>
      %dma_wait3A_99 = arith.constant 0 : i32
      %dma_wait3A_100 = tpu.memref_slice %arg14[%add3A_15, %dma_wait3A_99] : memref<10240x64xbf16, #tpu.memory_space<vmem_shared>> -> memref<128x64xbf16, #tpu.memory_space<vmem_shared>>
      tpu.wait_dma2 semaphore(%run_scoped3A : memref<!tpu.dma_semaphore, #tpu.memory_space<semaphore_mem>>) src(%arg8 : memref<128x64xbf16, #tpu.memory_space<vmem>>) dst(%dma_wait3A_100 : memref<128x64xbf16, #tpu.memory_space<vmem_shared>>)
      tpu.yield
    }) : () -> ()
    "tpu.region"() ({
      %run_scoped3A = tpu.sem_alloc : memref<!tpu.dma_semaphore, #tpu.memory_space<semaphore_mem>>
      %dma_start3A_93 = arith.constant 0 : i32
      %dma_start3A_94 = arith.constant 0 : i32
      %dma_start3A_95 = tpu.memref_slice %arg3[%arg1, %dma_start3A_93, %dma_start3A_94] : memref<16x160x128xi32, #tpu.memory_space<hbm>> -> memref<1x160x128xi32, #tpu.memory_space<hbm>>
      %dma_start3A_96 = tpu.memref_squeeze %dma_start3A_95 : memref<1x160x128xi32, #tpu.memory_space<hbm>> -> memref<160x128xi32, #tpu.memory_space<hbm>>
      %dma_start3A_97 = arith.constant 0 : i32
      %dma_start3A_98 = arith.constant 0 : i32
      %dma_start3A_99 = tpu.memref_slice %arg3[%arg1, %dma_start3A_97, %dma_start3A_98] : memref<16x160x128xi32, #tpu.memory_space<hbm>> -> memref<1x160x128xi32, #tpu.memory_space<hbm>>
      %dma_start3A_100 = tpu.memref_squeeze %dma_start3A_99 : memref<1x160x128xi32, #tpu.memory_space<hbm>> -> memref<160x128xi32, #tpu.memory_space<hbm>>
      tpu.enqueue_dma source(%dma_start3A_100 : memref<160x128xi32, #tpu.memory_space<hbm>>) target(%arg6 : memref<160x128xi32, #tpu.memory_space<vmem>>) target_semaphore(%run_scoped3A : memref<!tpu.dma_semaphore, #tpu.memory_space<semaphore_mem>>)
      %dma_wait3A_101 = arith.constant 0 : i32
      %dma_wait3A_102 = arith.constant 0 : i32
      %dma_wait3A_103 = tpu.memref_slice %arg3[%arg1, %dma_wait3A_101, %dma_wait3A_102] : memref<16x160x128xi32, #tpu.memory_space<hbm>> -> memref<1x160x128xi32, #tpu.memory_space<hbm>>
      %dma_wait3A_104 = tpu.memref_squeeze %dma_wait3A_103 : memref<1x160x128xi32, #tpu.memory_space<hbm>> -> memref<160x128xi32, #tpu.memory_space<hbm>>
      %dma_wait3A_105 = arith.constant 0 : i32
      %dma_wait3A_106 = arith.constant 0 : i32
      %dma_wait3A_107 = tpu.memref_slice %arg3[%arg1, %dma_wait3A_105, %dma_wait3A_106] : memref<16x160x128xi32, #tpu.memory_space<hbm>> -> memref<1x160x128xi32, #tpu.memory_space<hbm>>
      %dma_wait3A_108 = tpu.memref_squeeze %dma_wait3A_107 : memref<1x160x128xi32, #tpu.memory_space<hbm>> -> memref<160x128xi32, #tpu.memory_space<hbm>>
      tpu.wait_dma2 semaphore(%run_scoped3A : memref<!tpu.dma_semaphore, #tpu.memory_space<semaphore_mem>>) src(%dma_wait3A_108 : memref<160x128xi32, #tpu.memory_space<hbm>>) dst(%arg6 : memref<160x128xi32, #tpu.memory_space<vmem>>)
      tpu.yield
    }) : () -> ()
    "tpu.region"() ({
      %run_scoped3A = tpu.sem_alloc : memref<!tpu.dma_semaphore, #tpu.memory_space<semaphore_mem>>
      %dma_start3A_93 = arith.constant 0 : i32
      %dma_start3A_94 = arith.constant 0 : i32
      %dma_start3A_95 = tpu.memref_slice %arg4[%arg1, %dma_start3A_93, %dma_start3A_94] : memref<16x160x128xi32, #tpu.memory_space<hbm>> -> memref<1x160x128xi32, #tpu.memory_space<hbm>>
      %dma_start3A_96 = tpu.memref_squeeze %dma_start3A_95 : memref<1x160x128xi32, #tpu.memory_space<hbm>> -> memref<160x128xi32, #tpu.memory_space<hbm>>
      %dma_start3A_97 = arith.constant 0 : i32
      %dma_start3A_98 = arith.constant 0 : i32
      %dma_start3A_99 = tpu.memref_slice %arg4[%arg1, %dma_start3A_97, %dma_start3A_98] : memref<16x160x128xi32, #tpu.memory_space<hbm>> -> memref<1x160x128xi32, #tpu.memory_space<hbm>>
      %dma_start3A_100 = tpu.memref_squeeze %dma_start3A_99 : memref<1x160x128xi32, #tpu.memory_space<hbm>> -> memref<160x128xi32, #tpu.memory_space<hbm>>
      tpu.enqueue_dma source(%dma_start3A_100 : memref<160x128xi32, #tpu.memory_space<hbm>>) target(%arg7 : memref<160x128xi32, #tpu.memory_space<vmem>>) target_semaphore(%run_scoped3A : memref<!tpu.dma_semaphore, #tpu.memory_space<semaphore_mem>>)
      %dma_wait3A_101 = arith.constant 0 : i32
      %dma_wait3A_102 = arith.constant 0 : i32
      %dma_wait3A_103 = tpu.memref_slice %arg4[%arg1, %dma_wait3A_101, %dma_wait3A_102] : memref<16x160x128xi32, #tpu.memory_space<hbm>> -> memref<1x160x128xi32, #tpu.memory_space<hbm>>
      %dma_wait3A_104 = tpu.memref_squeeze %dma_wait3A_103 : memref<1x160x128xi32, #tpu.memory_space<hbm>> -> memref<160x128xi32, #tpu.memory_space<hbm>>
      %dma_wait3A_105 = arith.constant 0 : i32
      %dma_wait3A_106 = arith.constant 0 : i32
      %dma_wait3A_107 = tpu.memref_slice %arg4[%arg1, %dma_wait3A_105, %dma_wait3A_106] : memref<16x160x128xi32, #tpu.memory_space<hbm>> -> memref<1x160x128xi32, #tpu.memory_space<hbm>>
      %dma_wait3A_108 = tpu.memref_squeeze %dma_wait3A_107 : memref<1x160x128xi32, #tpu.memory_space<hbm>> -> memref<160x128xi32, #tpu.memory_space<hbm>>
      tpu.wait_dma2 semaphore(%run_scoped3A : memref<!tpu.dma_semaphore, #tpu.memory_space<semaphore_mem>>) src(%dma_wait3A_108 : memref<160x128xi32, #tpu.memory_space<hbm>>) dst(%arg7 : memref<160x128xi32, #tpu.memory_space<vmem>>)
      tpu.yield
    }) : () -> ()
    %barrier3A = arith.constant 0 : index
    tpu.barrier barrier_id(%barrier3A)
    %dma_start3A = arith.constant 0 : i32
    %dma_start3A_16 = arith.constant 0 : i32
    %dma_start3A_17 = tpu.memref_slice %arg6[%dma_start3A, %dma_start3A_16] : memref<160x128xi32, #tpu.memory_space<vmem>> -> memref<1x128xi32, #tpu.memory_space<vmem>>
    %dma_start3A_18 = tpu.memref_squeeze %dma_start3A_17 : memref<1x128xi32, #tpu.memory_space<vmem>> -> memref<128xi32, #tpu.memory_space<vmem>>
    %dma_start3A_19 = arith.constant 0 : i32
    %dma_start3A_20 = arith.constant 0 : i32
    %dma_start3A_21 = tpu.memref_slice %arg2[%arg0, %dma_start3A_19, %dma_start3A_20] : memref<2x10000x64xbf16, #tpu.memory_space<hbm>> -> memref<1x10000x64xbf16, #tpu.memory_space<hbm>>
    %dma_start3A_22 = tpu.memref_squeeze %dma_start3A_21 : memref<1x10000x64xbf16, #tpu.memory_space<hbm>> -> memref<10000x64xbf16, #tpu.memory_space<hbm>>
    %dma_start3A_23 = arith.constant 0 : i32
    %dma_start3A_24 = arith.constant 0 : i32
    %dma_start3A_25 = tpu.memref_slice %dma_start3A_22[%dma_start3A_23, %dma_start3A_24] : memref<10000x64xbf16, #tpu.memory_space<hbm>> -> memref<10000x64xbf16, #tpu.memory_space<hbm>>
    tpu.enqueue_indirect_dma source(%dma_start3A_25 : memref<10000x64xbf16, #tpu.memory_space<hbm>>) target(%arg8 : memref<128x64xbf16, #tpu.memory_space<vmem>>) offsets(%dma_start3A_18 : memref<128xi32, #tpu.memory_space<vmem>>) semaphore(%arg16 : memref<!tpu.dma_semaphore, #tpu.memory_space<semaphore_mem>>)
    %dma_start3A_26 = arith.constant 1 : i32
    %dma_start3A_27 = arith.constant 0 : i32
    %dma_start3A_28 = tpu.memref_slice %arg6[%dma_start3A_26, %dma_start3A_27] : memref<160x128xi32, #tpu.memory_space<vmem>> -> memref<1x128xi32, #tpu.memory_space<vmem>>
    %dma_start3A_29 = tpu.memref_squeeze %dma_start3A_28 : memref<1x128xi32, #tpu.memory_space<vmem>> -> memref<128xi32, #tpu.memory_space<vmem>>
    %dma_start3A_30 = arith.constant 0 : i32
    %dma_start3A_31 = arith.constant 0 : i32
    %dma_start3A_32 = tpu.memref_slice %arg2[%arg0, %dma_start3A_30, %dma_start3A_31] : memref<2x10000x64xbf16, #tpu.memory_space<hbm>> -> memref<1x10000x64xbf16, #tpu.memory_space<hbm>>
    %dma_start3A_33 = tpu.memref_squeeze %dma_start3A_32 : memref<1x10000x64xbf16, #tpu.memory_space<hbm>> -> memref<10000x64xbf16, #tpu.memory_space<hbm>>
    %dma_start3A_34 = arith.constant 0 : i32
    %dma_start3A_35 = arith.constant 0 : i32
    %dma_start3A_36 = tpu.memref_slice %dma_start3A_33[%dma_start3A_34, %dma_start3A_35] : memref<10000x64xbf16, #tpu.memory_space<hbm>> -> memref<10000x64xbf16, #tpu.memory_space<hbm>>
    tpu.enqueue_indirect_dma source(%dma_start3A_36 : memref<10000x64xbf16, #tpu.memory_space<hbm>>) target(%arg9 : memref<128x64xbf16, #tpu.memory_space<vmem>>) offsets(%dma_start3A_29 : memref<128xi32, #tpu.memory_space<vmem>>) semaphore(%arg17 : memref<!tpu.dma_semaphore, #tpu.memory_space<semaphore_mem>>)
    %dma_start3A_37 = arith.constant 2 : i32
    %dma_start3A_38 = arith.constant 0 : i32
    %dma_start3A_39 = tpu.memref_slice %arg6[%dma_start3A_37, %dma_start3A_38] : memref<160x128xi32, #tpu.memory_space<vmem>> -> memref<1x128xi32, #tpu.memory_space<vmem>>
    %dma_start3A_40 = tpu.memref_squeeze %dma_start3A_39 : memref<1x128xi32, #tpu.memory_space<vmem>> -> memref<128xi32, #tpu.memory_space<vmem>>
    %dma_start3A_41 = arith.constant 0 : i32
    %dma_start3A_42 = arith.constant 0 : i32
    %dma_start3A_43 = tpu.memref_slice %arg2[%arg0, %dma_start3A_41, %dma_start3A_42] : memref<2x10000x64xbf16, #tpu.memory_space<hbm>> -> memref<1x10000x64xbf16, #tpu.memory_space<hbm>>
    %dma_start3A_44 = tpu.memref_squeeze %dma_start3A_43 : memref<1x10000x64xbf16, #tpu.memory_space<hbm>> -> memref<10000x64xbf16, #tpu.memory_space<hbm>>
    %dma_start3A_45 = arith.constant 0 : i32
    %dma_start3A_46 = arith.constant 0 : i32
    %dma_start3A_47 = tpu.memref_slice %dma_start3A_44[%dma_start3A_45, %dma_start3A_46] : memref<10000x64xbf16, #tpu.memory_space<hbm>> -> memref<10000x64xbf16, #tpu.memory_space<hbm>>
    tpu.enqueue_indirect_dma source(%dma_start3A_47 : memref<10000x64xbf16, #tpu.memory_space<hbm>>) target(%arg10 : memref<128x64xbf16, #tpu.memory_space<vmem>>) offsets(%dma_start3A_40 : memref<128xi32, #tpu.memory_space<vmem>>) semaphore(%arg18 : memref<!tpu.dma_semaphore, #tpu.memory_space<semaphore_mem>>)
    %dma_start3A_48 = arith.constant 3 : i32
    %dma_start3A_49 = arith.constant 0 : i32
    %dma_start3A_50 = tpu.memref_slice %arg6[%dma_start3A_48, %dma_start3A_49] : memref<160x128xi32, #tpu.memory_space<vmem>> -> memref<1x128xi32, #tpu.memory_space<vmem>>
    %dma_start3A_51 = tpu.memref_squeeze %dma_start3A_50 : memref<1x128xi32, #tpu.memory_space<vmem>> -> memref<128xi32, #tpu.memory_space<vmem>>
    %dma_start3A_52 = arith.constant 0 : i32
    %dma_start3A_53 = arith.constant 0 : i32
    %dma_start3A_54 = tpu.memref_slice %arg2[%arg0, %dma_start3A_52, %dma_start3A_53] : memref<2x10000x64xbf16, #tpu.memory_space<hbm>> -> memref<1x10000x64xbf16, #tpu.memory_space<hbm>>
    %dma_start3A_55 = tpu.memref_squeeze %dma_start3A_54 : memref<1x10000x64xbf16, #tpu.memory_space<hbm>> -> memref<10000x64xbf16, #tpu.memory_space<hbm>>
    %dma_start3A_56 = arith.constant 0 : i32
    %dma_start3A_57 = arith.constant 0 : i32
    %dma_start3A_58 = tpu.memref_slice %dma_start3A_55[%dma_start3A_56, %dma_start3A_57] : memref<10000x64xbf16, #tpu.memory_space<hbm>> -> memref<10000x64xbf16, #tpu.memory_space<hbm>>
    tpu.enqueue_indirect_dma source(%dma_start3A_58 : memref<10000x64xbf16, #tpu.memory_space<hbm>>) target(%arg11 : memref<128x64xbf16, #tpu.memory_space<vmem>>) offsets(%dma_start3A_51 : memref<128xi32, #tpu.memory_space<vmem>>) semaphore(%arg19 : memref<!tpu.dma_semaphore, #tpu.memory_space<semaphore_mem>>)
    %scan3A_59 = arith.constant 0 : i32
    %scan3A_60 = arith.constant 0 : i32
    %scan3A_61 = arith.constant 40 : i32
    %scan3A_62 = arith.addi %scan3A_60, %scan3A_61 : i32
    %scan3A_63 = arith.constant 1 : i32
    scf.for %scan3A_93 = %scan3A_60 to %scan3A_62 step %scan3A_63  : i32 {
      %mul3A_94 = arith.constant 4 : i32
      %mul3A_95 = arith.muli %mul3A_94, %scan3A_93 : i32
      %add3A_96 = arith.constant 0 : i32
      %add3A_97 = arith.addi %mul3A_95, %add3A_96 : i32
      %dma_wait3A_98 = arith.constant 0 : i32
      %dma_wait3A_99 = tpu.memref_slice %arg6[%add3A_97, %dma_wait3A_98] : memref<160x128xi32, #tpu.memory_space<vmem>> -> memref<1x128xi32, #tpu.memory_space<vmem>>
      %dma_wait3A_100 = tpu.memref_squeeze %dma_wait3A_99 : memref<1x128xi32, #tpu.memory_space<vmem>> -> memref<128xi32, #tpu.memory_space<vmem>>
      %dma_wait3A_101 = arith.constant 0 : i32
      %dma_wait3A_102 = arith.constant 0 : i32
      %dma_wait3A_103 = tpu.memref_slice %arg2[%arg0, %dma_wait3A_101, %dma_wait3A_102] : memref<2x10000x64xbf16, #tpu.memory_space<hbm>> -> memref<1x10000x64xbf16, #tpu.memory_space<hbm>>
      %dma_wait3A_104 = tpu.memref_squeeze %dma_wait3A_103 : memref<1x10000x64xbf16, #tpu.memory_space<hbm>> -> memref<10000x64xbf16, #tpu.memory_space<hbm>>
      %dma_wait3A_105 = arith.constant 0 : i32
      %dma_wait3A_106 = arith.constant 0 : i32
      %dma_wait3A_107 = tpu.memref_slice %dma_wait3A_104[%dma_wait3A_105, %dma_wait3A_106] : memref<10000x64xbf16, #tpu.memory_space<hbm>> -> memref<10000x64xbf16, #tpu.memory_space<hbm>>
      tpu.wait_indirect_dma semaphore(%arg16 : memref<!tpu.dma_semaphore, #tpu.memory_space<semaphore_mem>>) src(%dma_wait3A_107 : memref<10000x64xbf16, #tpu.memory_space<hbm>>) dst(%arg8 : memref<128x64xbf16, #tpu.memory_space<vmem>>)
      %dma_start3A_108 = arith.constant 0 : i32
      %dma_start3A_109 = tpu.memref_slice %arg7[%add3A_97, %dma_start3A_108] : memref<160x128xi32, #tpu.memory_space<vmem>> -> memref<1x128xi32, #tpu.memory_space<vmem>>
      %dma_start3A_110 = tpu.memref_squeeze %dma_start3A_109 : memref<1x128xi32, #tpu.memory_space<vmem>> -> memref<128xi32, #tpu.memory_space<vmem>>
      %dma_start3A_111 = arith.constant 0 : i32
      %dma_start3A_112 = arith.constant 0 : i32
      %dma_start3A_113 = tpu.memref_slice %arg14[%dma_start3A_111, %dma_start3A_112] : memref<10240x64xbf16, #tpu.memory_space<vmem_shared>> -> memref<10240x64xbf16, #tpu.memory_space<vmem_shared>>
      tpu.enqueue_indirect_dma source(%arg8 : memref<128x64xbf16, #tpu.memory_space<vmem>>) target(%dma_start3A_113 : memref<10240x64xbf16, #tpu.memory_space<vmem_shared>>) offsets(%dma_start3A_110 : memref<128xi32, #tpu.memory_space<vmem>>) semaphore(%arg20 : memref<!tpu.dma_semaphore, #tpu.memory_space<semaphore_mem>>) {add = true}
      %mul3A_114 = arith.constant 4 : i32
      %mul3A_115 = arith.muli %mul3A_114, %scan3A_93 : i32
      %add3A_116 = arith.constant 1 : i32
      %add3A_117 = arith.addi %mul3A_115, %add3A_116 : i32
      %dma_wait3A_118 = arith.constant 0 : i32
      %dma_wait3A_119 = tpu.memref_slice %arg6[%add3A_117, %dma_wait3A_118] : memref<160x128xi32, #tpu.memory_space<vmem>> -> memref<1x128xi32, #tpu.memory_space<vmem>>
      %dma_wait3A_120 = tpu.memref_squeeze %dma_wait3A_119 : memref<1x128xi32, #tpu.memory_space<vmem>> -> memref<128xi32, #tpu.memory_space<vmem>>
      %dma_wait3A_121 = arith.constant 0 : i32
      %dma_wait3A_122 = arith.constant 0 : i32
      %dma_wait3A_123 = tpu.memref_slice %arg2[%arg0, %dma_wait3A_121, %dma_wait3A_122] : memref<2x10000x64xbf16, #tpu.memory_space<hbm>> -> memref<1x10000x64xbf16, #tpu.memory_space<hbm>>
      %dma_wait3A_124 = tpu.memref_squeeze %dma_wait3A_123 : memref<1x10000x64xbf16, #tpu.memory_space<hbm>> -> memref<10000x64xbf16, #tpu.memory_space<hbm>>
      %dma_wait3A_125 = arith.constant 0 : i32
      %dma_wait3A_126 = arith.constant 0 : i32
      %dma_wait3A_127 = tpu.memref_slice %dma_wait3A_124[%dma_wait3A_125, %dma_wait3A_126] : memref<10000x64xbf16, #tpu.memory_space<hbm>> -> memref<10000x64xbf16, #tpu.memory_space<hbm>>
      tpu.wait_indirect_dma semaphore(%arg17 : memref<!tpu.dma_semaphore, #tpu.memory_space<semaphore_mem>>) src(%dma_wait3A_127 : memref<10000x64xbf16, #tpu.memory_space<hbm>>) dst(%arg9 : memref<128x64xbf16, #tpu.memory_space<vmem>>)
      %dma_start3A_128 = arith.constant 0 : i32
      %dma_start3A_129 = tpu.memref_slice %arg7[%add3A_117, %dma_start3A_128] : memref<160x128xi32, #tpu.memory_space<vmem>> -> memref<1x128xi32, #tpu.memory_space<vmem>>
      %dma_start3A_130 = tpu.memref_squeeze %dma_start3A_129 : memref<1x128xi32, #tpu.memory_space<vmem>> -> memref<128xi32, #tpu.memory_space<vmem>>
      %dma_start3A_131 = arith.constant 0 : i32
      %dma_start3A_132 = arith.constant 0 : i32
      %dma_start3A_133 = tpu.memref_slice %arg14[%dma_start3A_131, %dma_start3A_132] : memref<10240x64xbf16, #tpu.memory_space<vmem_shared>> -> memref<10240x64xbf16, #tpu.memory_space<vmem_shared>>
      tpu.enqueue_indirect_dma source(%arg9 : memref<128x64xbf16, #tpu.memory_space<vmem>>) target(%dma_start3A_133 : memref<10240x64xbf16, #tpu.memory_space<vmem_shared>>) offsets(%dma_start3A_130 : memref<128xi32, #tpu.memory_space<vmem>>) semaphore(%arg21 : memref<!tpu.dma_semaphore, #tpu.memory_space<semaphore_mem>>) {add = true}
      %mul3A_134 = arith.constant 4 : i32
      %mul3A_135 = arith.muli %mul3A_134, %scan3A_93 : i32
      %add3A_136 = arith.constant 2 : i32
      %add3A_137 = arith.addi %mul3A_135, %add3A_136 : i32
      %dma_wait3A_138 = arith.constant 0 : i32
      %dma_wait3A_139 = tpu.memref_slice %arg6[%add3A_137, %dma_wait3A_138] : memref<160x128xi32, #tpu.memory_space<vmem>> -> memref<1x128xi32, #tpu.memory_space<vmem>>
      %dma_wait3A_140 = tpu.memref_squeeze %dma_wait3A_139 : memref<1x128xi32, #tpu.memory_space<vmem>> -> memref<128xi32, #tpu.memory_space<vmem>>
      %dma_wait3A_141 = arith.constant 0 : i32
      %dma_wait3A_142 = arith.constant 0 : i32
      %dma_wait3A_143 = tpu.memref_slice %arg2[%arg0, %dma_wait3A_141, %dma_wait3A_142] : memref<2x10000x64xbf16, #tpu.memory_space<hbm>> -> memref<1x10000x64xbf16, #tpu.memory_space<hbm>>
      %dma_wait3A_144 = tpu.memref_squeeze %dma_wait3A_143 : memref<1x10000x64xbf16, #tpu.memory_space<hbm>> -> memref<10000x64xbf16, #tpu.memory_space<hbm>>
      %dma_wait3A_145 = arith.constant 0 : i32
      %dma_wait3A_146 = arith.constant 0 : i32
      %dma_wait3A_147 = tpu.memref_slice %dma_wait3A_144[%dma_wait3A_145, %dma_wait3A_146] : memref<10000x64xbf16, #tpu.memory_space<hbm>> -> memref<10000x64xbf16, #tpu.memory_space<hbm>>
      tpu.wait_indirect_dma semaphore(%arg18 : memref<!tpu.dma_semaphore, #tpu.memory_space<semaphore_mem>>) src(%dma_wait3A_147 : memref<10000x64xbf16, #tpu.memory_space<hbm>>) dst(%arg10 : memref<128x64xbf16, #tpu.memory_space<vmem>>)
      %dma_start3A_148 = arith.constant 0 : i32
      %dma_start3A_149 = tpu.memref_slice %arg7[%add3A_137, %dma_start3A_148] : memref<160x128xi32, #tpu.memory_space<vmem>> -> memref<1x128xi32, #tpu.memory_space<vmem>>
      %dma_start3A_150 = tpu.memref_squeeze %dma_start3A_149 : memref<1x128xi32, #tpu.memory_space<vmem>> -> memref<128xi32, #tpu.memory_space<vmem>>
      %dma_start3A_151 = arith.constant 0 : i32
      %dma_start3A_152 = arith.constant 0 : i32
      %dma_start3A_153 = tpu.memref_slice %arg14[%dma_start3A_151, %dma_start3A_152] : memref<10240x64xbf16, #tpu.memory_space<vmem_shared>> -> memref<10240x64xbf16, #tpu.memory_space<vmem_shared>>
      tpu.enqueue_indirect_dma source(%arg10 : memref<128x64xbf16, #tpu.memory_space<vmem>>) target(%dma_start3A_153 : memref<10240x64xbf16, #tpu.memory_space<vmem_shared>>) offsets(%dma_start3A_150 : memref<128xi32, #tpu.memory_space<vmem>>) semaphore(%arg22 : memref<!tpu.dma_semaphore, #tpu.memory_space<semaphore_mem>>) {add = true}
      %mul3A_154 = arith.constant 4 : i32
      %mul3A_155 = arith.muli %mul3A_154, %scan3A_93 : i32
      %add3A_156 = arith.constant 3 : i32
      %add3A_157 = arith.addi %mul3A_155, %add3A_156 : i32
      %dma_wait3A_158 = arith.constant 0 : i32
      %dma_wait3A_159 = tpu.memref_slice %arg6[%add3A_157, %dma_wait3A_158] : memref<160x128xi32, #tpu.memory_space<vmem>> -> memref<1x128xi32, #tpu.memory_space<vmem>>
      %dma_wait3A_160 = tpu.memref_squeeze %dma_wait3A_159 : memref<1x128xi32, #tpu.memory_space<vmem>> -> memref<128xi32, #tpu.memory_space<vmem>>
      %dma_wait3A_161 = arith.constant 0 : i32
      %dma_wait3A_162 = arith.constant 0 : i32
      %dma_wait3A_163 = tpu.memref_slice %arg2[%arg0, %dma_wait3A_161, %dma_wait3A_162] : memref<2x10000x64xbf16, #tpu.memory_space<hbm>> -> memref<1x10000x64xbf16, #tpu.memory_space<hbm>>
      %dma_wait3A_164 = tpu.memref_squeeze %dma_wait3A_163 : memref<1x10000x64xbf16, #tpu.memory_space<hbm>> -> memref<10000x64xbf16, #tpu.memory_space<hbm>>
      %dma_wait3A_165 = arith.constant 0 : i32
      %dma_wait3A_166 = arith.constant 0 : i32
      %dma_wait3A_167 = tpu.memref_slice %dma_wait3A_164[%dma_wait3A_165, %dma_wait3A_166] : memref<10000x64xbf16, #tpu.memory_space<hbm>> -> memref<10000x64xbf16, #tpu.memory_space<hbm>>
      tpu.wait_indirect_dma semaphore(%arg19 : memref<!tpu.dma_semaphore, #tpu.memory_space<semaphore_mem>>) src(%dma_wait3A_167 : memref<10000x64xbf16, #tpu.memory_space<hbm>>) dst(%arg11 : memref<128x64xbf16, #tpu.memory_space<vmem>>)
      %dma_start3A_168 = arith.constant 0 : i32
      %dma_start3A_169 = tpu.memref_slice %arg7[%add3A_157, %dma_start3A_168] : memref<160x128xi32, #tpu.memory_space<vmem>> -> memref<1x128xi32, #tpu.memory_space<vmem>>
      %dma_start3A_170 = tpu.memref_squeeze %dma_start3A_169 : memref<1x128xi32, #tpu.memory_space<vmem>> -> memref<128xi32, #tpu.memory_space<vmem>>
      %dma_start3A_171 = arith.constant 0 : i32
      %dma_start3A_172 = arith.constant 0 : i32
      %dma_start3A_173 = tpu.memref_slice %arg14[%dma_start3A_171, %dma_start3A_172] : memref<10240x64xbf16, #tpu.memory_space<vmem_shared>> -> memref<10240x64xbf16, #tpu.memory_space<vmem_shared>>
      tpu.enqueue_indirect_dma source(%arg11 : memref<128x64xbf16, #tpu.memory_space<vmem>>) target(%dma_start3A_173 : memref<10240x64xbf16, #tpu.memory_space<vmem_shared>>) offsets(%dma_start3A_170 : memref<128xi32, #tpu.memory_space<vmem>>) semaphore(%arg23 : memref<!tpu.dma_semaphore, #tpu.memory_space<semaphore_mem>>) {add = true}
      %add3A_174 = arith.constant 1 : i32
      %add3A_175 = arith.addi %scan3A_93, %add3A_174 : i32
      %mul3A_176 = arith.constant 4 : i32
      %mul3A_177 = arith.muli %mul3A_176, %add3A_175 : i32
      %add3A_178 = arith.constant 0 : i32
      %add3A_179 = arith.addi %mul3A_177, %add3A_178 : i32
      %lt3A = arith.constant 160 : i32
      %lt3A_180 = arith.cmpi slt, %add3A_179, %lt3A : i32
      %convert_element_type3A = arith.extui %lt3A_180 : i1 to i32
      %cond3A = arith.constant 0 : i32
      %cond3A_181 = arith.cmpi ne, %convert_element_type3A, %cond3A : i32
      scf.if %cond3A_181 {
        %dma_wait3A_215 = arith.constant 0 : i32
        %dma_wait3A_216 = arith.constant 0 : i32
        %dma_wait3A_217 = tpu.memref_slice %arg7[%dma_wait3A_215, %dma_wait3A_216] : memref<160x128xi32, #tpu.memory_space<vmem>> -> memref<1x128xi32, #tpu.memory_space<vmem>>
        %dma_wait3A_218 = tpu.memref_squeeze %dma_wait3A_217 : memref<1x128xi32, #tpu.memory_space<vmem>> -> memref<128xi32, #tpu.memory_space<vmem>>
        %dma_wait3A_219 = arith.constant 0 : i32
        %dma_wait3A_220 = arith.constant 0 : i32
        %dma_wait3A_221 = tpu.memref_slice %arg14[%dma_wait3A_219, %dma_wait3A_220] : memref<10240x64xbf16, #tpu.memory_space<vmem_shared>> -> memref<10240x64xbf16, #tpu.memory_space<vmem_shared>>
        tpu.wait_indirect_dma semaphore(%arg20 : memref<!tpu.dma_semaphore, #tpu.memory_space<semaphore_mem>>) src(%arg8 : memref<128x64xbf16, #tpu.memory_space<vmem>>) dst(%dma_wait3A_221 : memref<10240x64xbf16, #tpu.memory_space<vmem_shared>>)
        %dma_start3A_222 = arith.constant 0 : i32
        %dma_start3A_223 = tpu.memref_slice %arg6[%add3A_179, %dma_start3A_222] : memref<160x128xi32, #tpu.memory_space<vmem>> -> memref<1x128xi32, #tpu.memory_space<vmem>>
        %dma_start3A_224 = tpu.memref_squeeze %dma_start3A_223 : memref<1x128xi32, #tpu.memory_space<vmem>> -> memref<128xi32, #tpu.memory_space<vmem>>
        %dma_start3A_225 = arith.constant 0 : i32
        %dma_start3A_226 = arith.constant 0 : i32
        %dma_start3A_227 = tpu.memref_slice %arg2[%arg0, %dma_start3A_225, %dma_start3A_226] : memref<2x10000x64xbf16, #tpu.memory_space<hbm>> -> memref<1x10000x64xbf16, #tpu.memory_space<hbm>>
        %dma_start3A_228 = tpu.memref_squeeze %dma_start3A_227 : memref<1x10000x64xbf16, #tpu.memory_space<hbm>> -> memref<10000x64xbf16, #tpu.memory_space<hbm>>
        %dma_start3A_229 = arith.constant 0 : i32
        %dma_start3A_230 = arith.constant 0 : i32
        %dma_start3A_231 = tpu.memref_slice %dma_start3A_228[%dma_start3A_229, %dma_start3A_230] : memref<10000x64xbf16, #tpu.memory_space<hbm>> -> memref<10000x64xbf16, #tpu.memory_space<hbm>>
        tpu.enqueue_indirect_dma source(%dma_start3A_231 : memref<10000x64xbf16, #tpu.memory_space<hbm>>) target(%arg8 : memref<128x64xbf16, #tpu.memory_space<vmem>>) offsets(%dma_start3A_224 : memref<128xi32, #tpu.memory_space<vmem>>) semaphore(%arg16 : memref<!tpu.dma_semaphore, #tpu.memory_space<semaphore_mem>>)
      } else {
      }
      %add3A_182 = arith.constant 1 : i32
      %add3A_183 = arith.addi %scan3A_93, %add3A_182 : i32
      %mul3A_184 = arith.constant 4 : i32
      %mul3A_185 = arith.muli %mul3A_184, %add3A_183 : i32
      %add3A_186 = arith.constant 1 : i32
      %add3A_187 = arith.addi %mul3A_185, %add3A_186 : i32
      %lt3A_188 = arith.constant 160 : i32
      %lt3A_189 = arith.cmpi slt, %add3A_187, %lt3A_188 : i32
      %convert_element_type3A_190 = arith.extui %lt3A_189 : i1 to i32
      %cond3A_191 = arith.constant 0 : i32
      %cond3A_192 = arith.cmpi ne, %convert_element_type3A_190, %cond3A_191 : i32
      scf.if %cond3A_192 {
        %dma_wait3A_215 = arith.constant 0 : i32
        %dma_wait3A_216 = arith.constant 0 : i32
        %dma_wait3A_217 = tpu.memref_slice %arg7[%dma_wait3A_215, %dma_wait3A_216] : memref<160x128xi32, #tpu.memory_space<vmem>> -> memref<1x128xi32, #tpu.memory_space<vmem>>
        %dma_wait3A_218 = tpu.memref_squeeze %dma_wait3A_217 : memref<1x128xi32, #tpu.memory_space<vmem>> -> memref<128xi32, #tpu.memory_space<vmem>>
        %dma_wait3A_219 = arith.constant 0 : i32
        %dma_wait3A_220 = arith.constant 0 : i32
        %dma_wait3A_221 = tpu.memref_slice %arg14[%dma_wait3A_219, %dma_wait3A_220] : memref<10240x64xbf16, #tpu.memory_space<vmem_shared>> -> memref<10240x64xbf16, #tpu.memory_space<vmem_shared>>
        tpu.wait_indirect_dma semaphore(%arg21 : memref<!tpu.dma_semaphore, #tpu.memory_space<semaphore_mem>>) src(%arg9 : memref<128x64xbf16, #tpu.memory_space<vmem>>) dst(%dma_wait3A_221 : memref<10240x64xbf16, #tpu.memory_space<vmem_shared>>)
        %dma_start3A_222 = arith.constant 0 : i32
        %dma_start3A_223 = tpu.memref_slice %arg6[%add3A_187, %dma_start3A_222] : memref<160x128xi32, #tpu.memory_space<vmem>> -> memref<1x128xi32, #tpu.memory_space<vmem>>
        %dma_start3A_224 = tpu.memref_squeeze %dma_start3A_223 : memref<1x128xi32, #tpu.memory_space<vmem>> -> memref<128xi32, #tpu.memory_space<vmem>>
        %dma_start3A_225 = arith.constant 0 : i32
        %dma_start3A_226 = arith.constant 0 : i32
        %dma_start3A_227 = tpu.memref_slice %arg2[%arg0, %dma_start3A_225, %dma_start3A_226] : memref<2x10000x64xbf16, #tpu.memory_space<hbm>> -> memref<1x10000x64xbf16, #tpu.memory_space<hbm>>
        %dma_start3A_228 = tpu.memref_squeeze %dma_start3A_227 : memref<1x10000x64xbf16, #tpu.memory_space<hbm>> -> memref<10000x64xbf16, #tpu.memory_space<hbm>>
        %dma_start3A_229 = arith.constant 0 : i32
        %dma_start3A_230 = arith.constant 0 : i32
        %dma_start3A_231 = tpu.memref_slice %dma_start3A_228[%dma_start3A_229, %dma_start3A_230] : memref<10000x64xbf16, #tpu.memory_space<hbm>> -> memref<10000x64xbf16, #tpu.memory_space<hbm>>
        tpu.enqueue_indirect_dma source(%dma_start3A_231 : memref<10000x64xbf16, #tpu.memory_space<hbm>>) target(%arg9 : memref<128x64xbf16, #tpu.memory_space<vmem>>) offsets(%dma_start3A_224 : memref<128xi32, #tpu.memory_space<vmem>>) semaphore(%arg17 : memref<!tpu.dma_semaphore, #tpu.memory_space<semaphore_mem>>)
      } else {
      }
      %add3A_193 = arith.constant 1 : i32
      %add3A_194 = arith.addi %scan3A_93, %add3A_193 : i32
      %mul3A_195 = arith.constant 4 : i32
      %mul3A_196 = arith.muli %mul3A_195, %add3A_194 : i32
      %add3A_197 = arith.constant 2 : i32
      %add3A_198 = arith.addi %mul3A_196, %add3A_197 : i32
      %lt3A_199 = arith.constant 160 : i32
      %lt3A_200 = arith.cmpi slt, %add3A_198, %lt3A_199 : i32
      %convert_element_type3A_201 = arith.extui %lt3A_200 : i1 to i32
      %cond3A_202 = arith.constant 0 : i32
      %cond3A_203 = arith.cmpi ne, %convert_element_type3A_201, %cond3A_202 : i32
      scf.if %cond3A_203 {
        %dma_wait3A_215 = arith.constant 0 : i32
        %dma_wait3A_216 = arith.constant 0 : i32
        %dma_wait3A_217 = tpu.memref_slice %arg7[%dma_wait3A_215, %dma_wait3A_216] : memref<160x128xi32, #tpu.memory_space<vmem>> -> memref<1x128xi32, #tpu.memory_space<vmem>>
        %dma_wait3A_218 = tpu.memref_squeeze %dma_wait3A_217 : memref<1x128xi32, #tpu.memory_space<vmem>> -> memref<128xi32, #tpu.memory_space<vmem>>
        %dma_wait3A_219 = arith.constant 0 : i32
        %dma_wait3A_220 = arith.constant 0 : i32
        %dma_wait3A_221 = tpu.memref_slice %arg14[%dma_wait3A_219, %dma_wait3A_220] : memref<10240x64xbf16, #tpu.memory_space<vmem_shared>> -> memref<10240x64xbf16, #tpu.memory_space<vmem_shared>>
        tpu.wait_indirect_dma semaphore(%arg22 : memref<!tpu.dma_semaphore, #tpu.memory_space<semaphore_mem>>) src(%arg10 : memref<128x64xbf16, #tpu.memory_space<vmem>>) dst(%dma_wait3A_221 : memref<10240x64xbf16, #tpu.memory_space<vmem_shared>>)
        %dma_start3A_222 = arith.constant 0 : i32
        %dma_start3A_223 = tpu.memref_slice %arg6[%add3A_198, %dma_start3A_222] : memref<160x128xi32, #tpu.memory_space<vmem>> -> memref<1x128xi32, #tpu.memory_space<vmem>>
        %dma_start3A_224 = tpu.memref_squeeze %dma_start3A_223 : memref<1x128xi32, #tpu.memory_space<vmem>> -> memref<128xi32, #tpu.memory_space<vmem>>
        %dma_start3A_225 = arith.constant 0 : i32
        %dma_start3A_226 = arith.constant 0 : i32
        %dma_start3A_227 = tpu.memref_slice %arg2[%arg0, %dma_start3A_225, %dma_start3A_226] : memref<2x10000x64xbf16, #tpu.memory_space<hbm>> -> memref<1x10000x64xbf16, #tpu.memory_space<hbm>>
        %dma_start3A_228 = tpu.memref_squeeze %dma_start3A_227 : memref<1x10000x64xbf16, #tpu.memory_space<hbm>> -> memref<10000x64xbf16, #tpu.memory_space<hbm>>
        %dma_start3A_229 = arith.constant 0 : i32
        %dma_start3A_230 = arith.constant 0 : i32
        %dma_start3A_231 = tpu.memref_slice %dma_start3A_228[%dma_start3A_229, %dma_start3A_230] : memref<10000x64xbf16, #tpu.memory_space<hbm>> -> memref<10000x64xbf16, #tpu.memory_space<hbm>>
        tpu.enqueue_indirect_dma source(%dma_start3A_231 : memref<10000x64xbf16, #tpu.memory_space<hbm>>) target(%arg10 : memref<128x64xbf16, #tpu.memory_space<vmem>>) offsets(%dma_start3A_224 : memref<128xi32, #tpu.memory_space<vmem>>) semaphore(%arg18 : memref<!tpu.dma_semaphore, #tpu.memory_space<semaphore_mem>>)
      } else {
      }
      %add3A_204 = arith.constant 1 : i32
      %add3A_205 = arith.addi %scan3A_93, %add3A_204 : i32
      %mul3A_206 = arith.constant 4 : i32
      %mul3A_207 = arith.muli %mul3A_206, %add3A_205 : i32
      %add3A_208 = arith.constant 3 : i32
      %add3A_209 = arith.addi %mul3A_207, %add3A_208 : i32
      %lt3A_210 = arith.constant 160 : i32
      %lt3A_211 = arith.cmpi slt, %add3A_209, %lt3A_210 : i32
      %convert_element_type3A_212 = arith.extui %lt3A_211 : i1 to i32
      %cond3A_213 = arith.constant 0 : i32
      %cond3A_214 = arith.cmpi ne, %convert_element_type3A_212, %cond3A_213 : i32
      scf.if %cond3A_214 {
        %dma_wait3A_215 = arith.constant 0 : i32
        %dma_wait3A_216 = arith.constant 0 : i32
        %dma_wait3A_217 = tpu.memref_slice %arg7[%dma_wait3A_215, %dma_wait3A_216] : memref<160x128xi32, #tpu.memory_space<vmem>> -> memref<1x128xi32, #tpu.memory_space<vmem>>
        %dma_wait3A_218 = tpu.memref_squeeze %dma_wait3A_217 : memref<1x128xi32, #tpu.memory_space<vmem>> -> memref<128xi32, #tpu.memory_space<vmem>>
        %dma_wait3A_219 = arith.constant 0 : i32
        %dma_wait3A_220 = arith.constant 0 : i32
        %dma_wait3A_221 = tpu.memref_slice %arg14[%dma_wait3A_219, %dma_wait3A_220] : memref<10240x64xbf16, #tpu.memory_space<vmem_shared>> -> memref<10240x64xbf16, #tpu.memory_space<vmem_shared>>
        tpu.wait_indirect_dma semaphore(%arg23 : memref<!tpu.dma_semaphore, #tpu.memory_space<semaphore_mem>>) src(%arg11 : memref<128x64xbf16, #tpu.memory_space<vmem>>) dst(%dma_wait3A_221 : memref<10240x64xbf16, #tpu.memory_space<vmem_shared>>)
        %dma_start3A_222 = arith.constant 0 : i32
        %dma_start3A_223 = tpu.memref_slice %arg6[%add3A_209, %dma_start3A_222] : memref<160x128xi32, #tpu.memory_space<vmem>> -> memref<1x128xi32, #tpu.memory_space<vmem>>
        %dma_start3A_224 = tpu.memref_squeeze %dma_start3A_223 : memref<1x128xi32, #tpu.memory_space<vmem>> -> memref<128xi32, #tpu.memory_space<vmem>>
        %dma_start3A_225 = arith.constant 0 : i32
        %dma_start3A_226 = arith.constant 0 : i32
        %dma_start3A_227 = tpu.memref_slice %arg2[%arg0, %dma_start3A_225, %dma_start3A_226] : memref<2x10000x64xbf16, #tpu.memory_space<hbm>> -> memref<1x10000x64xbf16, #tpu.memory_space<hbm>>
        %dma_start3A_228 = tpu.memref_squeeze %dma_start3A_227 : memref<1x10000x64xbf16, #tpu.memory_space<hbm>> -> memref<10000x64xbf16, #tpu.memory_space<hbm>>
        %dma_start3A_229 = arith.constant 0 : i32
        %dma_start3A_230 = arith.constant 0 : i32
        %dma_start3A_231 = tpu.memref_slice %dma_start3A_228[%dma_start3A_229, %dma_start3A_230] : memref<10000x64xbf16, #tpu.memory_space<hbm>> -> memref<10000x64xbf16, #tpu.memory_space<hbm>>
        tpu.enqueue_indirect_dma source(%dma_start3A_231 : memref<10000x64xbf16, #tpu.memory_space<hbm>>) target(%arg11 : memref<128x64xbf16, #tpu.memory_space<vmem>>) offsets(%dma_start3A_224 : memref<128xi32, #tpu.memory_space<vmem>>) semaphore(%arg19 : memref<!tpu.dma_semaphore, #tpu.memory_space<semaphore_mem>>)
      } else {
      }
    }
    %scan3A_64 = arith.constant 40 : i32
    %dma_wait3A = arith.constant 0 : i32
    %dma_wait3A_65 = arith.constant 0 : i32
    %dma_wait3A_66 = tpu.memref_slice %arg7[%dma_wait3A, %dma_wait3A_65] : memref<160x128xi32, #tpu.memory_space<vmem>> -> memref<1x128xi32, #tpu.memory_space<vmem>>
    %dma_wait3A_67 = tpu.memref_squeeze %dma_wait3A_66 : memref<1x128xi32, #tpu.memory_space<vmem>> -> memref<128xi32, #tpu.memory_space<vmem>>
    %dma_wait3A_68 = arith.constant 0 : i32
    %dma_wait3A_69 = arith.constant 0 : i32
    %dma_wait3A_70 = tpu.memref_slice %arg14[%dma_wait3A_68, %dma_wait3A_69] : memref<10240x64xbf16, #tpu.memory_space<vmem_shared>> -> memref<10240x64xbf16, #tpu.memory_space<vmem_shared>>
    tpu.wait_indirect_dma semaphore(%arg20 : memref<!tpu.dma_semaphore, #tpu.memory_space<semaphore_mem>>) src(%arg8 : memref<128x64xbf16, #tpu.memory_space<vmem>>) dst(%dma_wait3A_70 : memref<10240x64xbf16, #tpu.memory_space<vmem_shared>>)
    %dma_wait3A_71 = arith.constant 0 : i32
    %dma_wait3A_72 = arith.constant 0 : i32
    %dma_wait3A_73 = tpu.memref_slice %arg7[%dma_wait3A_71, %dma_wait3A_72] : memref<160x128xi32, #tpu.memory_space<vmem>> -> memref<1x128xi32, #tpu.memory_space<vmem>>
    %dma_wait3A_74 = tpu.memref_squeeze %dma_wait3A_73 : memref<1x128xi32, #tpu.memory_space<vmem>> -> memref<128xi32, #tpu.memory_space<vmem>>
    %dma_wait3A_75 = arith.constant 0 : i32
    %dma_wait3A_76 = arith.constant 0 : i32
    %dma_wait3A_77 = tpu.memref_slice %arg14[%dma_wait3A_75, %dma_wait3A_76] : memref<10240x64xbf16, #tpu.memory_space<vmem_shared>> -> memref<10240x64xbf16, #tpu.memory_space<vmem_shared>>
    tpu.wait_indirect_dma semaphore(%arg21 : memref<!tpu.dma_semaphore, #tpu.memory_space<semaphore_mem>>) src(%arg9 : memref<128x64xbf16, #tpu.memory_space<vmem>>) dst(%dma_wait3A_77 : memref<10240x64xbf16, #tpu.memory_space<vmem_shared>>)
    %dma_wait3A_78 = arith.constant 0 : i32
    %dma_wait3A_79 = arith.constant 0 : i32
    %dma_wait3A_80 = tpu.memref_slice %arg7[%dma_wait3A_78, %dma_wait3A_79] : memref<160x128xi32, #tpu.memory_space<vmem>> -> memref<1x128xi32, #tpu.memory_space<vmem>>
    %dma_wait3A_81 = tpu.memref_squeeze %dma_wait3A_80 : memref<1x128xi32, #tpu.memory_space<vmem>> -> memref<128xi32, #tpu.memory_space<vmem>>
    %dma_wait3A_82 = arith.constant 0 : i32
    %dma_wait3A_83 = arith.constant 0 : i32
    %dma_wait3A_84 = tpu.memref_slice %arg14[%dma_wait3A_82, %dma_wait3A_83] : memref<10240x64xbf16, #tpu.memory_space<vmem_shared>> -> memref<10240x64xbf16, #tpu.memory_space<vmem_shared>>
    tpu.wait_indirect_dma semaphore(%arg22 : memref<!tpu.dma_semaphore, #tpu.memory_space<semaphore_mem>>) src(%arg10 : memref<128x64xbf16, #tpu.memory_space<vmem>>) dst(%dma_wait3A_84 : memref<10240x64xbf16, #tpu.memory_space<vmem_shared>>)
    %dma_wait3A_85 = arith.constant 0 : i32
    %dma_wait3A_86 = arith.constant 0 : i32
    %dma_wait3A_87 = tpu.memref_slice %arg7[%dma_wait3A_85, %dma_wait3A_86] : memref<160x128xi32, #tpu.memory_space<vmem>> -> memref<1x128xi32, #tpu.memory_space<vmem>>
    %dma_wait3A_88 = tpu.memref_squeeze %dma_wait3A_87 : memref<1x128xi32, #tpu.memory_space<vmem>> -> memref<128xi32, #tpu.memory_space<vmem>>
    %dma_wait3A_89 = arith.constant 0 : i32
    %dma_wait3A_90 = arith.constant 0 : i32
    %dma_wait3A_91 = tpu.memref_slice %arg14[%dma_wait3A_89, %dma_wait3A_90] : memref<10240x64xbf16, #tpu.memory_space<vmem_shared>> -> memref<10240x64xbf16, #tpu.memory_space<vmem_shared>>
    tpu.wait_indirect_dma semaphore(%arg23 : memref<!tpu.dma_semaphore, #tpu.memory_space<semaphore_mem>>) src(%arg11 : memref<128x64xbf16, #tpu.memory_space<vmem>>) dst(%dma_wait3A_91 : memref<10240x64xbf16, #tpu.memory_space<vmem_shared>>)
    %barrier3A_92 = arith.constant 0 : index
    tpu.barrier barrier_id(%barrier3A_92)
    "tpu.region"() ({
      %run_scoped3A = tpu.sem_alloc : memref<!tpu.dma_semaphore, #tpu.memory_space<semaphore_mem>>
      %dma_start3A_93 = arith.constant 0 : i32
      %dma_start3A_94 = tpu.memref_slice %arg5[%mul3A_0, %arg0, %dma_start3A_93] : memref<10240x2x64xbf16, #tpu.memory_space<hbm>> -> memref<640x1x64xbf16, #tpu.memory_space<hbm>>
      %dma_start3A_95 = tpu.memref_squeeze %dma_start3A_94 : memref<640x1x64xbf16, #tpu.memory_space<hbm>> -> memref<640x64xbf16, #tpu.memory_space<hbm>>
      %dma_start3A_96 = arith.constant 0 : i32
      %dma_start3A_97 = tpu.memref_slice %arg14[%mul3A_0, %dma_start3A_96] : memref<10240x64xbf16, #tpu.memory_space<vmem_shared>> -> memref<640x64xbf16, #tpu.memory_space<vmem_shared>>
      tpu.enqueue_dma source(%dma_start3A_97 : memref<640x64xbf16, #tpu.memory_space<vmem_shared>>) target(%dma_start3A_95 : memref<640x64xbf16, #tpu.memory_space<hbm>>) target_semaphore(%run_scoped3A : memref<!tpu.dma_semaphore, #tpu.memory_space<semaphore_mem>>)
      %dma_wait3A_98 = arith.constant 0 : i32
      %dma_wait3A_99 = tpu.memref_slice %arg5[%mul3A_0, %arg0, %dma_wait3A_98] : memref<10240x2x64xbf16, #tpu.memory_space<hbm>> -> memref<640x1x64xbf16, #tpu.memory_space<hbm>>
      %dma_wait3A_100 = tpu.memref_squeeze %dma_wait3A_99 : memref<640x1x64xbf16, #tpu.memory_space<hbm>> -> memref<640x64xbf16, #tpu.memory_space<hbm>>
      %dma_wait3A_101 = arith.constant 0 : i32
      %dma_wait3A_102 = tpu.memref_slice %arg14[%mul3A_0, %dma_wait3A_101] : memref<10240x64xbf16, #tpu.memory_space<vmem_shared>> -> memref<640x64xbf16, #tpu.memory_space<vmem_shared>>
      tpu.wait_dma2 semaphore(%run_scoped3A : memref<!tpu.dma_semaphore, #tpu.memory_space<semaphore_mem>>) src(%dma_wait3A_102 : memref<640x64xbf16, #tpu.memory_space<vmem_shared>>) dst(%dma_wait3A_100 : memref<640x64xbf16, #tpu.memory_space<hbm>>)
      tpu.yield
    }) : () -> ()
    return
  }
}

module attributes {stable_mosaic.version = 14 : i64} {
  func.func @_layer1_body(%arg0: i32, %arg1: memref<2000x128xf32, #tpu.memory_space<vmem>>, %arg2: memref<2000x128xbf16, #tpu.memory_space<vmem>>, %arg3: memref<2000x1xf32, #tpu.memory_space<vmem>>, %arg4: memref<128x256xf32, #tpu.memory_space<vmem>>, %arg5: memref<128x256xf32, #tpu.memory_space<vmem>>, %arg6: memref<1x256xf32, #tpu.memory_space<vmem>>, %arg7: memref<256x128xf32, #tpu.memory_space<vmem>>, %arg8: memref<2000x256xf32, #tpu.memory_space<vmem>>, %arg9: memref<2x2000x64xbf16, #tpu.memory_space<vmem>>) attributes {dimension_semantics = [#tpu.dimension_semantics<arbitrary>], iteration_bounds = array<i64: 5>, scalar_prefetch = 0 : i64, scratch_operands = 0 : i64, tpu.core_type = #tpu.core_type<tc>, window_params = [{transform_indices = @transform_0, window_bounds = array<i64: 2000, 128>}, {transform_indices = @transform_1, window_bounds = array<i64: 2000, 128>}, {transform_indices = @transform_2, window_bounds = array<i64: 2000, 1>}, {pipeline_mode = #tpu.pipeline_mode<synchronous>, transform_indices = @transform_3, window_bounds = array<i64: 128, 256>}, {pipeline_mode = #tpu.pipeline_mode<synchronous>, transform_indices = @transform_4, window_bounds = array<i64: 128, 256>}, {pipeline_mode = #tpu.pipeline_mode<synchronous>, transform_indices = @transform_5, window_bounds = array<i64: 1, 256>}, {pipeline_mode = #tpu.pipeline_mode<synchronous>, transform_indices = @transform_6, window_bounds = array<i64: 256, 128>}, {transform_indices = @transform_7, window_bounds = array<i64: 2000, 256>}, {transform_indices = @transform_8, window_bounds = array<i64: 2, 2000, 64>}]} {
    %get3A = arith.constant 0 : index
    %get3A_0 = arith.constant 0 : index
    %get3A_1 = vector.load %arg3[%get3A, %get3A_0] : memref<2000x1xf32, #tpu.memory_space<vmem>>, vector<2000x1xf32>
    %max3A = arith.constant 1.000000e+00 : f32
    %max3A_2 = vector.broadcast %max3A : f32 to vector<2000x1xf32>
    %max3A_3 = arith.maximumf %get3A_1, %max3A_2 : vector<2000x1xf32>
    %get3A_4 = arith.constant 0 : index
    %get3A_5 = arith.constant 0 : index
    %get3A_6 = vector.load %arg2[%get3A_4, %get3A_5] : memref<2000x128xbf16, #tpu.memory_space<vmem>>, vector<2000x128xbf16>
    %convert_element_type3A = arith.extf %get3A_6 : vector<2000x128xbf16> to vector<2000x128xf32>
    %div3A = vector.broadcast %max3A_3 : vector<2000x1xf32> to vector<2000x128xf32>
    %div3A_7 = arith.divf %convert_element_type3A, %div3A : vector<2000x128xf32>
    %get3A_8 = arith.constant 0 : index
    %get3A_9 = arith.constant 0 : index
    %get3A_10 = vector.load %arg1[%get3A_8, %get3A_9] : memref<2000x128xf32, #tpu.memory_space<vmem>>, vector<2000x128xf32>
    %get3A_11 = arith.constant 0 : index
    %get3A_12 = arith.constant 0 : index
    %get3A_13 = vector.load %arg4[%get3A_11, %get3A_12] : memref<128x256xf32, #tpu.memory_space<vmem>>, vector<128x256xf32>
    %dot_general3A = arith.constant dense<0.000000e+00> : vector<2000x256xf32>
    %dot_general3A_14 = tpu.matmul %get3A_10, %get3A_13, %dot_general3A {dimension_numbers = #tpu.dot_dimension_numbers<[1], [0], [0], [1], [0, 0, 1, 1], [], []>, transpose_lhs_hint = false} : vector<2000x128xf32>, vector<128x256xf32>, vector<2000x256xf32> -> vector<2000x256xf32>
    %get3A_15 = arith.constant 0 : index
    %get3A_16 = arith.constant 0 : index
    %get3A_17 = vector.load %arg5[%get3A_15, %get3A_16] : memref<128x256xf32, #tpu.memory_space<vmem>>, vector<128x256xf32>
    %dot_general3A_18 = arith.constant dense<0.000000e+00> : vector<2000x256xf32>
    %dot_general3A_19 = tpu.matmul %div3A_7, %get3A_17, %dot_general3A_18 {dimension_numbers = #tpu.dot_dimension_numbers<[1], [0], [0], [1], [0, 0, 1, 1], [], []>, transpose_lhs_hint = false} : vector<2000x128xf32>, vector<128x256xf32>, vector<2000x256xf32> -> vector<2000x256xf32>
    %add3A = arith.addf %dot_general3A_14, %dot_general3A_19 : vector<2000x256xf32>
    %get3A_20 = arith.constant 0 : index
    %get3A_21 = arith.constant 0 : index
    %get3A_22 = vector.load %arg6[%get3A_20, %get3A_21] : memref<1x256xf32, #tpu.memory_space<vmem>>, vector<1x256xf32>
    %add3A_23 = vector.broadcast %get3A_22 : vector<1x256xf32> to vector<2000x256xf32>
    %add3A_24 = arith.addf %add3A, %add3A_23 : vector<2000x256xf32>
    %max3A_25 = arith.constant 0.000000e+00 : f32
    %max3A_26 = vector.broadcast %max3A_25 : f32 to vector<2000x256xf32>
    %max3A_27 = arith.maximumf %add3A_24, %max3A_26 : vector<2000x256xf32>
    %swap3A = arith.constant 0 : index
    %swap3A_28 = arith.constant 0 : index
    %swap3A_29 = vector.load %arg8[%swap3A, %swap3A_28] : memref<2000x256xf32, #tpu.memory_space<vmem>>, vector<2000x256xf32>
    tpu.vector_store %arg8[%swap3A, %swap3A_28], %max3A_27 {strides = array<i32>} : memref<2000x256xf32, #tpu.memory_space<vmem>>, vector<2000x256xf32>,
    %get3A_30 = arith.constant 0 : index
    %get3A_31 = arith.constant 0 : index
    %get3A_32 = vector.load %arg7[%get3A_30, %get3A_31] : memref<256x128xf32, #tpu.memory_space<vmem>>, vector<256x128xf32>
    %dot_general3A_33 = arith.constant dense<0.000000e+00> : vector<2000x128xf32>
    %dot_general3A_34 = tpu.matmul %max3A_27, %get3A_32, %dot_general3A_33 {dimension_numbers = #tpu.dot_dimension_numbers<[1], [0], [0], [1], [0, 0, 1, 1], [], []>, transpose_lhs_hint = false} : vector<2000x256xf32>, vector<256x128xf32>, vector<2000x128xf32> -> vector<2000x128xf32>
    %slice3A = vector.extract_strided_slice %dot_general3A_34 {offsets = [0, 0], sizes = [2000, 64], strides = [1, 1]} : vector<2000x128xf32> to vector<2000x64xf32>
    %convert_element_type3A_35 = arith.truncf %slice3A : vector<2000x64xf32> to vector<2000x64xbf16>
    %swap3A_36 = arith.constant 0 : index
    %swap3A_37 = arith.constant 0 : index
    %swap3A_38 = arith.constant 0 : index
    %swap3A_39 = vector.load %arg9[%swap3A_36, %swap3A_37, %swap3A_38] : memref<2x2000x64xbf16, #tpu.memory_space<vmem>>, vector<1x2000x64xbf16>
    %swap3A_40 = vector.shape_cast %swap3A_39 : vector<1x2000x64xbf16> to vector<2000x64xbf16>
    %swap3A_41 = vector.shape_cast %convert_element_type3A_35 : vector<2000x64xbf16> to vector<1x2000x64xbf16>
    tpu.vector_store %arg9[%swap3A_36, %swap3A_37, %swap3A_38], %swap3A_41 {strides = array<i32>} : memref<2x2000x64xbf16, #tpu.memory_space<vmem>>, vector<1x2000x64xbf16>,
    %slice3A_42 = vector.extract_strided_slice %dot_general3A_34 {offsets = [0, 64], sizes = [2000, 64], strides = [1, 1]} : vector<2000x128xf32> to vector<2000x64xf32>
    %convert_element_type3A_43 = arith.truncf %slice3A_42 : vector<2000x64xf32> to vector<2000x64xbf16>
    %swap3A_44 = arith.constant 1 : index
    %swap3A_45 = arith.constant 0 : index
    %swap3A_46 = arith.constant 0 : index
    %swap3A_47 = vector.load %arg9[%swap3A_44, %swap3A_45, %swap3A_46] : memref<2x2000x64xbf16, #tpu.memory_space<vmem>>, vector<1x2000x64xbf16>
    %swap3A_48 = vector.shape_cast %swap3A_47 : vector<1x2000x64xbf16> to vector<2000x64xbf16>
    %swap3A_49 = vector.shape_cast %convert_element_type3A_43 : vector<2000x64xbf16> to vector<1x2000x64xbf16>
    tpu.vector_store %arg9[%swap3A_44, %swap3A_45, %swap3A_46], %swap3A_49 {strides = array<i32>} : memref<2x2000x64xbf16, #tpu.memory_space<vmem>>, vector<1x2000x64xbf16>,
    return
  }
  func.func @transform_0(%arg0: i32) -> (i32, i32) {
    %c0_i32 = arith.constant 0 : i32
    %c0_i32_0 = arith.constant 0 : i32
    return %arg0, %c0_i32 : i32, i32
  }
  func.func @transform_1(%arg0: i32) -> (i32, i32) {
    %c0_i32 = arith.constant 0 : i32
    %c0_i32_0 = arith.constant 0 : i32
    return %arg0, %c0_i32 : i32, i32
  }
  func.func @transform_2(%arg0: i32) -> (i32, i32) {
    %c0_i32 = arith.constant 0 : i32
    %c0_i32_0 = arith.constant 0 : i32
    return %arg0, %c0_i32 : i32, i32
  }
  func.func @transform_3(%arg0: i32) -> (i32, i32) {
    %c0_i32 = arith.constant 0 : i32
    %c0_i32_0 = arith.constant 0 : i32
    %c0_i32_1 = arith.constant 0 : i32
    return %c0_i32, %c0_i32_0 : i32, i32
  }
  func.func @transform_4(%arg0: i32) -> (i32, i32) {
    %c0_i32 = arith.constant 0 : i32
    %c0_i32_0 = arith.constant 0 : i32
    %c0_i32_1 = arith.constant 0 : i32
    return %c0_i32, %c0_i32_0 : i32, i32
  }
  func.func @transform_5(%arg0: i32) -> (i32, i32) {
    %c0_i32 = arith.constant 0 : i32
    %c0_i32_0 = arith.constant 0 : i32
    %c0_i32_1 = arith.constant 0 : i32
    return %c0_i32, %c0_i32_0 : i32, i32
  }
  func.func @transform_6(%arg0: i32) -> (i32, i32) {
    %c0_i32 = arith.constant 0 : i32
    %c0_i32_0 = arith.constant 0 : i32
    %c0_i32_1 = arith.constant 0 : i32
    return %c0_i32, %c0_i32_0 : i32, i32
  }
  func.func @transform_7(%arg0: i32) -> (i32, i32) {
    %c0_i32 = arith.constant 0 : i32
    %c0_i32_0 = arith.constant 0 : i32
    return %arg0, %c0_i32 : i32, i32
  }
  func.func @transform_8(%arg0: i32) -> (i32, i32, i32) {
    %c0_i32 = arith.constant 0 : i32
    %c0_i32_0 = arith.constant 0 : i32
    %c0_i32_1 = arith.constant 0 : i32
    return %c0_i32, %arg0, %c0_i32_0 : i32, i32, i32
  }
}

module attributes {stable_mosaic.version = 14 : i64} {
  func.func @_layer2_body(%arg0: i32, %arg1: memref<2000x256xf32, #tpu.memory_space<vmem>>, %arg2: memref<2000x128xbf16, #tpu.memory_space<vmem>>, %arg3: memref<2000x1xf32, #tpu.memory_space<vmem>>, %arg4: memref<256x128xf32, #tpu.memory_space<vmem>>, %arg5: memref<1x128xf32, #tpu.memory_space<vmem>>, %arg6: memref<2000x128xf32, #tpu.memory_space<vmem>>) attributes {dimension_semantics = [#tpu.dimension_semantics<arbitrary>], iteration_bounds = array<i64: 5>, scalar_prefetch = 0 : i64, scratch_operands = 0 : i64, tpu.core_type = #tpu.core_type<tc>, window_params = [{transform_indices = @transform_0, window_bounds = array<i64: 2000, 256>}, {transform_indices = @transform_1, window_bounds = array<i64: 2000, 128>}, {transform_indices = @transform_2, window_bounds = array<i64: 2000, 1>}, {pipeline_mode = #tpu.pipeline_mode<synchronous>, transform_indices = @transform_3, window_bounds = array<i64: 256, 128>}, {pipeline_mode = #tpu.pipeline_mode<synchronous>, transform_indices = @transform_4, window_bounds = array<i64: 1, 128>}, {transform_indices = @transform_5, window_bounds = array<i64: 2000, 128>}]} {
    %get3A = arith.constant 0 : index
    %get3A_0 = arith.constant 0 : index
    %get3A_1 = vector.load %arg3[%get3A, %get3A_0] : memref<2000x1xf32, #tpu.memory_space<vmem>>, vector<2000x1xf32>
    %max3A = arith.constant 1.000000e+00 : f32
    %max3A_2 = vector.broadcast %max3A : f32 to vector<2000x1xf32>
    %max3A_3 = arith.maximumf %get3A_1, %max3A_2 : vector<2000x1xf32>
    %get3A_4 = arith.constant 0 : index
    %get3A_5 = arith.constant 0 : index
    %get3A_6 = vector.load %arg2[%get3A_4, %get3A_5] : memref<2000x128xbf16, #tpu.memory_space<vmem>>, vector<2000x128xbf16>
    %convert_element_type3A = arith.extf %get3A_6 : vector<2000x128xbf16> to vector<2000x128xf32>
    %div3A = vector.broadcast %max3A_3 : vector<2000x1xf32> to vector<2000x128xf32>
    %div3A_7 = arith.divf %convert_element_type3A, %div3A : vector<2000x128xf32>
    %get3A_8 = arith.constant 0 : index
    %get3A_9 = arith.constant 0 : index
    %get3A_10 = vector.load %arg1[%get3A_8, %get3A_9] : memref<2000x256xf32, #tpu.memory_space<vmem>>, vector<2000x256xf32>
    %get3A_11 = arith.constant 0 : index
    %get3A_12 = arith.constant 0 : index
    %get3A_13 = vector.load %arg4[%get3A_11, %get3A_12] : memref<256x128xf32, #tpu.memory_space<vmem>>, vector<256x128xf32>
    %dot_general3A = arith.constant dense<0.000000e+00> : vector<2000x128xf32>
    %dot_general3A_14 = tpu.matmul %get3A_10, %get3A_13, %dot_general3A {dimension_numbers = #tpu.dot_dimension_numbers<[1], [0], [0], [1], [0, 0, 1, 1], [], []>, transpose_lhs_hint = false} : vector<2000x256xf32>, vector<256x128xf32>, vector<2000x128xf32> -> vector<2000x128xf32>
    %add3A = arith.addf %dot_general3A_14, %div3A_7 : vector<2000x128xf32>
    %get3A_15 = arith.constant 0 : index
    %get3A_16 = arith.constant 0 : index
    %get3A_17 = vector.load %arg5[%get3A_15, %get3A_16] : memref<1x128xf32, #tpu.memory_space<vmem>>, vector<1x128xf32>
    %add3A_18 = vector.broadcast %get3A_17 : vector<1x128xf32> to vector<2000x128xf32>
    %add3A_19 = arith.addf %add3A, %add3A_18 : vector<2000x128xf32>
    %swap3A = arith.constant 0 : index
    %swap3A_20 = arith.constant 0 : index
    %swap3A_21 = vector.load %arg6[%swap3A, %swap3A_20] : memref<2000x128xf32, #tpu.memory_space<vmem>>, vector<2000x128xf32>
    tpu.vector_store %arg6[%swap3A, %swap3A_20], %add3A_19 {strides = array<i32>} : memref<2000x128xf32, #tpu.memory_space<vmem>>, vector<2000x128xf32>,
    return
  }
  func.func @transform_0(%arg0: i32) -> (i32, i32) {
    %c0_i32 = arith.constant 0 : i32
    %c0_i32_0 = arith.constant 0 : i32
    return %arg0, %c0_i32 : i32, i32
  }
  func.func @transform_1(%arg0: i32) -> (i32, i32) {
    %c0_i32 = arith.constant 0 : i32
    %c0_i32_0 = arith.constant 0 : i32
    return %arg0, %c0_i32 : i32, i32
  }
  func.func @transform_2(%arg0: i32) -> (i32, i32) {
    %c0_i32 = arith.constant 0 : i32
    %c0_i32_0 = arith.constant 0 : i32
    return %arg0, %c0_i32 : i32, i32
  }
  func.func @transform_3(%arg0: i32) -> (i32, i32) {
    %c0_i32 = arith.constant 0 : i32
    %c0_i32_0 = arith.constant 0 : i32
    %c0_i32_1 = arith.constant 0 : i32
    return %c0_i32, %c0_i32_0 : i32, i32
  }
  func.func @transform_4(%arg0: i32) -> (i32, i32) {
    %c0_i32 = arith.constant 0 : i32
    %c0_i32_0 = arith.constant 0 : i32
    %c0_i32_1 = arith.constant 0 : i32
    return %c0_i32, %c0_i32_0 : i32, i32
  }
  func.func @transform_5(%arg0: i32) -> (i32, i32) {
    %c0_i32 = arith.constant 0 : i32
    %c0_i32_0 = arith.constant 0 : i32
    return %arg0, %c0_i32 : i32, i32
  }
}

</mosaic_0001>

<sc_bundles>
// kernel: kernel.6.cloned.1.call-start
scs
__scs_entry_jumppad:
0x0: {  	(pc) =	sbr.rel $0x88, $3  }
0x1: {  	(tag) =	ssettag $0x0;
	lr =	simm.s32 $0x1  }
0x2: {  	[smem:$0x3F99] =	sst lr;
	_ =	strace $0xD0000000  }
0x3: {  	_ = 	snop  }
0x4: {  	_ = 	snop  }
0x5: {  	_ = 	snop  }
0x6: {  	_ = 	snop  }
0x7: {  	_ = 	snop  }
__scs_overlays_trampoline_lowered:
0x8: {  	[smem:$0x3FA8] =	sst s0  }
0x9: {  	[smem:$0x3FA9] =	sst s1  }
0xa: {  	[smem:$0x3FAA] =	sst s2  }
0xb: {  	[smem:$0x3FAB] =	sst s3  }
0xc: {  	[smem:$0x3FAC] =	sst s4  }
0xd: {  	[smem:$0x3FAD] =	sst s5  }
0xe: {  	[smem:$0x3FAE] =	sst s6  }
0xf: {  	[smem:$0x3FAF] =	sst s7  }
0x10: {  	[smem:$0x3FB0] =	sst s8  }
0x11: {  	[smem:$0x3FB1] =	sst s9;
	s0 =	simm.s32 @!p0 $0x0  }
0x12: {  	s1 =	sld [smem:$0x3F97];
	s0 =	simm.s32 @p0 $0x1  }
0x13: {  	[smem:$0x3FB2] =	sst s0;
	s0 =	simm.s32 @!p1 $0x0  }
0x14: {  	s2 =	sld [smem:$0x3F96];
	s0 =	simm.s32 @p1 $0x1  }
0x15: {  	[smem:$0x3FB3] =	sst s0;
	s0 =	simm.s32 @!p2 $0x0  }
0x16: {  	s3 =	sld [smem:$0x3FDB];
	s0 =	simm.s32 @p2 $0x1  }
0x17: {  	s4 =	simm.s32 $0x1BF5;
	[smem:$0x3FB5] =	sst s0  }
0x18: {  	s0 =	sld [smem:$0x3F98];
	_ =	swait.ge [sflag:s4], $0x0  }
0x19: {  	s7 =	sld [smem:$0x3F99]  }
0x1a: {  	s8 =	sadd.s32 $0xFFFFE003, lr  }
0x1b: {  	s9 =	sadd.s32 $0xFFFFFEF7, lr;
	s5 =	simm.s32 $0xFFFFFFFF;
	p2 =	slt.u32 s8, $0xFFFFF086  }
0x1c: {  	p1 =	slt.u32 s9, $0xF7A;
	s5 =	simm.s32 @!p2 $0x0  }
0x1d: {  	s5 =	simm.s32 @p1 $0x1;
	p0 =	seq.s32 s7, s2  }
0x1e: {  	s7 =	smul.u32 @!p0 $0xF7A, s2;
	p2 =	seq.s32 @!p0 s5, $0x0  }
0x1f: {  	s9 =	smul.u32 $0xF7A, s1;
	s8 =	simm.s32 @!p0 $0x1BF5;
	p2 =	por !p2, p0  }
0x20: {  	[sflag:s8] =	ssyncset.s32 @!p0 $0xFFFFF086;
	s6 =	sadd.s32 @!p0 s3, s7;
	s7 =	simm.s32 @!p0 $0x108  }
0x21: {  	s3 =	sadd.s32 s3, s9;
	s6 =	sadd.s32 @!p0 $0x88, s6;
	s7 =	simm.s32 @p2 $0x1082  }
0x22: {  	[simem:s7], [sflag:s8] =	dma.local @!p0 [hbm:s6], $0xF7A  }
0x23: {  	s9 =	sor.u32 $0xD0000000, s2;
	s6 =	simm.s32 $0x108;
	_ =	swait.ge @!p0 [sflag:s8], $0x0  }
0x24: {  	s3 =	sadd.s32 $0x88, s3;
	s6 =	simm.s32 @!p1 $0x1082;
	[sflag:s4] =	ssyncset.s32 $0xFFFFF086  }
0x25: {  	[simem:s6], [sflag:s4] =	dma.local [hbm:s3], $0xF7A  }
0x26: {  	[smem:$0x3F99] =	sst s1;
	(tag) =	ssettag s2;
	_ =	strace s9  }
0x27: {  	s1 =	sld [smem:$0x3FA9]  }
0x28: {  	s2 =	sld [smem:$0x3FAA]  }
0x29: {  	s4 =	sld [smem:$0x3FAC]  }
0x2a: {  	p0 =	seq.s32 s5, $0x0;
	s5 =	sld [smem:$0x3FAD]  }
0x2b: {  	s6 =	sld [smem:$0x3FAE]  }
0x2c: {  	s7 =	sld [smem:$0x3FAF]  }
0x2d: {  	s3 =	simm.s32 $0x108;
	s8 =	sld [smem:$0x3FB0]  }
0x2e: {  	s3 =	simm.s32 @!p0 $0x1082;
	s9 =	sld [smem:$0x3FB1]  }
0x2f: {  	lr =	sadd.s32 s0, s3;
	s0 =	sld [smem:$0x3FA8]  }
0x30: {  	s3 =	sld [smem:$0x3FAB]  }
0x31: {  	[smem:$0x3FB4] =	sst s10  }
0x32: {  	s10 =	sld [smem:$0x3FB2];
	_ =	sdelay $0x3  }
0x33: {  	p0 =	seq.s32 s10, $0x1;
	s10 =	sld [smem:$0x3FB4];
	_ =	sdelay $0x3  }
0x34: {  	[smem:$0x3FB4] =	sst s10  }
0x35: {  	s10 =	sld [smem:$0x3FB3];
	_ =	sdelay $0x3  }
0x36: {  	p1 =	seq.s32 s10, $0x1;
	s10 =	sld [smem:$0x3FB4];
	_ =	sdelay $0x3  }
0x37: {  	[smem:$0x3FB4] =	sst s10  }
0x38: {  	s10 =	sld [smem:$0x3FB5]  }
0x39: {  	_ = 	snop;
	(pc) =	sbr.ind lr, $3  }
0x3a: {  	_ = 	snop  }
0x3b: {  	_ = 	snop  }
0x3c: {  	p2 =	seq.s32 s10, $0x1;
	s10 =	sld [smem:$0x3FB4]  }
0x3d: {  	_ =	shalt  }
0x3e: {  	_ =	shalt  }
0x3f: {  	_ =	shalt  }
0x40: {  	_ =	shalt  }
0x41: {  	_ =	shalt  }
0x42: {  	_ =	shalt  }
0x43: {  	_ =	shalt  }
0x44: {  	_ =	shalt  }
0x45: {  	_ =	shalt  }
0x46: {  	_ =	shalt  }
0x47: {  	_ =	shalt  }
0x48: {  	_ =	shalt  }
0x49: {  	_ =	shalt  }
0x4a: {  	_ =	shalt  }
0x4b: {  	_ =	shalt  }
0x4c: {  	_ =	shalt  }
0x4d: {  	_ =	shalt  }
0x4e: {  	_ =	shalt  }
0x4f: {  	_ =	shalt  }
0x50: {  	_ =	shalt  }
0x51: {  	_ =	shalt  }
0x52: {  	_ =	shalt  }
0x53: {  	_ =	shalt  }
0x54: {  	_ =	shalt  }
0x55: {  	_ =	shalt  }
0x56: {  	_ =	shalt  }
0x57: {  	_ =	shalt  }
0x58: {  	_ =	shalt  }
0x59: {  	_ =	shalt  }
0x5a: {  	_ =	shalt  }
0x5b: {  	_ =	shalt  }
0x5c: {  	_ =	shalt  }
0x5d: {  	_ =	shalt  }
0x5e: {  	_ =	shalt  }
0x5f: {  	_ =	shalt  }
0x60: {  	_ =	shalt  }
0x61: {  	_ =	shalt  }
0x62: {  	_ =	shalt  }
0x63: {  	_ =	shalt  }
0x64: {  	_ =	shalt  }
0x65: {  	_ =	shalt  }
0x66: {  	_ =	shalt  }
0x67: {  	_ =	shalt  }
0x68: {  	_ =	shalt  }
0x69: {  	_ =	shalt  }
0x6a: {  	_ =	shalt  }
0x6b: {  	_ =	shalt  }
0x6c: {  	_ =	shalt  }
0x6d: {  	_ =	shalt  }
0x6e: {  	_ =	shalt  }
0x6f: {  	_ =	shalt  }
0x70: {  	_ =	shalt  }
0x71: {  	_ =	shalt  }
0x72: {  	_ =	shalt  }
0x73: {  	_ =	shalt  }
0x74: {  	_ =	shalt  }
0x75: {  	_ =	shalt  }
0x76: {  	_ =	shalt  }
0x77: {  	_ =	shalt  }
0x78: {  	_ =	shalt  }
0x79: {  	_ =	shalt  }
0x7a: {  	_ =	shalt  }
0x7b: {  	_ =	shalt  }
0x7c: {  	_ =	shalt  }
0x7d: {  	_ =	shalt  }
0x7e: {  	_ =	shalt  }
0x7f: {  	_ =	shalt  }
0x80: {  	_ =	shalt  }
0x81: {  	_ =	shalt  }
0x82: {  	_ =	shalt  }
0x83: {  	_ =	shalt  }
0x84: {  	_ =	shalt  }
0x85: {  	_ =	shalt  }
0x86: {  	_ =	shalt  }
0x87: {  	_ =	shalt  }
.Lfunc_end0:
.L_simem_size_0:
called_computation_lowered:
.L_overlay_start_0:
0x88: {  	s2 =	sld [smem:$0x3FD9]  }
0x89: {  	s3 =	sld [smem:$0x3FFE];
	_ =	sdelay $0x1  }
0x8a: {  	s1 =	srdreg.scid  }
0x8b: {  	s0 =	sand.u32 $0x1, s1  }
0x8c: {  	s17 =	sshll.u32 s0, $0xA;
	s2 =	sadd.s32 s3, s2  }
0x8d: {  	s2 =	sadd.s32 s2, s17  }
0x8e: {  	[smem:$0x3FC0] =	sst s2  }
0x8f: {  	_ = 	snop  }
0x90: {  	s2 =	sld [smem:$0x3FD0];
	(tm) =	ssettm $0x1  }
0x91: {  	s18 =	sld [smem:$0x3FFB];
	_ =	sdelay $0x3  }
0x92: {  	_ =	strace s18  }
0x93: {  	s3 =	sld [smem:$0x3FFC];
	_ =	sdelay $0x3  }
0x94: {  	_ =	strace s3  }
0x95: {  	s3 =	sld [smem:$0x3FFD];
	_ =	sdelay $0x3  }
0x96: {  	_ =	strace s3  }
0x97: {  	_ =	strace $0x8FFFFFFF  }
0x98: {  	s19 =	sld [smem:$0x3FDB];
	_ =	sdelay $0x1  }
0x99: {  	s4 =	simm.s32 $_scs_section_size  }
0x9a: {  	s5 =	simm.s32 $_size__tile_overlayer_lowered;
	s6 =	simm.s32 $_tile_overlayer_lowered  }
0x9b: {  	s22 =	simm.s32 $0x1BFF;
	s21 =	sshll.u32 s6, $0x1;
	s3 =	sadd.s32 s4, s19  }
0x9c: {  	s7 =	simm.s32 $0x0;
	s20 =	sshll.u32 s5, $0x1;
	s5 =	sadd.s32 s21, s3  }
0x9d: {  	[timem:s7], [sflag:s22] =	dma.local [hbm:s5], s20  }
0x9e: {  	_ =	swait.ge [sflag:s22], s20  }
0x9f: {  	s4 =	ssub.s32 $0x0, s20;
	[sflag:s22] =	ssyncset.done $0x0  }
0xa0: {  	[sflag:s22] =	ssyncadd.s32 s4;
	_ =	sdelay $0x1  }
0xa1: {  	s23 =	simm.s32 $0x1B8B  }
0xa2: {  	_ =	swait.ge [sflag:s23], $0x1  }
0xa3: {  	[sflag:s23] =	ssyncset.done $0x0  }
0xa4: {  	s25 =	simm.s32 $0x1B8E;
	s24 =	sld [smem:$0x3FFE];
	[sflag:s23] =	ssyncadd.s32 $0xFFFFFFFF  }
0xa5: {  	s26 =	simm.s32 $execute0_lowered;
	[smem:$0x3FD2] =	sst s25  }
0xa6: {  	s5 =	sshll.u32 s26, $0x1;
	_ =	strace $0x80000046;
	[dreg:$0x1] =	wrdreg $0xFFFFFFFF  }
0xa7: {  	s28 =	simm.s32 $_size_execute0_lowered;
	s3 =	sadd.s32 s3, s5;
	[dreg:$0x0] =	wrdreg $0x0  }
0xa8: {  	s5 =	sshll.u32 s28, $0x1;
	[dreg:$0x2] =	wrdreg s3  }
0xa9: {  	[dreg:$0x3] =	wrdreg s5  }
0xaa: {  	[dreg:$0x4] =	wrdreg $0xC0  }
0xab: {  	_ =	task [dreg:s7], $0x5FFFF  }
0xac: {  	[dreg:$0x1] =	wrdreg $0xFFFFFFFF  }
0xad: {  	[dreg:$0x0] =	wrdreg $0x60  }
0xae: {  	[dreg:$0x2] =	wrdreg s24  }
0xaf: {  	[dreg:$0x3] =	wrdreg s2  }
0xb0: {  	[dreg:$0x4] =	wrdreg $0xE0C00  }
0xb1: {  	[dreg:$0x5] =	wrdreg $0x130C00  }
0xb2: {  	[dreg:$0x6] =	wrdreg $0x9  }
0xb3: {  	_ =	task.clear_ibuf [dreg:s7], $0x7FFFF;
	_ =	strace $0x90000046  }
0xb4: {  	s29 =	simm.s32 $0x9;
	_ =	strace $0x80000048  }
0xb5: {  	_ =	swait.ge [sflag:s29], $0x1  }
0xb6: {  	[sflag:s29] =	ssyncadd.s32 $0xFFFFFFFF  }
0xb7: {  	_ =	strace $0x90000048  }
0xb8: {  	_ =	sfence  }
0xb9: {  	s30 =	sld [smem:$0x0];
	_ =	sdelay $0x2  }
0xba: {  	s31 =	sshll.u32 s1, $0xD;
	s1 =	sshrl.u32 s1, $0x2  }
0xbb: {  	s3 =	sand.u32 $0x4000, s31;
	s1 =	sadd.s32 s1, s30  }
0xbc: {  	s0 =	sor.u32 s3, s0;
	s1 =	sshll.u32 s1, $0x11  }
0xbd: {  	s0 =	sor.u32 s1, s0  }
0xbe: {  	s0 =	sadd.s32 $0x8F2B, s0  }
0xbf: {  	[sflag:s0] =	ssyncadd.remote.s32 $0x1  }
0xc0: {  	_ =	sfence.sel $0xFFFF  }
0xc1: {  	[dreg:$0x0] =	wrdreg $0xFFFFFFFF;
	(pc) =	sbr.abs _section_cstart, $3  }
0xc2: {  	[dreg:$0x1] =	wrdreg $0xFFFFFFFF  }
0xc3: {  	_ =	task.clear_ibuf [dreg:s7], $0x2FFFF;
	_ =	strace $0x9FFFFFFF  }
0xc4: {  	(tm) =	ssettm $0x7FFFFFFF  }
0xc5: {  	_ =	shalt  }
tec
execute0_lowered:
.L_overlay_start_1:
0x0: {  	(tag) =	ssettag $0x1  }
0x1: {  	s0 =	rddreg [dreg:$0x0]  }
0x2: {  	s2 =	rddreg [dreg:$0x1]  }
0x3: {  	s1 =	rddreg [dreg:$0x2];
	s4 =	srdreg.scid  }
0x4: {  	s3 =	rddreg [dreg:$0x3];
	s15 =	stileid.u32  }
0x5: {  	s18 =	simm.s32 $0x0;
	s30 =	simm.s32 $0x80;
	s7 =	smul.u32 $0xA00, s15  }
0x6: {  	s28 =	simm.s32 $0xB000;
	s29 =	simm.s32 $0x1;
	s8 =	smul.u32 $0x280, s15  }
0x7: {  	s6 =	sand.u32 $0x1, s4;
	[smem:$0x7FF] =	sst s18;
	s11 =	smul.u32 $0x14000, s15  }
0x8: {  	s5 =	smul.u32 $0x9C40, s6;
	_ =	strace $0x80000047;
	s10 =	ssub.s32 $0x2, s6  }
0x9: {  	p0 =	sne.s32 s6, $0x0;
	p1 =	seq.s32 s6, $0x0;
	s7 =	sadd.s32 s7, s0  }
0xa: {  	s16 =	sshrl.u32 s8, $0x3;
	s17 =	sshrl.u32 s10, $0x1;
	s12 =	sadd.s32 $0x80, s8  }
0xb: {  	s19 =	sshrl.u32 s11, $0x2;
	s21 =	sadd.s32 $0x100, s8;
	s15 =	sadd.s32 $0x180, s8  }
0xc: {  	s26 =	sadd.s32 s8, s3;
	s9 =	sadd.s32 s5, s0;
	s0 =	sadd.s32 s16, s0  }
0xd: {  	s10 =	ssub.s32 s10, s17;
	s31 =	sadd.s32 $0x40, s26;
	[dreg:$0xb] =	wrdreg s26  }
0xe: {  	s16 =	sadd.s32 $0x200, s8;
	s8 =	sadd.s32 s12, s3;
	[dreg:$0xc] =	wrdreg s31  }
0xf: {  	s13 =	sshll.u32 s12, $0x5;
	s19 =	sadd.s32 s19, s1;
	[dreg:$0xd] =	wrdreg s8  }
0x10: {  	s14 =	sshll.u32 s21, $0x5;
	s20 =	sadd.s32 s13, s1;
	[dreg:$0x6] =	wrdreg s19  }
0x11: {  	s23 =	sshll.u32 s15, $0x5;
	s22 =	sadd.s32 s14, s1;
	[dreg:$0x7] =	wrdreg s20  }
0x12: {  	s12 =	sshll.u32 s6, $0x6;
	s24 =	sadd.s32 s23, s1;
	[dreg:$0x8] =	wrdreg s22  }
0x13: {  	s6 =	simm.s32 $0x5;
	s14 =	sadd.s32 $0xC0, s26;
	[dreg:$0x9] =	wrdreg s24  }
0x14: {  	s17 =	sshll.u32 s16, $0x5;
	s23 =	sadd.s32 s16, s3;
	[dreg:$0xe] =	wrdreg s14  }
0x15: {  	s8 =	sor.u32 s12, s11;
	s0 =	sadd.s32 $0x2A600, s0;
	[dreg:$0x13] =	wrdreg s23  }
0x16: {  	s31 =	smax.u32 s10, $0x1;
	s11 =	simm.s32 $0x9;
	[dreg:$0x18] =	wrdreg s0  }
0x17: {  	s25 =	sadd.s32 s17, s1;
	s17 =	sadd.s32 s21, s3;
	[dreg:$0x19] =	wrdreg s31  }
0x18: {  	s20 =	sadd.s32 $0x140, s26;
	s21 =	sadd.s32 s15, s3;
	[dreg:$0xa] =	wrdreg s25  }
0x19: {  	s8 =	sshrl.u32 s8, $0x4;
	s22 =	sadd.s32 $0x1C0, s26;
	[dreg:$0xf] =	wrdreg s17  }
0x1a: {  	s24 =	sadd.s32 $0x240, s26;
	s26 =	sadd.s32 $0x16600, s7;
	[dreg:$0x10] =	wrdreg s20  }
0x1b: {  	s23 =	sadd.s32 $0x2C00, s9;
	s14 =	simm.s32 $0xA;
	[dreg:$0x11] =	wrdreg s21  }
.Ltmp0:
0x1c: {  	s0 =	simm.s32 $0xD000;
	[dreg:$0x12] =	wrdreg s22;
	(pc) =	sbr.rel .LBB2_1-.Ltmp0, $4  }
0x1d: {  	s9 =	simm.s32 $0x8;
	s2 =	sadd.s32 s2, s8;
	[dreg:$0x15] =	wrdreg s24  }
0x1e: {  	s25 =	sadd.s32 $0x20600, s7;
	[dreg:$0x17] =	wrdreg s26;
	s26 =	simm.s32 $0xA000  }
0x1f: {  	s24 =	simm.s32 $0x3;
	s7 =	simm.s32 $0x6;
	[dreg:$0x14] =	wrdreg s2  }
0x20: {  	v0 =	vimm.bf16 $0.0e+00;
	s8 =	simm.s32 $0x7;
	[dreg:$0x16] =	wrdreg s25;
	s2 =	simm.s32 $0xC000  }
.LBB2_9:
0x21: {  	s4 =	stileid.u32;
	[bflag:$0x0] =	sbarrier.arrive $0xFFFF;
	s12 =	simm.s32 $0x4  }
0x22: {  	s14 =	simm.s32 $0xA;
	s4 =	sshll.u32 s4, $0x6;
	s19 =	rddreg [dreg:$0x6]  }
0x23: {  	s10 =	rddreg [dreg:$0x14];
	s4 =	sor.u32 $0x1C0A, s4;
	s5 =	sshrl.u32 s19, $0x3  }
0x24: {  	[hbm:s10@s9], [sflag:s4] =	dma.strided [spmem:s5@s12], $0xA00, s29, $0x4   }
0x25: {  	_ =	swait.ge [sflag:s14], $0xA00  }
0x26: {  	[sflag:s14] =	ssyncset.done $0x0  }
0x27: {  	[sflag:s14] =	ssyncadd.s32 $0xFFFFF600  }
.LBB2_10:
0x28: {  	s18 =	sadd.s32 $0x1, s18;
	s4 =	rddreg [dreg:$0x19]  }
0x29: {  	p2 =	sne.s32 s18, s4  }
.Ltmp1:
0x2a: {  	_ = 	snop;
	(pc) =	sbr.rel @!p2 .LBB2_11-.Ltmp1, $1  }
0x2b: {  	_ =	sdelay $0x3  }
.LBB2_1:
0x2c: {  	[dreg:$0x5] =	wrdreg s18;
	s10 =	simm.s32 $0x80;
	s12 =	simm.s32 $0x0  }
.LBB2_2:
0x2d: {  	p2 =	sne.s32 s10, $0x3F80;
	[tilespmem:s12+$0xA000] =	vst v0;
	s13 =	smov.u32 s10;
	s10 =	sadd.s32 $0x80, s10  }
.Ltmp2:
0x2e: {  	[tilespmem:s12+$0xA010] =	vst v0;
	(pc) =	sbr.rel @p2 .LBB2_2-.Ltmp2, $2  }
0x2f: {  	_ =	sdelay $0x2  }
0x30: {  	s12 =	sshra.s32 s13, $0x2  }
0x31: {  	[tilespmem:s12+$0xA000] =	vst v0  }
0x32: {  	[tilespmem:s12+$0xA010] =	vst v0  }
0x33: {  	[spmem:s19] =	stream.linear.scatter [tilespmem:s26], [sflag:$0xA], $0x1000, $0x38;
	[tilespmem:$0x13340] =	vst v63  }
0x34: {  	_ =	swait.ge [sflag:s14], $0x1000  }
0x35: {  	[sflag:s14] =	ssyncset.done $0x0  }
0x36: {  	s4 =	rddreg [dreg:$0x7];
	[sflag:s14] =	ssyncadd.s32 $0xFFFFF000  }
0x37: {  	[spmem:s4] =	stream.linear.scatter [tilespmem:s26], [sflag:$0xA], $0x1000, $0x38;
	[tilespmem:$0x13340] =	vst v63  }
0x38: {  	_ =	swait.ge [sflag:s14], $0x1000  }
0x39: {  	[sflag:s14] =	ssyncset.done $0x0  }
0x3a: {  	s17 =	rddreg [dreg:$0x8];
	[sflag:s14] =	ssyncadd.s32 $0xFFFFF000  }
0x3b: {  	[spmem:s17] =	stream.linear.scatter [tilespmem:s26], [sflag:$0xA], $0x1000, $0x38;
	[tilespmem:$0x13340] =	vst v63  }
0x3c: {  	_ =	swait.ge [sflag:s14], $0x1000  }
0x3d: {  	[sflag:s14] =	ssyncset.done $0x0  }
0x3e: {  	s18 =	rddreg [dreg:$0x9];
	[sflag:s14] =	ssyncadd.s32 $0xFFFFF000  }
0x3f: {  	[spmem:s18] =	stream.linear.scatter [tilespmem:s26], [sflag:$0xA], $0x1000, $0x38;
	[tilespmem:$0x13340] =	vst v63  }
0x40: {  	_ =	swait.ge [sflag:s14], $0x1000  }
0x41: {  	[sflag:s14] =	ssyncset.done $0x0  }
0x42: {  	s19 =	rddreg [dreg:$0xa];
	[sflag:s14] =	ssyncadd.s32 $0xFFFFF000  }
0x43: {  	[spmem:s19] =	stream.linear.scatter [tilespmem:s26], [sflag:$0xA], $0x1000, $0x38;
	[tilespmem:$0x13340] =	vst v63  }
0x44: {  	_ =	swait.ge [sflag:s14], $0x1000  }
0x45: {  	[sflag:s14] =	ssyncset.done $0x0  }
0x46: {  	v1 =	vimm.f32 @!p0 $0.0e+00;
	[sflag:s14] =	ssyncadd.s32 $0xFFFFF000  }
0x47: {  	[tilespmem:$0xE080] =	vst @!p0 v1  }
0x48: {  	[tilespmem:$0xE090] =	vst @!p0 v1  }
0x49: {  	[tilespmem:$0xE0A0] =	vst @!p0 v1  }
0x4a: {  	s10 =	simm.s32 @!p0 $0xE080;
	s12 =	simm.s32 @!p0 $0xA;
	s4 =	rddreg [dreg:$0xb];
	[tilespmem:$0xE0B0] =	vst @!p0 v1  }
0x4b: {  	[spmem:s4] =	stream.linear.scatter @!p0 [tilespmem:s10], [sflag:$0xA], $0x40, $0x38;
	[tilespmem:$0x13340] =	vst v63  }
0x4c: {  	_ =	swait.ge @!p0 [sflag:s12], $0x40  }
0x4d: {  	[sflag:s12] =	ssyncset.done @!p0 $0x0  }
0x4e: {  	s4 =	rddreg [dreg:$0xc];
	[sflag:s12] =	ssyncadd.s32 @!p0 $0xFFFFFFC0  }
0x4f: {  	[spmem:s4] =	stream.linear.scatter @!p0 [tilespmem:s10], [sflag:$0xA], $0x40, $0x38;
	[tilespmem:$0x13340] =	vst v63  }
0x50: {  	_ =	swait.ge @!p0 [sflag:s12], $0x40  }
0x51: {  	[sflag:s12] =	ssyncset.done @!p0 $0x0  }
0x52: {  	s4 =	rddreg [dreg:$0xd];
	[sflag:s12] =	ssyncadd.s32 @!p0 $0xFFFFFFC0  }
0x53: {  	[spmem:s4] =	stream.linear.scatter @!p0 [tilespmem:s10], [sflag:$0xA], $0x40, $0x38;
	[tilespmem:$0x13340] =	vst v63  }
0x54: {  	_ =	swait.ge @!p0 [sflag:s12], $0x40  }
0x55: {  	[sflag:s12] =	ssyncset.done @!p0 $0x0  }
0x56: {  	s4 =	rddreg [dreg:$0xe];
	[sflag:s12] =	ssyncadd.s32 @!p0 $0xFFFFFFC0  }
0x57: {  	[spmem:s4] =	stream.linear.scatter @!p0 [tilespmem:s10], [sflag:$0xA], $0x40, $0x38;
	[tilespmem:$0x13340] =	vst v63  }
0x58: {  	_ =	swait.ge @!p0 [sflag:s12], $0x40  }
0x59: {  	[sflag:s12] =	ssyncset.done @!p0 $0x0  }
0x5a: {  	s4 =	rddreg [dreg:$0xf];
	[sflag:s12] =	ssyncadd.s32 @!p0 $0xFFFFFFC0  }
0x5b: {  	[spmem:s4] =	stream.linear.scatter @!p0 [tilespmem:s10], [sflag:$0xA], $0x40, $0x38;
	[tilespmem:$0x13340] =	vst v63  }
0x5c: {  	_ =	swait.ge @!p0 [sflag:s12], $0x40  }
0x5d: {  	[sflag:s12] =	ssyncset.done @!p0 $0x0  }
0x5e: {  	s4 =	rddreg [dreg:$0x10];
	[sflag:s12] =	ssyncadd.s32 @!p0 $0xFFFFFFC0  }
0x5f: {  	[spmem:s4] =	stream.linear.scatter @!p0 [tilespmem:s10], [sflag:$0xA], $0x40, $0x38;
	[tilespmem:$0x13340] =	vst v63  }
0x60: {  	_ =	swait.ge @!p0 [sflag:s12], $0x40  }
0x61: {  	[sflag:s12] =	ssyncset.done @!p0 $0x0  }
0x62: {  	s4 =	rddreg [dreg:$0x11];
	[sflag:s12] =	ssyncadd.s32 @!p0 $0xFFFFFFC0  }
0x63: {  	[spmem:s4] =	stream.linear.scatter @!p0 [tilespmem:s10], [sflag:$0xA], $0x40, $0x38;
	[tilespmem:$0x13340] =	vst v63  }
0x64: {  	_ =	swait.ge @!p0 [sflag:s12], $0x40  }
0x65: {  	[sflag:s12] =	ssyncset.done @!p0 $0x0  }
0x66: {  	s4 =	rddreg [dreg:$0x12];
	[sflag:s12] =	ssyncadd.s32 @!p0 $0xFFFFFFC0  }
0x67: {  	[spmem:s4] =	stream.linear.scatter @!p0 [tilespmem:s10], [sflag:$0xA], $0x40, $0x38;
	[tilespmem:$0x13340] =	vst v63  }
0x68: {  	_ =	swait.ge @!p0 [sflag:s12], $0x40  }
0x69: {  	[sflag:s12] =	ssyncset.done @!p0 $0x0  }
0x6a: {  	s4 =	rddreg [dreg:$0x13];
	[sflag:s12] =	ssyncadd.s32 @!p0 $0xFFFFFFC0  }
0x6b: {  	[spmem:s4] =	stream.linear.scatter @!p0 [tilespmem:s10], [sflag:$0xA], $0x40, $0x38;
	[tilespmem:$0x13340] =	vst v63  }
0x6c: {  	_ =	swait.ge @!p0 [sflag:s12], $0x40  }
0x6d: {  	[sflag:s12] =	ssyncset.done @!p0 $0x0  }
0x6e: {  	s4 =	rddreg [dreg:$0x15];
	[sflag:s12] =	ssyncadd.s32 @!p0 $0xFFFFFFC0  }
0x6f: {  	[spmem:s4] =	stream.linear.scatter @!p0 [tilespmem:s10], [sflag:$0xA], $0x40, $0x38;
	[tilespmem:$0x13340] =	vst v63  }
0x70: {  	_ =	swait.ge @!p0 [sflag:s12], $0x40  }
0x71: {  	[sflag:s12] =	ssyncset.done @!p0 $0x0  }
0x72: {  	v1 =	vimm.f32 @!p0 $1.000000000e+00;
	[sflag:s12] =	ssyncadd.s32 @!p0 $0xFFFFFFC0  }
0x73: {  	[tilespmem:$0xE000] =	vst @!p0 v1  }
0x74: {  	[tilespmem:$0xE010] =	vst @!p0 v1  }
0x75: {  	[tilespmem:$0xE020] =	vst @!p0 v1  }
0x76: {  	[tilespmem:$0xE030] =	vst @!p0 v1  }
0x77: {  	[tilespmem:$0xE040] =	vst @!p0 v1  }
0x78: {  	[tilespmem:$0xE050] =	vst @!p0 v1  }
0x79: {  	[tilespmem:$0xE060] =	vst @!p0 v1  }
0x7a: {  	s20 =	simm.s32 $0x0;
	s21 =	rddreg [dreg:$0x16];
	[tilespmem:$0xE070] =	vst @!p0 v1  }
0x7b: {  	[tilespmem:s20], [sflag:$0xA] =	stream.linear.gather [hbm4b:s21+s20], $0x5000, $0x38;
	[tilespmem:$0x13340] =	vst v63  }
0x7c: {  	_ =	swait.ge [sflag:s14], $0x5000  }
0x7d: {  	[sflag:s14] =	ssyncset.done $0x0  }
0x7e: {  	s5 =	simm.s32 $0x5000;
	s22 =	rddreg [dreg:$0x17];
	[sflag:s14] =	ssyncadd.s32 $0xFFFFB000  }
0x7f: {  	[tilespmem:s5], [sflag:$0xA] =	stream.linear.gather [hbm4b:s22+s20], $0x5000, $0x38;
	[tilespmem:$0x13340] =	vst v63  }
0x80: {  	_ =	swait.ge [sflag:s14], $0x5000  }
0x81: {  	[sflag:s14] =	ssyncset.done $0x0  }
0x82: {  	[sflag:s14] =	ssyncadd.s32 $0xFFFFB000  }
0x83: {  	[bflag:$0x0] =	sbarrier.arrive $0xFFFF  }
0x84: {  	[tilespmem:s26], [sflag:$0x1] =	stream.indirect.gather [hbm4b:s23+s30], $0x20, s20, s30, $0xb8;
	[tilespmem:$0x13340] =	vst v63  }
0x85: {  	_ = 	snop  }
0x86: {  	[tilespmem:s28], [sflag:$0x2] =	stream.indirect.gather [hbm4b:s23+s30], $0x20, s30, s30, $0xb8;
	[tilespmem:$0x13340] =	vst v63  }
0x87: {  	s25 =	simm.s32 $0x100  }
0x88: {  	[tilespmem:s2], [sflag:$0x3] =	stream.indirect.gather [hbm4b:s23+s30], $0x20, s25, s30, $0xb8;
	[tilespmem:$0x13340] =	vst v63  }
0x89: {  	s31 =	simm.s32 $0x180  }
0x8a: {  	[tilespmem:s0], [sflag:$0x4] =	stream.indirect.gather [hbm4b:s23+s30], $0x20, s31, s30, $0xb8;
	[tilespmem:$0x13340] =	vst v63  }
0x8b: {  	_ =	swait.ge [sflag:s29], $0x1000  }
0x8c: {  	[sflag:s29] =	ssyncset.done $0x0  }
0x8d: {  	s10 =	simm.s32 $0x5000;
	s12 =	simm.s32 @p0 $0x2;
	[sflag:s29] =	ssyncadd.s32 $0xFFFFF000  }
0x8e: {  	[spmem:s1] =	stream.indirect.scatter.add.bf16 [tilespmem:s26], [sflag:$0x5], $0x20, s10, s30, $0xb8;
	[tilespmem:$0x13340] =	vst v63  }
0x8f: {  	_ =	swait.ge @p0 [sflag:s12], $0x1000  }
0x90: {  	s13 =	simm.s32 @p0 $0xB000;
	[sflag:s12] =	ssyncset.done @p0 $0x0  }
0x91: {  	s15 =	simm.s32 @p0 $0x5080;
	s14 =	simm.s32 @p0 $0x80;
	[sflag:s12] =	ssyncadd.s32 @p0 $0xFFFFF000  }
0x92: {  	[spmem:s1] =	stream.indirect.scatter.add.bf16 @p0 [tilespmem:s13], [sflag:$0x6], $0x20, s15, s14, $0xb8;
	[tilespmem:$0x13340] =	vst v63  }
0x93: {  	s16 =	simm.s32 @!p0 $0xE000;
	s17 =	simm.s32 @!p0 $0x2;
	s15 =	simm.s32 @!p0 $0x80  }
0x94: {  	[spmem:s3] =	stream.indirect.scatter.add.f32 @!p0 [tilespmem:s16], [sflag:$0x9], $0x1, s10, s15, $0xb8;
	[tilespmem:$0x13340] =	vst v63  }
0x95: {  	_ =	swait.ge @!p0 [sflag:s17], $0x1000  }
0x96: {  	[sflag:s17] =	ssyncset.done @!p0 $0x0  }
0x97: {  	s18 =	simm.s32 @!p0 $0xB000;
	s10 =	simm.s32 @!p0 $0x5080;
	[sflag:s17] =	ssyncadd.s32 @!p0 $0xFFFFF000  }
0x98: {  	[spmem:s1] =	stream.indirect.scatter.add.bf16 @!p0 [tilespmem:s18], [sflag:$0x6], $0x20, s10, s15, $0xb8;
	[tilespmem:$0x13340] =	vst v63  }
0x99: {  	_ = 	snop  }
0x9a: {  	[spmem:s3] =	stream.indirect.scatter.add.f32 @!p0 [tilespmem:s16], [sflag:$0x9], $0x1, s10, s15, $0xb8;
	[tilespmem:$0x13340] =	vst v63  }
0x9b: {  	_ =	swait.ge [sflag:s24], $0x1000  }
0x9c: {  	[sflag:s24] =	ssyncset.done $0x0  }
0x9d: {  	s19 =	simm.s32 @p0 $0x4;
	s10 =	simm.s32 $0x5100;
	[sflag:s24] =	ssyncadd.s32 $0xFFFFF000  }
0x9e: {  	[spmem:s1] =	stream.indirect.scatter.add.bf16 [tilespmem:s2], [sflag:$0x7], $0x20, s10, s30, $0xb8;
	[tilespmem:$0x13340] =	vst v63  }
0x9f: {  	_ =	swait.ge @p0 [sflag:s19], $0x1000  }
0xa0: {  	[sflag:s19] =	ssyncset.done @p0 $0x0  }
0xa1: {  	s21 =	simm.s32 @p0 $0x5180;
	s20 =	simm.s32 @p0 $0xD000;
	[sflag:s19] =	ssyncadd.s32 @p0 $0xFFFFF000  }
0xa2: {  	[spmem:s1] =	stream.indirect.scatter.add.bf16 @p0 [tilespmem:s20], [sflag:$0x8], $0x20, s21, s14, $0xb8;
	[tilespmem:$0x13340] =	vst v63  }
0xa3: {  	s21 =	simm.s32 @!p0 $0x4  }
0xa4: {  	[spmem:s3] =	stream.indirect.scatter.add.f32 @!p0 [tilespmem:s16], [sflag:$0x9], $0x1, s10, s15, $0xb8;
	[tilespmem:$0x13340] =	vst v63  }
0xa5: {  	_ =	swait.ge @!p0 [sflag:s21], $0x1000  }
0xa6: {  	[sflag:s21] =	ssyncset.done @!p0 $0x0  }
0xa7: {  	s22 =	simm.s32 @!p0 $0xD000;
	s10 =	simm.s32 @!p0 $0x5180;
	[sflag:s21] =	ssyncadd.s32 @!p0 $0xFFFFF000  }
0xa8: {  	[spmem:s1] =	stream.indirect.scatter.add.bf16 @!p0 [tilespmem:s22], [sflag:$0x8], $0x20, s10, s15, $0xb8;
	[tilespmem:$0x13340] =	vst v63  }
0xa9: {  	_ = 	snop  }
0xaa: {  	[spmem:s3] =	stream.indirect.scatter.add.f32 @!p0 [tilespmem:s16], [sflag:$0x9], $0x1, s10, s15, $0xb8;
	[tilespmem:$0x13340] =	vst v63  }
0xab: {  	_ =	swait.ge [sflag:s6], $0x1000  }
0xac: {  	[sflag:s6] =	ssyncset.done $0x0  }
0xad: {  	s5 =	simm.s32 $0x200;
	[sflag:s6] =	ssyncadd.s32 $0xFFFFF000  }
0xae: {  	[tilespmem:s26], [sflag:$0x1] =	stream.indirect.gather [hbm4b:s23+s30], $0x20, s5, s30, $0xb8;
	[tilespmem:$0x13340] =	vst v63  }
0xaf: {  	_ =	swait.ge [sflag:s7], $0x1000  }
0xb0: {  	[sflag:s7] =	ssyncset.done $0x0  }
0xb1: {  	s25 =	simm.s32 $0x280;
	[sflag:s7] =	ssyncadd.s32 $0xFFFFF000  }
0xb2: {  	[tilespmem:s28], [sflag:$0x2] =	stream.indirect.gather [hbm4b:s23+s30], $0x20, s25, s30, $0xb8;
	[tilespmem:$0x13340] =	vst v63  }
0xb3: {  	_ =	swait.ge [sflag:s8], $0x1000  }
0xb4: {  	[sflag:s8] =	ssyncset.done $0x0  }
0xb5: {  	s31 =	simm.s32 $0x300;
	[sflag:s8] =	ssyncadd.s32 $0xFFFFF000  }
0xb6: {  	[tilespmem:s2], [sflag:$0x3] =	stream.indirect.gather [hbm4b:s23+s30], $0x20, s31, s30, $0xb8;
	[tilespmem:$0x13340] =	vst v63  }
0xb7: {  	_ =	swait.ge [sflag:s9], $0x1000  }
0xb8: {  	[sflag:s9] =	ssyncset.done $0x0  }
0xb9: {  	s10 =	simm.s32 $0x380;
	s25 =	simm.s32 $0x800;
	[sflag:s9] =	ssyncadd.s32 $0xFFFFF000  }
.LBB2_4:
0xba: {  	[tilespmem:s0], [sflag:$0x4] =	stream.indirect.gather [hbm4b:s23+s30], $0x20, s10, s30, $0xb8;
	[tilespmem:$0x13340] =	vst v63  }
0xbb: {  	s5 =	smov.u32 s25;
	s25 =	sadd.s32 $0x800, s25;
	_ =	swait.ge [sflag:s29], $0x1000  }
0xbc: {  	s10 =	sshra.s32 s5, $0x2;
	p2 =	sne.s32 s25, $0x13800;
	[sflag:s29] =	ssyncset.done $0x0  }
0xbd: {  	s4 =	sadd.s32 $0x5000, s10;
	[sflag:s29] =	ssyncadd.s32 $0xFFFFF000  }
0xbe: {  	[spmem:s1] =	stream.indirect.scatter.add.bf16 [tilespmem:s26], [sflag:$0x5], $0x20, s4, s30, $0xb8;
	[tilespmem:$0x13340] =	vst v63  }
0xbf: {  	_ =	swait.ge @p0 [sflag:s12], $0x1000  }
0xc0: {  	s28 =	sshra.s32 @p0 s5, $0x2;
	[sflag:s12] =	ssyncset.done @p0 $0x0  }
0xc1: {  	s31 =	sadd.s32 @p0 $0x5080, s28;
	[sflag:s12] =	ssyncadd.s32 @p0 $0xFFFFF000  }
0xc2: {  	[spmem:s1] =	stream.indirect.scatter.add.bf16 @p0 [tilespmem:s13], [sflag:$0x6], $0x20, s31, s14, $0xb8;
	[tilespmem:$0x13340] =	vst v63  }
0xc3: {  	_ = 	snop  }
0xc4: {  	[spmem:s3] =	stream.indirect.scatter.add.f32 @!p0 [tilespmem:s16], [sflag:$0x9], $0x1, s4, s15, $0xb8;
	[tilespmem:$0x13340] =	vst v63  }
0xc5: {  	_ =	swait.ge @!p0 [sflag:s17], $0x1000  }
0xc6: {  	s4 =	sshra.s32 @!p0 s5, $0x2;
	[sflag:s17] =	ssyncset.done @!p0 $0x0  }
0xc7: {  	s5 =	sadd.s32 @!p0 $0x5080, s4;
	[sflag:s17] =	ssyncadd.s32 @!p0 $0xFFFFF000  }
0xc8: {  	[spmem:s1] =	stream.indirect.scatter.add.bf16 @!p0 [tilespmem:s18], [sflag:$0x6], $0x20, s5, s15, $0xb8;
	[tilespmem:$0x13340] =	vst v63  }
0xc9: {  	_ = 	snop  }
0xca: {  	[spmem:s3] =	stream.indirect.scatter.add.f32 @!p0 [tilespmem:s16], [sflag:$0x9], $0x1, s5, s15, $0xb8;
	[tilespmem:$0x13340] =	vst v63  }
0xcb: {  	_ =	swait.ge [sflag:s24], $0x1000  }
0xcc: {  	[sflag:s24] =	ssyncset.done $0x0  }
0xcd: {  	s5 =	sadd.s32 $0x5100, s10;
	[sflag:s24] =	ssyncadd.s32 $0xFFFFF000  }
0xce: {  	[spmem:s1] =	stream.indirect.scatter.add.bf16 [tilespmem:s2], [sflag:$0x7], $0x20, s5, s30, $0xb8;
	[tilespmem:$0x13340] =	vst v63  }
0xcf: {  	_ =	swait.ge @p0 [sflag:s19], $0x1000  }
0xd0: {  	[sflag:s19] =	ssyncset.done @p0 $0x0  }
0xd1: {  	s28 =	sadd.s32 @p0 $0x5180, s28;
	[sflag:s19] =	ssyncadd.s32 @p0 $0xFFFFF000  }
0xd2: {  	[spmem:s1] =	stream.indirect.scatter.add.bf16 @p0 [tilespmem:s20], [sflag:$0x8], $0x20, s28, s14, $0xb8;
	[tilespmem:$0x13340] =	vst v63  }
0xd3: {  	s28 =	simm.s32 $0xB000;
	_ =	sdelay $0x1  }
0xd4: {  	[spmem:s3] =	stream.indirect.scatter.add.f32 @!p0 [tilespmem:s16], [sflag:$0x9], $0x1, s5, s15, $0xb8;
	[tilespmem:$0x13340] =	vst v63  }
0xd5: {  	_ =	swait.ge @!p0 [sflag:s21], $0x1000  }
0xd6: {  	[sflag:s21] =	ssyncset.done @!p0 $0x0  }
0xd7: {  	s4 =	sadd.s32 @!p0 $0x5180, s4;
	[sflag:s21] =	ssyncadd.s32 @!p0 $0xFFFFF000  }
0xd8: {  	[spmem:s1] =	stream.indirect.scatter.add.bf16 @!p0 [tilespmem:s22], [sflag:$0x8], $0x20, s4, s15, $0xb8;
	[tilespmem:$0x13340] =	vst v63  }
0xd9: {  	_ = 	snop  }
0xda: {  	[spmem:s3] =	stream.indirect.scatter.add.f32 @!p0 [tilespmem:s16], [sflag:$0x9], $0x1, s4, s15, $0xb8;
	[tilespmem:$0x13340] =	vst v63  }
0xdb: {  	_ =	swait.ge [sflag:s6], $0x1000  }
0xdc: {  	[sflag:s6] =	ssyncset.done $0x0  }
0xdd: {  	s4 =	sadd.s32 $0x200, s10;
	[sflag:s6] =	ssyncadd.s32 $0xFFFFF000  }
0xde: {  	[tilespmem:s26], [sflag:$0x1] =	stream.indirect.gather [hbm4b:s23+s30], $0x20, s4, s30, $0xb8;
	[tilespmem:$0x13340] =	vst v63  }
0xdf: {  	_ =	swait.ge [sflag:s7], $0x1000  }
0xe0: {  	[sflag:s7] =	ssyncset.done $0x0  }
0xe1: {  	s4 =	sadd.s32 $0x280, s10;
	[sflag:s7] =	ssyncadd.s32 $0xFFFFF000  }
0xe2: {  	[tilespmem:s28], [sflag:$0x2] =	stream.indirect.gather [hbm4b:s23+s30], $0x20, s4, s30, $0xb8;
	[tilespmem:$0x13340] =	vst v63  }
0xe3: {  	_ =	swait.ge [sflag:s8], $0x1000  }
0xe4: {  	[sflag:s8] =	ssyncset.done $0x0  }
.Ltmp3:
0xe5: {  	s4 =	sadd.s32 $0x300, s10;
	[sflag:s8] =	ssyncadd.s32 $0xFFFFF000;
	(pc) =	sbr.rel @p2 .LBB2_4-.Ltmp3, $4  }
0xe6: {  	[tilespmem:s2], [sflag:$0x3] =	stream.indirect.gather [hbm4b:s23+s30], $0x20, s4, s30, $0xb8;
	[tilespmem:$0x13340] =	vst v63  }
0xe7: {  	_ =	swait.ge [sflag:s9], $0x1000  }
0xe8: {  	[sflag:s9] =	ssyncset.done $0x0  }
0xe9: {  	s10 =	sadd.s32 $0x380, s10;
	[sflag:s9] =	ssyncadd.s32 $0xFFFFF000  }
0xea: {  	[tilespmem:s0], [sflag:$0x4] =	stream.indirect.gather [hbm4b:s23+s30], $0x20, s10, s30, $0xb8;
	[tilespmem:$0x13340] =	vst v63  }
0xeb: {  	_ =	swait.ge [sflag:s29], $0x1000  }
0xec: {  	[sflag:s29] =	ssyncset.done $0x0  }
0xed: {  	s4 =	simm.s32 $0x9E00;
	[sflag:s29] =	ssyncadd.s32 $0xFFFFF000  }
0xee: {  	[spmem:s1] =	stream.indirect.scatter.add.bf16 [tilespmem:s26], [sflag:$0x5], $0x20, s4, s30, $0xb8;
	[tilespmem:$0x13340] =	vst v63  }
0xef: {  	s5 =	simm.s32 @p1 $0x9E00;
	s10 =	simm.s32 @p1 $0xE000;
	s4 =	simm.s32 @p1 $0x80  }
0xf0: {  	[spmem:s3] =	stream.indirect.scatter.add.f32 @p1 [tilespmem:s10], [sflag:$0x9], $0x1, s5, s4, $0xb8;
	[tilespmem:$0x13340] =	vst v63  }
0xf1: {  	s5 =	simm.s32 @p1 $0x2  }
0xf2: {  	_ =	swait.ge @p1 [sflag:s5], $0x1000  }
0xf3: {  	[sflag:s5] =	ssyncset.done @p1 $0x0  }
0xf4: {  	s12 =	simm.s32 @p1 $0xB000;
	[sflag:s5] =	ssyncadd.s32 @p1 $0xFFFFF000;
	s5 =	simm.s32 @p1 $0x9E80  }
0xf5: {  	[spmem:s1] =	stream.indirect.scatter.add.bf16 @p1 [tilespmem:s12], [sflag:$0x6], $0x20, s5, s4, $0xb8;
	[tilespmem:$0x13340] =	vst v63  }
0xf6: {  	_ = 	snop  }
0xf7: {  	[spmem:s3] =	stream.indirect.scatter.add.f32 @p1 [tilespmem:s10], [sflag:$0x9], $0x1, s5, s4, $0xb8;
	[tilespmem:$0x13340] =	vst v63  }
0xf8: {  	s5 =	simm.s32 @!p1 $0x2  }
0xf9: {  	_ =	swait.ge @!p1 [sflag:s5], $0x1000  }
0xfa: {  	s13 =	simm.s32 @!p1 $0xB000;
	[sflag:s5] =	ssyncset.done @!p1 $0x0  }
0xfb: {  	s12 =	simm.s32 @!p1 $0x9E80;
	[sflag:s5] =	ssyncadd.s32 @!p1 $0xFFFFF000;
	s5 =	simm.s32 @!p1 $0x80  }
0xfc: {  	[spmem:s1] =	stream.indirect.scatter.add.bf16 @!p1 [tilespmem:s13], [sflag:$0x6], $0x20, s12, s5, $0xb8;
	[tilespmem:$0x13340] =	vst v63  }
0xfd: {  	_ =	swait.ge [sflag:s24], $0x1000  }
0xfe: {  	[sflag:s24] =	ssyncset.done $0x0  }
0xff: {  	s31 =	simm.s32 $0x9F00;
	[sflag:s24] =	ssyncadd.s32 $0xFFFFF000  }
0x100: {  	[spmem:s1] =	stream.indirect.scatter.add.bf16 [tilespmem:s2], [sflag:$0x7], $0x20, s31, s30, $0xb8;
	[tilespmem:$0x13340] =	vst v63  }
0x101: {  	s12 =	simm.s32 @p1 $0x9F00  }
0x102: {  	[spmem:s3] =	stream.indirect.scatter.add.f32 @p1 [tilespmem:s10], [sflag:$0x9], $0x1, s12, s4, $0xb8;
	[tilespmem:$0x13340] =	vst v63  }
0x103: {  	s12 =	simm.s32 @p1 $0x4  }
0x104: {  	_ =	swait.ge @p1 [sflag:s12], $0x1000  }
0x105: {  	[sflag:s12] =	ssyncset.done @p1 $0x0  }
0x106: {  	s13 =	simm.s32 @p1 $0xD000;
	[sflag:s12] =	ssyncadd.s32 @p1 $0xFFFFF000;
	s12 =	simm.s32 @p1 $0x9F80  }
0x107: {  	[spmem:s1] =	stream.indirect.scatter.add.bf16 @p1 [tilespmem:s13], [sflag:$0x8], $0x20, s12, s4, $0xb8;
	[tilespmem:$0x13340] =	vst v63  }
0x108: {  	_ = 	snop  }
0x109: {  	[spmem:s3] =	stream.indirect.scatter.add.f32 @p1 [tilespmem:s10], [sflag:$0x9], $0x1, s12, s4, $0xb8;
	[tilespmem:$0x13340] =	vst v63  }
0x10a: {  	s4 =	simm.s32 @!p1 $0x4  }
0x10b: {  	_ =	swait.ge @!p1 [sflag:s4], $0x1000  }
0x10c: {  	[sflag:s4] =	ssyncset.done @!p1 $0x0  }
0x10d: {  	s10 =	simm.s32 @!p1 $0xD000;
	[sflag:s4] =	ssyncadd.s32 @!p1 $0xFFFFF000;
	s4 =	simm.s32 @!p1 $0x9F80  }
0x10e: {  	[spmem:s1] =	stream.indirect.scatter.add.bf16 @!p1 [tilespmem:s10], [sflag:$0x8], $0x20, s4, s5, $0xb8;
	[tilespmem:$0x13340] =	vst v63  }
0x10f: {  	_ =	swait.ge [sflag:s6], $0x1000  }
0x110: {  	[sflag:s6] =	ssyncset.done $0x0  }
0x111: {  	[sflag:s6] =	ssyncadd.s32 $0xFFFFF000  }
0x112: {  	_ =	swait.ge [sflag:s7], $0x1000  }
0x113: {  	[sflag:s7] =	ssyncset.done $0x0  }
0x114: {  	[sflag:s7] =	ssyncadd.s32 $0xFFFFF000  }
0x115: {  	_ =	swait.ge [sflag:s8], $0x1000  }
.Ltmp4:
0x116: {  	[sflag:s8] =	ssyncset.done $0x0;
	(pc) =	sbr.rel @p0 .LBB2_9-.Ltmp4, $4  }
0x117: {  	[sflag:s8] =	ssyncadd.s32 $0xFFFFF000  }
0x118: {  	_ =	swait.ge [sflag:s9], $0x1000  }
0x119: {  	[sflag:s9] =	ssyncset.done $0x0  }
0x11a: {  	s10 =	simm.s32 $0xA0;
	s18 =	rddreg [dreg:$0x5];
	[sflag:s9] =	ssyncadd.s32 $0xFFFFF000  }
0x11b: {  	_ =	swait.ge [sflag:s11], $0x80;
	s10 =	sadd.s32 $0xFFFFFFFF, s10  }
0x11c: {  	s14 =	simm.s32 $0xA;
	[sflag:s11] =	ssyncset.done $0x0;
	s19 =	rddreg [dreg:$0x6]  }
.LBB2_7:
0x11d: {  	p2 =	sne.s32 s10, $0x1;
	s10 =	sadd.s32 $0xFFFFFFFF, s10;
	[sflag:s11] =	ssyncadd.s32 $0xFFFFFF80  }
.Ltmp5:
0x11e: {  	(pc) =	sbr.rel @p2 .LBB2_7-.Ltmp5, $3  }
0x11f: {  	_ =	sdelay $0x1  }
0x120: {  	_ =	swait.ge [sflag:s11], $0x80  }
0x121: {  	[sflag:s11] =	ssyncset.done $0x0  }
0x122: {  	[sflag:s11] =	ssyncadd.s32 $0xFFFFFF80;
	s4 =	stileid.u32  }
0x123: {  	s5 =	sshrl.u32 s19, $0x3;
	s4 =	sshll.u32 s4, $0x6;
	[bflag:$0x0] =	sbarrier.arrive $0xFFFF  }
0x124: {  	s12 =	simm.s32 $0x4;
	s4 =	sor.u32 $0x1C0A, s4;
	s10 =	rddreg [dreg:$0x14]  }
0x125: {  	[hbm:s10@s9], [sflag:s4] =	dma.strided [spmem:s5@s12], $0xA00, s29, $0x4   }
0x126: {  	_ =	swait.ge [sflag:s14], $0xA00  }
0x127: {  	s25 =	rddreg [dreg:$0xb]  }
0x128: {  	[sflag:s14] =	ssyncset.done $0x0;
	s31 =	rddreg [dreg:$0x18]  }
.Ltmp6:
0x129: {  	[sflag:s14] =	ssyncadd.s32 $0xFFFFF600;
	s5 =	sshrl.u32 s25, $0x3;
	(pc) =	sbr.rel .LBB2_10-.Ltmp6, $4  }
0x12a: {  	[hbm:s31], [sflag:s4] =	dma.local [spmem:s5], $0x50  }
0x12b: {  	_ =	swait.ge [sflag:s14], $0x50  }
0x12c: {  	[sflag:s14] =	ssyncset.done $0x0  }
0x12d: {  	[sflag:s14] =	ssyncadd.s32 $0xFFFFFFB0  }
.LBB2_11:
0x12e: {  	_ =	sfence.sel $0x180000  }
0x12f: {  	[bflag:$0x0] =	sbarrier.arrive $0xFFFF  }
0x130: {  	_ =	strace $0x90000047  }
0x131: {  	s0 =	stileid.u32;
	[bflag:$0x2] =	sbarrier.arrive $0xFFFF  }
0x132: {  	p0 =	sne.s32 s0, $0x0;
	s0 =	rddreg [dreg:$0x4]  }
0x133: {  	s0 =	sadd.s32 @!p0 $0x100000, s0  }
0x134: {  	[sflag:s0] =	ssyncadd.tile.s32 @!p0 $0x1;
	_ =	shalt  }
.Lfunc_end2:
_tile_overlayer_lowered:
.L_overlay_start_2:
0x135: {  	(tag) =	ssettag $0x2  }
0x136: {  	s0 =	rddreg [dreg:$0x0];
	s2 =	stileid.u32  }
0x137: {  	s1 =	rddreg [dreg:$0x1];
	p0 =	sne.s32 s2, $0x0  }
0x138: {  	s3 =	rddreg [dreg:$0x2];
	[bflag:$0x3] =	sbarrier.arrive $0xFFFF;
	s2 =	simm.s32 @!p0 $0x1C0A  }
0x139: {  	[timem:s3], [sflag:s2] =	dma.local @!p0 [hbm:s0], s1  }
0x13a: {  	s0 =	simm.s32 @!p0 $0xA  }
0x13b: {  	_ =	swait.ge @!p0 [sflag:s0], s1  }
0x13c: {  	s1 =	ssub.s32 @!p0 $0x0, s1;
	[sflag:s0] =	ssyncset.done @!p0 $0x0  }
0x13d: {  	[sflag:s0] =	ssyncadd.s32 @!p0 s1  }
0x13e: {  	[bflag:$0x3] =	sbarrier.arrive $0xFFFF  }
0x13f: {  	_ =	shalt  }

// kernel: kernel.9.cloned.1.call-start
scs
__scs_entry_jumppad:
0x0: {  	(pc) =	sbr.rel $0x88, $3  }
0x1: {  	(tag) =	ssettag $0x0;
	lr =	simm.s32 $0x1  }
0x2: {  	[smem:$0x3F99] =	sst lr;
	_ =	strace $0xD0000000  }
0x3: {  	_ = 	snop  }
0x4: {  	_ = 	snop  }
0x5: {  	_ = 	snop  }
0x6: {  	_ = 	snop  }
0x7: {  	_ = 	snop  }
__scs_overlays_trampoline_lowered:
0x8: {  	[smem:$0x3FA8] =	sst s0  }
0x9: {  	[smem:$0x3FA9] =	sst s1  }
0xa: {  	[smem:$0x3FAA] =	sst s2  }
0xb: {  	[smem:$0x3FAB] =	sst s3  }
0xc: {  	[smem:$0x3FAC] =	sst s4  }
0xd: {  	[smem:$0x3FAD] =	sst s5  }
0xe: {  	[smem:$0x3FAE] =	sst s6  }
0xf: {  	[smem:$0x3FAF] =	sst s7  }
0x10: {  	[smem:$0x3FB0] =	sst s8  }
0x11: {  	[smem:$0x3FB1] =	sst s9;
	s0 =	simm.s32 @!p0 $0x0  }
0x12: {  	s1 =	sld [smem:$0x3F97];
	s0 =	simm.s32 @p0 $0x1  }
0x13: {  	[smem:$0x3FB2] =	sst s0;
	s0 =	simm.s32 @!p1 $0x0  }
0x14: {  	s2 =	sld [smem:$0x3F96];
	s0 =	simm.s32 @p1 $0x1  }
0x15: {  	[smem:$0x3FB3] =	sst s0;
	s0 =	simm.s32 @!p2 $0x0  }
0x16: {  	s3 =	sld [smem:$0x3FDB];
	s0 =	simm.s32 @p2 $0x1  }
0x17: {  	s4 =	simm.s32 $0x1BF5;
	[smem:$0x3FB5] =	sst s0  }
0x18: {  	s0 =	sld [smem:$0x3F98];
	_ =	swait.ge [sflag:s4], $0x0  }
0x19: {  	s7 =	sld [smem:$0x3F99]  }
0x1a: {  	s8 =	sadd.s32 $0xFFFFE003, lr  }
0x1b: {  	s9 =	sadd.s32 $0xFFFFFEF7, lr;
	s5 =	simm.s32 $0xFFFFFFFF;
	p2 =	slt.u32 s8, $0xFFFFF086  }
0x1c: {  	p1 =	slt.u32 s9, $0xF7A;
	s5 =	simm.s32 @!p2 $0x0  }
0x1d: {  	s5 =	simm.s32 @p1 $0x1;
	p0 =	seq.s32 s7, s2  }
0x1e: {  	s7 =	smul.u32 @!p0 $0xF7A, s2;
	p2 =	seq.s32 @!p0 s5, $0x0  }
0x1f: {  	s9 =	smul.u32 $0xF7A, s1;
	s8 =	simm.s32 @!p0 $0x1BF5;
	p2 =	por !p2, p0  }
0x20: {  	[sflag:s8] =	ssyncset.s32 @!p0 $0xFFFFF086;
	s6 =	sadd.s32 @!p0 s3, s7;
	s7 =	simm.s32 @!p0 $0x108  }
0x21: {  	s3 =	sadd.s32 s3, s9;
	s6 =	sadd.s32 @!p0 $0x88, s6;
	s7 =	simm.s32 @p2 $0x1082  }
0x22: {  	[simem:s7], [sflag:s8] =	dma.local @!p0 [hbm:s6], $0xF7A  }
0x23: {  	s9 =	sor.u32 $0xD0000000, s2;
	s6 =	simm.s32 $0x108;
	_ =	swait.ge @!p0 [sflag:s8], $0x0  }
0x24: {  	s3 =	sadd.s32 $0x88, s3;
	s6 =	simm.s32 @!p1 $0x1082;
	[sflag:s4] =	ssyncset.s32 $0xFFFFF086  }
0x25: {  	[simem:s6], [sflag:s4] =	dma.local [hbm:s3], $0xF7A  }
0x26: {  	[smem:$0x3F99] =	sst s1;
	(tag) =	ssettag s2;
	_ =	strace s9  }
0x27: {  	s1 =	sld [smem:$0x3FA9]  }
0x28: {  	s2 =	sld [smem:$0x3FAA]  }
0x29: {  	s4 =	sld [smem:$0x3FAC]  }
0x2a: {  	p0 =	seq.s32 s5, $0x0;
	s5 =	sld [smem:$0x3FAD]  }
0x2b: {  	s6 =	sld [smem:$0x3FAE]  }
0x2c: {  	s7 =	sld [smem:$0x3FAF]  }
0x2d: {  	s3 =	simm.s32 $0x108;
	s8 =	sld [smem:$0x3FB0]  }
0x2e: {  	s3 =	simm.s32 @!p0 $0x1082;
	s9 =	sld [smem:$0x3FB1]  }
0x2f: {  	lr =	sadd.s32 s0, s3;
	s0 =	sld [smem:$0x3FA8]  }
0x30: {  	s3 =	sld [smem:$0x3FAB]  }
0x31: {  	[smem:$0x3FB4] =	sst s10  }
0x32: {  	s10 =	sld [smem:$0x3FB2];
	_ =	sdelay $0x3  }
0x33: {  	p0 =	seq.s32 s10, $0x1;
	s10 =	sld [smem:$0x3FB4];
	_ =	sdelay $0x3  }
0x34: {  	[smem:$0x3FB4] =	sst s10  }
0x35: {  	s10 =	sld [smem:$0x3FB3];
	_ =	sdelay $0x3  }
0x36: {  	p1 =	seq.s32 s10, $0x1;
	s10 =	sld [smem:$0x3FB4];
	_ =	sdelay $0x3  }
0x37: {  	[smem:$0x3FB4] =	sst s10  }
0x38: {  	s10 =	sld [smem:$0x3FB5]  }
0x39: {  	_ = 	snop;
	(pc) =	sbr.ind lr, $3  }
0x3a: {  	_ = 	snop  }
0x3b: {  	_ = 	snop  }
0x3c: {  	p2 =	seq.s32 s10, $0x1;
	s10 =	sld [smem:$0x3FB4]  }
0x3d: {  	_ =	shalt  }
0x3e: {  	_ =	shalt  }
0x3f: {  	_ =	shalt  }
0x40: {  	_ =	shalt  }
0x41: {  	_ =	shalt  }
0x42: {  	_ =	shalt  }
0x43: {  	_ =	shalt  }
0x44: {  	_ =	shalt  }
0x45: {  	_ =	shalt  }
0x46: {  	_ =	shalt  }
0x47: {  	_ =	shalt  }
0x48: {  	_ =	shalt  }
0x49: {  	_ =	shalt  }
0x4a: {  	_ =	shalt  }
0x4b: {  	_ =	shalt  }
0x4c: {  	_ =	shalt  }
0x4d: {  	_ =	shalt  }
0x4e: {  	_ =	shalt  }
0x4f: {  	_ =	shalt  }
0x50: {  	_ =	shalt  }
0x51: {  	_ =	shalt  }
0x52: {  	_ =	shalt  }
0x53: {  	_ =	shalt  }
0x54: {  	_ =	shalt  }
0x55: {  	_ =	shalt  }
0x56: {  	_ =	shalt  }
0x57: {  	_ =	shalt  }
0x58: {  	_ =	shalt  }
0x59: {  	_ =	shalt  }
0x5a: {  	_ =	shalt  }
0x5b: {  	_ =	shalt  }
0x5c: {  	_ =	shalt  }
0x5d: {  	_ =	shalt  }
0x5e: {  	_ =	shalt  }
0x5f: {  	_ =	shalt  }
0x60: {  	_ =	shalt  }
0x61: {  	_ =	shalt  }
0x62: {  	_ =	shalt  }
0x63: {  	_ =	shalt  }
0x64: {  	_ =	shalt  }
0x65: {  	_ =	shalt  }
0x66: {  	_ =	shalt  }
0x67: {  	_ =	shalt  }
0x68: {  	_ =	shalt  }
0x69: {  	_ =	shalt  }
0x6a: {  	_ =	shalt  }
0x6b: {  	_ =	shalt  }
0x6c: {  	_ =	shalt  }
0x6d: {  	_ =	shalt  }
0x6e: {  	_ =	shalt  }
0x6f: {  	_ =	shalt  }
0x70: {  	_ =	shalt  }
0x71: {  	_ =	shalt  }
0x72: {  	_ =	shalt  }
0x73: {  	_ =	shalt  }
0x74: {  	_ =	shalt  }
0x75: {  	_ =	shalt  }
0x76: {  	_ =	shalt  }
0x77: {  	_ =	shalt  }
0x78: {  	_ =	shalt  }
0x79: {  	_ =	shalt  }
0x7a: {  	_ =	shalt  }
0x7b: {  	_ =	shalt  }
0x7c: {  	_ =	shalt  }
0x7d: {  	_ =	shalt  }
0x7e: {  	_ =	shalt  }
0x7f: {  	_ =	shalt  }
0x80: {  	_ =	shalt  }
0x81: {  	_ =	shalt  }
0x82: {  	_ =	shalt  }
0x83: {  	_ =	shalt  }
0x84: {  	_ =	shalt  }
0x85: {  	_ =	shalt  }
0x86: {  	_ =	shalt  }
0x87: {  	_ =	shalt  }
.Lfunc_end0:
.L_simem_size_0:
called_computation.1_lowered:
.L_overlay_start_0:
0x88: {  	s2 =	sld [smem:$0x3FD9]  }
0x89: {  	s3 =	sld [smem:$0x3FFE];
	_ =	sdelay $0x1  }
0x8a: {  	s1 =	srdreg.scid  }
0x8b: {  	s0 =	sand.u32 $0x1, s1  }
0x8c: {  	s17 =	sshll.u32 s0, $0xA;
	s2 =	sadd.s32 s3, s2  }
0x8d: {  	s2 =	sadd.s32 s2, s17  }
0x8e: {  	[smem:$0x3FC0] =	sst s2  }
0x8f: {  	_ = 	snop  }
0x90: {  	s2 =	sld [smem:$0x3FD0];
	(tm) =	ssettm $0x1  }
0x91: {  	s18 =	sld [smem:$0x3FFB];
	_ =	sdelay $0x3  }
0x92: {  	_ =	strace s18  }
0x93: {  	s3 =	sld [smem:$0x3FFC];
	_ =	sdelay $0x3  }
0x94: {  	_ =	strace s3  }
0x95: {  	s3 =	sld [smem:$0x3FFD];
	_ =	sdelay $0x3  }
0x96: {  	_ =	strace s3  }
0x97: {  	_ =	strace $0x8FFFFFFF  }
0x98: {  	s19 =	sld [smem:$0x3FDB];
	_ =	sdelay $0x1  }
0x99: {  	s4 =	simm.s32 $_scs_section_size  }
0x9a: {  	s5 =	simm.s32 $_size__tile_overlayer_lowered;
	s6 =	simm.s32 $_tile_overlayer_lowered  }
0x9b: {  	s22 =	simm.s32 $0x1BFF;
	s21 =	sshll.u32 s6, $0x1;
	s3 =	sadd.s32 s4, s19  }
0x9c: {  	s7 =	simm.s32 $0x0;
	s20 =	sshll.u32 s5, $0x1;
	s5 =	sadd.s32 s21, s3  }
0x9d: {  	[timem:s7], [sflag:s22] =	dma.local [hbm:s5], s20  }
0x9e: {  	_ =	swait.ge [sflag:s22], s20  }
0x9f: {  	s4 =	ssub.s32 $0x0, s20;
	[sflag:s22] =	ssyncset.done $0x0  }
0xa0: {  	[sflag:s22] =	ssyncadd.s32 s4;
	_ =	sdelay $0x1  }
0xa1: {  	s23 =	simm.s32 $0x1B8B  }
0xa2: {  	_ =	swait.ge [sflag:s23], $0x1  }
0xa3: {  	[sflag:s23] =	ssyncset.done $0x0  }
0xa4: {  	s25 =	simm.s32 $0x1B8E;
	s24 =	sld [smem:$0x3FFE];
	[sflag:s23] =	ssyncadd.s32 $0xFFFFFFFF  }
0xa5: {  	s26 =	simm.s32 $execute0_lowered;
	[smem:$0x3FD2] =	sst s25  }
0xa6: {  	s5 =	sshll.u32 s26, $0x1;
	_ =	strace $0x80000049;
	[dreg:$0x1] =	wrdreg $0xFFFFFFFF  }
0xa7: {  	s28 =	simm.s32 $_size_execute0_lowered;
	s3 =	sadd.s32 s3, s5;
	[dreg:$0x0] =	wrdreg $0x0  }
0xa8: {  	s5 =	sshll.u32 s28, $0x1;
	[dreg:$0x2] =	wrdreg s3  }
0xa9: {  	[dreg:$0x3] =	wrdreg s5  }
0xaa: {  	[dreg:$0x4] =	wrdreg $0xC0  }
0xab: {  	_ =	task [dreg:s7], $0x5FFFF  }
0xac: {  	[dreg:$0x1] =	wrdreg $0xFFFFFFFF  }
0xad: {  	[dreg:$0x0] =	wrdreg $0x60  }
0xae: {  	[dreg:$0x2] =	wrdreg s24  }
0xaf: {  	[dreg:$0x3] =	wrdreg s2  }
0xb0: {  	[dreg:$0x4] =	wrdreg $0xE0000  }
0xb1: {  	[dreg:$0x5] =	wrdreg $0x9  }
0xb2: {  	_ =	task.clear_ibuf [dreg:s7], $0x6FFFF;
	_ =	strace $0x90000049  }
0xb3: {  	s29 =	simm.s32 $0x9;
	_ =	strace $0x8000004B  }
0xb4: {  	_ =	swait.ge [sflag:s29], $0x1  }
0xb5: {  	[sflag:s29] =	ssyncadd.s32 $0xFFFFFFFF  }
0xb6: {  	_ =	strace $0x9000004B  }
0xb7: {  	_ =	sfence  }
0xb8: {  	s30 =	sld [smem:$0x0];
	_ =	sdelay $0x2  }
0xb9: {  	s31 =	sshll.u32 s1, $0xD;
	s1 =	sshrl.u32 s1, $0x2  }
0xba: {  	s3 =	sand.u32 $0x4000, s31;
	s1 =	sadd.s32 s1, s30  }
0xbb: {  	s0 =	sor.u32 s3, s0;
	s1 =	sshll.u32 s1, $0x11  }
0xbc: {  	s0 =	sor.u32 s1, s0  }
0xbd: {  	s0 =	sadd.s32 $0x8F2B, s0  }
0xbe: {  	[sflag:s0] =	ssyncadd.remote.s32 $0x1  }
0xbf: {  	_ =	sfence.sel $0xFFFF  }
0xc0: {  	[dreg:$0x0] =	wrdreg $0xFFFFFFFF;
	(pc) =	sbr.abs _section_cstart, $3  }
0xc1: {  	[dreg:$0x1] =	wrdreg $0xFFFFFFFF  }
0xc2: {  	_ =	task.clear_ibuf [dreg:s7], $0x2FFFF;
	_ =	strace $0x9FFFFFFF  }
0xc3: {  	(tm) =	ssettm $0x7FFFFFFF  }
tec
execute0_lowered:
.L_overlay_start_1:
0x0: {  	(tag) =	ssettag $0x1  }
0x1: {  	s0 =	rddreg [dreg:$0x0]  }
0x2: {  	s2 =	rddreg [dreg:$0x1]  }
0x3: {  	s1 =	rddreg [dreg:$0x2]  }
0x4: {  	s3 =	srdreg.scid;
	s5 =	stileid.u32  }
0x5: {  	s14 =	simm.s32 $0xA000;
	s15 =	simm.s32 $0x9;
	s17 =	simm.s32 $0x80  }
0x6: {  	s18 =	simm.s32 $0xB000;
	s20 =	simm.s32 $0xC000;
	s22 =	simm.s32 $0xD000  }
0x7: {  	s23 =	simm.s32 $0x1;
	s24 =	simm.s32 $0x2;
	s28 =	simm.s32 $0x5  }
0x8: {  	s29 =	simm.s32 $0x6;
	s30 =	simm.s32 $0x7;
	s31 =	simm.s32 $0x8  }
0x9: {  	s16 =	simm.s32 $0x9F00;
	s19 =	simm.s32 $0x9F80;
	s9 =	smul.u32 $0x14000, s5  }
0xa: {  	s7 =	sand.u32 $0x1, s3;
	s3 =	simm.s32 $0x0;
	s5 =	smul.u32 $0xA00, s5  }
0xb: {  	s4 =	smul.u32 $0x9C40, s7;
	[smem:$0x7FF] =	sst s3;
	s6 =	ssub.s32 $0x2, s7  }
0xc: {  	s10 =	sshll.u32 s7, $0x6;
	_ =	strace $0x8000004A;
	s25 =	sshrl.u32 s6, $0x1  }
0xd: {  	s8 =	sshrl.u32 s9, $0x2;
	s12 =	sor.u32 s10, s9;
	s11 =	sadd.s32 s4, s0  }
0xe: {  	s0 =	sadd.s32 s5, s0;
	s13 =	ssub.s32 s6, s25;
	s4 =	sadd.s32 s8, s1  }
0xf: {  	s26 =	sshrl.u32 s12, $0x4;
	s25 =	simm.s32 $0x3;
	s5 =	sadd.s32 $0x1000, s4  }
0x10: {  	s6 =	sadd.s32 $0x2000, s4;
	s7 =	sadd.s32 $0x3000, s4;
	s8 =	sadd.s32 $0x4000, s4  }
0x11: {  	s9 =	sadd.s32 $0x20600, s0;
	s10 =	sadd.s32 $0x16600, s0;
	s11 =	sadd.s32 $0x2C00, s11  }
0x12: {  	v0 =	vimm.bf16 $0.0e+00;
	s12 =	sadd.s32 s2, s26;
	s13 =	smax.u32 s13, $0x1;
	s26 =	simm.s32 $0x4  }
.LBB2_1:
0x13: {  	s0 =	simm.s32 $0x80;
	s21 =	simm.s32 $0x0  }
.LBB2_2:
0x14: {  	p0 =	sne.s32 s0, $0x3F80;
	[tilespmem:s21+$0xA000] =	vst v0;
	s2 =	smov.u32 s0;
	s0 =	sadd.s32 $0x80, s0  }
.Ltmp0:
0x15: {  	[tilespmem:s21+$0xA010] =	vst v0;
	(pc) =	sbr.rel @p0 .LBB2_2-.Ltmp0, $2  }
0x16: {  	_ =	sdelay $0x2  }
0x17: {  	s21 =	sshra.s32 s2, $0x2  }
0x18: {  	[tilespmem:s21+$0xA000] =	vst v0  }
0x19: {  	[tilespmem:s21+$0xA010] =	vst v0  }
0x1a: {  	[spmem:s4] =	stream.linear.scatter [tilespmem:s14], [sflag:$0x9], $0x1000, $0x38;
	[tilespmem:$0x13000] =	vst v63  }
0x1b: {  	_ =	swait.ge [sflag:s15], $0x1000  }
0x1c: {  	[sflag:s15] =	ssyncset.done $0x0  }
0x1d: {  	[sflag:s15] =	ssyncadd.s32 $0xFFFFF000  }
0x1e: {  	[spmem:s5] =	stream.linear.scatter [tilespmem:s14], [sflag:$0x9], $0x1000, $0x38;
	[tilespmem:$0x13000] =	vst v63  }
0x1f: {  	_ =	swait.ge [sflag:s15], $0x1000  }
0x20: {  	[sflag:s15] =	ssyncset.done $0x0  }
0x21: {  	[sflag:s15] =	ssyncadd.s32 $0xFFFFF000  }
0x22: {  	[spmem:s6] =	stream.linear.scatter [tilespmem:s14], [sflag:$0x9], $0x1000, $0x38;
	[tilespmem:$0x13000] =	vst v63  }
0x23: {  	_ =	swait.ge [sflag:s15], $0x1000  }
0x24: {  	[sflag:s15] =	ssyncset.done $0x0  }
0x25: {  	[sflag:s15] =	ssyncadd.s32 $0xFFFFF000  }
0x26: {  	[spmem:s7] =	stream.linear.scatter [tilespmem:s14], [sflag:$0x9], $0x1000, $0x38;
	[tilespmem:$0x13000] =	vst v63  }
0x27: {  	_ =	swait.ge [sflag:s15], $0x1000  }
0x28: {  	[sflag:s15] =	ssyncset.done $0x0  }
0x29: {  	[sflag:s15] =	ssyncadd.s32 $0xFFFFF000  }
0x2a: {  	[spmem:s8] =	stream.linear.scatter [tilespmem:s14], [sflag:$0x9], $0x1000, $0x38;
	[tilespmem:$0x13000] =	vst v63  }
0x2b: {  	_ =	swait.ge [sflag:s15], $0x1000  }
0x2c: {  	[sflag:s15] =	ssyncset.done $0x0  }
0x2d: {  	s0 =	simm.s32 $0x0;
	[sflag:s15] =	ssyncadd.s32 $0xFFFFF000  }
0x2e: {  	[tilespmem:s0], [sflag:$0x9] =	stream.linear.gather [hbm4b:s9+s0], $0x5000, $0x38;
	[tilespmem:$0x13000] =	vst v63  }
0x2f: {  	_ =	swait.ge [sflag:s15], $0x5000  }
0x30: {  	[sflag:s15] =	ssyncset.done $0x0  }
0x31: {  	s2 =	simm.s32 $0x5000;
	[sflag:s15] =	ssyncadd.s32 $0xFFFFB000  }
0x32: {  	[tilespmem:s2], [sflag:$0x9] =	stream.linear.gather [hbm4b:s10+s0], $0x5000, $0x38;
	[tilespmem:$0x13000] =	vst v63  }
0x33: {  	_ =	swait.ge [sflag:s15], $0x5000  }
0x34: {  	[sflag:s15] =	ssyncset.done $0x0  }
0x35: {  	[sflag:s15] =	ssyncadd.s32 $0xFFFFB000  }
0x36: {  	[bflag:$0x0] =	sbarrier.arrive $0xFFFF  }
0x37: {  	[tilespmem:s14], [sflag:$0x1] =	stream.indirect.gather [hbm4b:s11+s17], $0x20, s0, s17, $0xb8;
	[tilespmem:$0x13000] =	vst v63  }
0x38: {  	_ = 	snop  }
0x39: {  	[tilespmem:s18], [sflag:$0x2] =	stream.indirect.gather [hbm4b:s11+s17], $0x20, s17, s17, $0xb8;
	[tilespmem:$0x13000] =	vst v63  }
0x3a: {  	s21 =	simm.s32 $0x100  }
0x3b: {  	[tilespmem:s20], [sflag:$0x3] =	stream.indirect.gather [hbm4b:s11+s17], $0x20, s21, s17, $0xb8;
	[tilespmem:$0x13000] =	vst v63  }
0x3c: {  	s2 =	simm.s32 $0x180  }
0x3d: {  	[tilespmem:s22], [sflag:$0x4] =	stream.indirect.gather [hbm4b:s11+s17], $0x20, s2, s17, $0xb8;
	[tilespmem:$0x13000] =	vst v63  }
0x3e: {  	_ =	swait.ge [sflag:s23], $0x1000  }
0x3f: {  	[sflag:s23] =	ssyncset.done $0x0  }
0x40: {  	s21 =	simm.s32 $0x5000;
	[sflag:s23] =	ssyncadd.s32 $0xFFFFF000  }
0x41: {  	[spmem:s1] =	stream.indirect.scatter.add.bf16 [tilespmem:s14], [sflag:$0x5], $0x20, s21, s17, $0xb8;
	[tilespmem:$0x13000] =	vst v63  }
0x42: {  	_ =	swait.ge [sflag:s24], $0x1000  }
0x43: {  	[sflag:s24] =	ssyncset.done $0x0  }
0x44: {  	s2 =	simm.s32 $0x5080;
	[sflag:s24] =	ssyncadd.s32 $0xFFFFF000  }
0x45: {  	[spmem:s1] =	stream.indirect.scatter.add.bf16 [tilespmem:s18], [sflag:$0x6], $0x20, s2, s17, $0xb8;
	[tilespmem:$0x13000] =	vst v63  }
0x46: {  	_ =	swait.ge [sflag:s25], $0x1000  }
0x47: {  	[sflag:s25] =	ssyncset.done $0x0  }
0x48: {  	s21 =	simm.s32 $0x5100;
	[sflag:s25] =	ssyncadd.s32 $0xFFFFF000  }
0x49: {  	[spmem:s1] =	stream.indirect.scatter.add.bf16 [tilespmem:s20], [sflag:$0x7], $0x20, s21, s17, $0xb8;
	[tilespmem:$0x13000] =	vst v63  }
0x4a: {  	_ =	swait.ge [sflag:s26], $0x1000  }
0x4b: {  	[sflag:s26] =	ssyncset.done $0x0  }
0x4c: {  	s2 =	simm.s32 $0x5180;
	[sflag:s26] =	ssyncadd.s32 $0xFFFFF000  }
0x4d: {  	[spmem:s1] =	stream.indirect.scatter.add.bf16 [tilespmem:s22], [sflag:$0x8], $0x20, s2, s17, $0xb8;
	[tilespmem:$0x13000] =	vst v63  }
0x4e: {  	_ =	swait.ge [sflag:s28], $0x1000  }
0x4f: {  	[sflag:s28] =	ssyncset.done $0x0  }
0x50: {  	s21 =	simm.s32 $0x200;
	[sflag:s28] =	ssyncadd.s32 $0xFFFFF000  }
0x51: {  	[tilespmem:s14], [sflag:$0x1] =	stream.indirect.gather [hbm4b:s11+s17], $0x20, s21, s17, $0xb8;
	[tilespmem:$0x13000] =	vst v63  }
0x52: {  	_ =	swait.ge [sflag:s29], $0x1000  }
0x53: {  	[sflag:s29] =	ssyncset.done $0x0  }
0x54: {  	s2 =	simm.s32 $0x280;
	[sflag:s29] =	ssyncadd.s32 $0xFFFFF000  }
0x55: {  	[tilespmem:s18], [sflag:$0x2] =	stream.indirect.gather [hbm4b:s11+s17], $0x20, s2, s17, $0xb8;
	[tilespmem:$0x13000] =	vst v63  }
0x56: {  	_ =	swait.ge [sflag:s30], $0x1000  }
0x57: {  	[sflag:s30] =	ssyncset.done $0x0  }
0x58: {  	s21 =	simm.s32 $0x300;
	[sflag:s30] =	ssyncadd.s32 $0xFFFFF000  }
0x59: {  	[tilespmem:s20], [sflag:$0x3] =	stream.indirect.gather [hbm4b:s11+s17], $0x20, s21, s17, $0xb8;
	[tilespmem:$0x13000] =	vst v63  }
0x5a: {  	_ =	swait.ge [sflag:s31], $0x1000  }
0x5b: {  	[sflag:s31] =	ssyncset.done $0x0  }
0x5c: {  	s0 =	simm.s32 $0x380;
	s21 =	simm.s32 $0x800;
	[sflag:s31] =	ssyncadd.s32 $0xFFFFF000  }
.LBB2_4:
0x5d: {  	[tilespmem:s22], [sflag:$0x4] =	stream.indirect.gather [hbm4b:s11+s17], $0x20, s0, s17, $0xb8;
	[tilespmem:$0x13000] =	vst v63  }
0x5e: {  	s0 =	smov.u32 s21  }
0x5f: {  	p0 =	sne.s32 s21, $0x13000;
	s21 =	sadd.s32 $0x800, s21;
	_ =	swait.ge [sflag:s23], $0x1000  }
0x60: {  	s0 =	sshra.s32 s0, $0x2;
	[sflag:s23] =	ssyncset.done $0x0  }
0x61: {  	s2 =	sadd.s32 $0x5000, s0;
	[sflag:s23] =	ssyncadd.s32 $0xFFFFF000  }
0x62: {  	[spmem:s1] =	stream.indirect.scatter.add.bf16 [tilespmem:s14], [sflag:$0x5], $0x20, s2, s17, $0xb8;
	[tilespmem:$0x13000] =	vst v63  }
0x63: {  	_ =	swait.ge [sflag:s24], $0x1000  }
0x64: {  	[sflag:s24] =	ssyncset.done $0x0  }
0x65: {  	s2 =	sadd.s32 $0x5080, s0;
	[sflag:s24] =	ssyncadd.s32 $0xFFFFF000  }
0x66: {  	[spmem:s1] =	stream.indirect.scatter.add.bf16 [tilespmem:s18], [sflag:$0x6], $0x20, s2, s17, $0xb8;
	[tilespmem:$0x13000] =	vst v63  }
0x67: {  	_ =	swait.ge [sflag:s25], $0x1000  }
0x68: {  	[sflag:s25] =	ssyncset.done $0x0  }
0x69: {  	s2 =	sadd.s32 $0x5100, s0;
	[sflag:s25] =	ssyncadd.s32 $0xFFFFF000  }
0x6a: {  	[spmem:s1] =	stream.indirect.scatter.add.bf16 [tilespmem:s20], [sflag:$0x7], $0x20, s2, s17, $0xb8;
	[tilespmem:$0x13000] =	vst v63  }
0x6b: {  	_ =	swait.ge [sflag:s26], $0x1000  }
0x6c: {  	[sflag:s26] =	ssyncset.done $0x0  }
0x6d: {  	s2 =	sadd.s32 $0x5180, s0;
	[sflag:s26] =	ssyncadd.s32 $0xFFFFF000  }
0x6e: {  	[spmem:s1] =	stream.indirect.scatter.add.bf16 [tilespmem:s22], [sflag:$0x8], $0x20, s2, s17, $0xb8;
	[tilespmem:$0x13000] =	vst v63  }
0x6f: {  	_ =	swait.ge [sflag:s28], $0x1000  }
0x70: {  	[sflag:s28] =	ssyncset.done $0x0  }
0x71: {  	s2 =	sadd.s32 $0x200, s0;
	[sflag:s28] =	ssyncadd.s32 $0xFFFFF000  }
0x72: {  	[tilespmem:s14], [sflag:$0x1] =	stream.indirect.gather [hbm4b:s11+s17], $0x20, s2, s17, $0xb8;
	[tilespmem:$0x13000] =	vst v63  }
0x73: {  	_ =	swait.ge [sflag:s29], $0x1000  }
0x74: {  	[sflag:s29] =	ssyncset.done $0x0  }
0x75: {  	s2 =	sadd.s32 $0x280, s0;
	[sflag:s29] =	ssyncadd.s32 $0xFFFFF000  }
0x76: {  	[tilespmem:s18], [sflag:$0x2] =	stream.indirect.gather [hbm4b:s11+s17], $0x20, s2, s17, $0xb8;
	[tilespmem:$0x13000] =	vst v63  }
0x77: {  	_ =	swait.ge [sflag:s30], $0x1000  }
0x78: {  	[sflag:s30] =	ssyncset.done $0x0  }
.Ltmp1:
0x79: {  	s2 =	sadd.s32 $0x300, s0;
	[sflag:s30] =	ssyncadd.s32 $0xFFFFF000;
	(pc) =	sbr.rel @p0 .LBB2_4-.Ltmp1, $4  }
0x7a: {  	[tilespmem:s20], [sflag:$0x3] =	stream.indirect.gather [hbm4b:s11+s17], $0x20, s2, s17, $0xb8;
	[tilespmem:$0x13000] =	vst v63  }
0x7b: {  	_ =	swait.ge [sflag:s31], $0x1000  }
0x7c: {  	[sflag:s31] =	ssyncset.done $0x0  }
0x7d: {  	s0 =	sadd.s32 $0x380, s0;
	[sflag:s31] =	ssyncadd.s32 $0xFFFFF000  }
0x7e: {  	[tilespmem:s22], [sflag:$0x4] =	stream.indirect.gather [hbm4b:s11+s17], $0x20, s0, s17, $0xb8;
	[tilespmem:$0x13000] =	vst v63  }
0x7f: {  	_ =	swait.ge [sflag:s23], $0x1000  }
0x80: {  	[sflag:s23] =	ssyncset.done $0x0  }
0x81: {  	s21 =	simm.s32 $0x9E00;
	[sflag:s23] =	ssyncadd.s32 $0xFFFFF000  }
0x82: {  	[spmem:s1] =	stream.indirect.scatter.add.bf16 [tilespmem:s14], [sflag:$0x5], $0x20, s21, s17, $0xb8;
	[tilespmem:$0x13000] =	vst v63  }
0x83: {  	_ =	swait.ge [sflag:s24], $0x1000  }
0x84: {  	[sflag:s24] =	ssyncset.done $0x0  }
0x85: {  	s2 =	simm.s32 $0x9E80;
	[sflag:s24] =	ssyncadd.s32 $0xFFFFF000  }
0x86: {  	[spmem:s1] =	stream.indirect.scatter.add.bf16 [tilespmem:s18], [sflag:$0x6], $0x20, s2, s17, $0xb8;
	[tilespmem:$0x13000] =	vst v63  }
0x87: {  	_ =	swait.ge [sflag:s25], $0x1000  }
0x88: {  	[sflag:s25] =	ssyncset.done $0x0  }
0x89: {  	[sflag:s25] =	ssyncadd.s32 $0xFFFFF000  }
0x8a: {  	[spmem:s1] =	stream.indirect.scatter.add.bf16 [tilespmem:s20], [sflag:$0x7], $0x20, s16, s17, $0xb8;
	[tilespmem:$0x13000] =	vst v63  }
0x8b: {  	_ =	swait.ge [sflag:s26], $0x1000  }
0x8c: {  	[sflag:s26] =	ssyncset.done $0x0  }
0x8d: {  	[sflag:s26] =	ssyncadd.s32 $0xFFFFF000  }
0x8e: {  	[spmem:s1] =	stream.indirect.scatter.add.bf16 [tilespmem:s22], [sflag:$0x8], $0x20, s19, s17, $0xb8;
	[tilespmem:$0x13000] =	vst v63  }
0x8f: {  	_ =	swait.ge [sflag:s28], $0x1000  }
0x90: {  	[sflag:s28] =	ssyncset.done $0x0  }
0x91: {  	[sflag:s28] =	ssyncadd.s32 $0xFFFFF000  }
0x92: {  	_ =	swait.ge [sflag:s29], $0x1000  }
0x93: {  	[sflag:s29] =	ssyncset.done $0x0  }
0x94: {  	[sflag:s29] =	ssyncadd.s32 $0xFFFFF000  }
0x95: {  	_ =	swait.ge [sflag:s30], $0x1000  }
0x96: {  	[sflag:s30] =	ssyncset.done $0x0  }
0x97: {  	[sflag:s30] =	ssyncadd.s32 $0xFFFFF000  }
0x98: {  	s21 =	stileid.u32;
	_ =	swait.ge [sflag:s31], $0x1000  }
0x99: {  	s3 =	sadd.s32 $0x1, s3;
	s0 =	sshll.u32 s21, $0x6;
	[sflag:s31] =	ssyncset.done $0x0  }
0x9a: {  	p0 =	sne.s32 s3, s13;
	s0 =	sor.u32 $0x1C09, s0;
	[sflag:s31] =	ssyncadd.s32 $0xFFFFF000  }
.Ltmp2:
0x9b: {  	s2 =	sshrl.u32 s4, $0x3;
	[bflag:$0x0] =	sbarrier.arrive $0xFFFF;
	(pc) =	sbr.rel @p0 .LBB2_1-.Ltmp2, $4  }
0x9c: {  	[hbm:s12@s31], [sflag:s0] =	dma.strided [spmem:s2@s26], $0xA00, s23, $0x4   }
0x9d: {  	_ =	swait.ge [sflag:s15], $0xA00  }
0x9e: {  	[sflag:s15] =	ssyncset.done $0x0  }
0x9f: {  	[sflag:s15] =	ssyncadd.s32 $0xFFFFF600  }
0xa0: {  	_ =	sfence.sel $0x180000  }
0xa1: {  	[bflag:$0x0] =	sbarrier.arrive $0xFFFF  }
0xa2: {  	_ =	strace $0x9000004A  }
0xa3: {  	s0 =	stileid.u32;
	[bflag:$0x2] =	sbarrier.arrive $0xFFFF  }
0xa4: {  	p0 =	sne.s32 s0, $0x0;
	s0 =	rddreg [dreg:$0x3]  }
0xa5: {  	s0 =	sadd.s32 @!p0 $0x100000, s0  }
0xa6: {  	[sflag:s0] =	ssyncadd.tile.s32 @!p0 $0x1;
	_ =	shalt  }
.Lfunc_end2:
_tile_overlayer_lowered:
.L_overlay_start_2:
0xa7: {  	(tag) =	ssettag $0x2  }
0xa8: {  	s0 =	rddreg [dreg:$0x0];
	s2 =	stileid.u32  }
0xa9: {  	s1 =	rddreg [dreg:$0x1];
	p0 =	sne.s32 s2, $0x0  }
0xaa: {  	s3 =	rddreg [dreg:$0x2];
	[bflag:$0x3] =	sbarrier.arrive $0xFFFF;
	s2 =	simm.s32 @!p0 $0x1C09  }
0xab: {  	[timem:s3], [sflag:s2] =	dma.local @!p0 [hbm:s0], s1  }
0xac: {  	s0 =	simm.s32 @!p0 $0x9  }
0xad: {  	_ =	swait.ge @!p0 [sflag:s0], s1  }
0xae: {  	s1 =	ssub.s32 @!p0 $0x0, s1;
	[sflag:s0] =	ssyncset.done @!p0 $0x0  }
0xaf: {  	[sflag:s0] =	ssyncadd.s32 @!p0 s1  }
0xb0: {  	[bflag:$0x3] =	sbarrier.arrive $0xFFFF  }
0xb1: {  	_ =	shalt  }

</sc_bundles>
